<compile_context>
chip_gen: v7x
topology: tpu7x:2x2x1
jax: 0.10.2.dev20260603
libtpu: 0.0.44.dev20260713+nightly
codegen_flags: <defaults>
</compile_context>

<pallas_src>
import functools

import jax
import jax.numpy as jnp
from jax import lax
from jax.experimental import pallas as pl
from jax.experimental.pallas import tpu as pltpu
from jax.experimental.pallas import tpu_sc as plsc

NROWS = 1000000
BATCH = 16384
DIM = 32
NUM_CORES = 2
NUM_SUBCORES = 16
NUM_WORKERS = NUM_CORES * NUM_SUBCORES
BPW = BATCH // NUM_WORKERS
CHUNK = 128
NCHUNK = BPW // CHUNK
LANES = 16
LINE = 128
RPL = LINE // DIM
SECT = 1 << 18
SECT_MASK = SECT - 1
SECT_SHIFT = 18
NLINES = SECT
TL = 2048
TGRID = NLINES // TL


TAIL_START = NROWS - TL
REMAP_FROM = (TAIL_START // TL + 1) * TL
TAIL_BLOCK = (REMAP_FROM - 3 * SECT) // TL + 1
REMAP_DELTA = TAIL_START - TAIL_BLOCK * TL
LAST_SAFE = (NROWS - TL) // TL


def _tr(x):
    return jax.lax.dot_general(
        x, jnp.eye(DIM, dtype=jnp.float32), (((0,), (0,)), ((), ())),
        preferred_element_type=jnp.float32)


def _transpose_body(x0, x1, x2, x3, xt, y_ref):
    i = pl.program_id(0)
    for p, x in enumerate((x0, x1, x2)):
        y_ref[:, p * DIM:(p + 1) * DIM] = _tr(x[...])
    y_ref[:, 3 * DIM:4 * DIM] = jnp.where(
        i == TAIL_BLOCK, _tr(xt[...]), _tr(x3[...]))


def _tc_relayout(table_t):
    tail_t = table_t[:, TAIL_START:]
    specs = [
        pl.BlockSpec((DIM, TL), functools.partial(
            lambda p, i: (0, (p * SECT) // TL + i), p))
        for p in range(3)
    ]
    specs.append(pl.BlockSpec(
        (DIM, TL), lambda i: (0, jnp.minimum((3 * SECT) // TL + i,
                                             LAST_SAFE))))
    specs.append(pl.BlockSpec((DIM, TL), lambda i: (0, 0)))
    return pl.pallas_call(
        _transpose_body,
        grid=(TGRID,),
        in_specs=specs,
        out_specs=pl.BlockSpec((TL, LINE), lambda i: (i, 0)),
        out_shape=jax.ShapeDtypeStruct((NLINES, LINE), jnp.float32),
    )(table_t, table_t, table_t, table_t, tail_t)


def _relmf_body(users_hbm, items_hbm, uemb_hbm, iemb_hbm,
                u_out, i_out, r_out,
                uidx_v, iidx_v, ulin_v, ilin_v,
                lines, u_cols, i_cols, r_v, sem):
    wid = lax.axis_index("s") * NUM_CORES + lax.axis_index("c")
    base = wid * BPW

    for j in range(NCHUNK):
        pltpu.sync_copy(users_hbm.at[pl.ds(base + j * CHUNK, CHUNK)],
                        uidx_v.at[j])
        pltpu.sync_copy(items_hbm.at[pl.ds(base + j * CHUNK, CHUNK)],
                        iidx_v.at[j])

    def lin(j, carry):
        for k in range(CHUNK // LANES):
            s = pl.ds(k * LANES, LANES)
            for idxv, linv in ((uidx_v, ulin_v), (iidx_v, ilin_v)):
                v = idxv[j, s]
                linv[j, s] = jnp.where(v >= REMAP_FROM,
                                       v - REMAP_DELTA, v & SECT_MASK)
        return carry

    lax.fori_loop(0, NCHUNK, lin, 0)

    rows0 = lax.iota(jnp.int32, LANES)

    def gather_lines(lin_ref, table_hbm):
        copies = [
            pltpu.async_copy(table_hbm.at[lin_ref.at[j]],
                             lines.at[pl.ds(j * CHUNK, CHUNK)], sem)
            for j in range(NCHUNK)
        ]
        for c in copies:
            c.wait()

    gather_lines(ulin_v, uemb_hbm)

    def u_group(g, carry):
        j, q0 = g // (CHUNK // LANES), (g % (CHUNK // LANES)) * LANES
        rows = rows0 + g * LANES
        s = pl.ds(pl.multiple_of(g * LANES, LANES), LANES)
        ofs = lax.shift_right_logical(
            uidx_v[j, pl.ds(q0, LANES)], SECT_SHIFT) * DIM
        for d in range(DIM):
            u_cols[d, s] = plsc.load_gather(lines, [rows, ofs + d])
        return carry

    lax.fori_loop(0, BPW // LANES, u_group, 0)

    gather_lines(ilin_v, iemb_hbm)

    def i_group(g, carry):
        j, q0 = g // (CHUNK // LANES), (g % (CHUNK // LANES)) * LANES
        rows = rows0 + g * LANES
        s = pl.ds(pl.multiple_of(g * LANES, LANES), LANES)
        ofs = lax.shift_right_logical(
            iidx_v[j, pl.ds(q0, LANES)], SECT_SHIFT) * DIM
        acc = jnp.zeros((LANES,), jnp.float32)
        for d in range(DIM):
            ic = plsc.load_gather(lines, [rows, ofs + d])
            i_cols[d, s] = ic
            acc = acc + u_cols[d, s] * ic
        r_v[s] = acc
        return carry

    lax.fori_loop(0, BPW // LANES, i_group, 0)

    for k in range(DIM // 8):
        pltpu.sync_copy(u_cols.at[pl.ds(k * 8, 8)],
                        u_out.at[pl.ds(k * 8, 8), pl.ds(base, BPW)])
        pltpu.sync_copy(i_cols.at[pl.ds(k * 8, 8)],
                        i_out.at[pl.ds(k * 8, 8), pl.ds(base, BPW)])
    pltpu.sync_copy(r_v, r_out.at[pl.ds(base, BPW)])


_relmf_sc = functools.partial(
    pl.kernel,
    out_type=(
        jax.ShapeDtypeStruct((DIM, BATCH), jnp.float32),
        jax.ShapeDtypeStruct((DIM, BATCH), jnp.float32),
        jax.ShapeDtypeStruct((BATCH,), jnp.float32),
    ),
    mesh=plsc.VectorSubcoreMesh(core_axis_name="c", subcore_axis_name="s"),
    compiler_params=pltpu.CompilerParams(needs_layout_passes=False),
    scratch_types=[
        pltpu.VMEM((NCHUNK, CHUNK), jnp.int32),
        pltpu.VMEM((NCHUNK, CHUNK), jnp.int32),
        pltpu.VMEM((NCHUNK, CHUNK), jnp.int32),
        pltpu.VMEM((NCHUNK, CHUNK), jnp.int32),
        pltpu.VMEM((BPW, LINE), jnp.float32),
        pltpu.VMEM((DIM, BPW), jnp.float32),
        pltpu.VMEM((DIM, BPW), jnp.float32),
        pltpu.VMEM((BPW,), jnp.float32),
        pltpu.SemaphoreType.DMA,
    ],
)(_relmf_body)


def kernel(users, items, user_embeddings, item_embeddings):
    u_tab = _tc_relayout(user_embeddings.T)
    i_tab = _tc_relayout(item_embeddings.T)
    u_t, i_t, r_hats = _relmf_sc(users, items, u_tab, i_tab)
    return (u_t.T, i_t.T, r_hats)

# --- scband reference (transcript-rebuilt; emitter-appended) ---
"""Pipeline reference for scband-rel-mf-26620207301019 (READ-ONLY COPY).

The authoritative reference and input builder live on the scoring server;
editing this copy changes nothing except your own understanding.
"""

import jax, jax.numpy as jnp
import numpy as np

NUM_USERS = 1000000
NUM_ITEMS = 1000000
DIM = 32
BATCH = 16384


def setup_inputs(seed: int = 0) -> dict:
    key = jax.random.key(seed)
    k1, k2, k3, k4 = jax.random.split(key, 4)
    users = jax.random.randint(k1, (BATCH,), 0, NUM_USERS, dtype=jnp.int32)
    items = jax.random.randint(k2, (BATCH,), 0, NUM_ITEMS, dtype=jnp.int32)
    # learned parameters (U_init / V_init in the original model, here random stand-ins
    # for the SVD-based initialization)
    user_embeddings = jax.random.normal(k3, (NUM_USERS, DIM), dtype=jnp.float32) * 0.01
    item_embeddings = jax.random.normal(k4, (NUM_ITEMS, DIM), dtype=jnp.float32) * 0.01
    return {
        "users": users,
        "items": items,
        "user_embeddings": user_embeddings,
        "item_embeddings": item_embeddings,
    }


def reference(users, items, user_embeddings, item_embeddings):
    # tf.nn.embedding_lookup -> jnp.take along axis 0
    u_embed = jnp.take(user_embeddings, users, axis=0)
    i_embed = jnp.take(item_embeddings, items, axis=0)
    # tf.reduce_sum(u * i, 1)
    r_hats = jnp.sum(u_embed * i_embed, axis=1)
    return (u_embed, i_embed, r_hats)

if __name__ == "__main__":
    import jax
    _d = setup_inputs()
    print(jax.jit(kernel)(*tuple(_d.values())))

</pallas_src>

<mosaic_0001>
#map = affine_map<(d0, d1) -> (0)>
#map1 = affine_map<(d0, d1) -> (0, 0)>
module attributes {stable_mosaic.version = 14 : i64} {
  func.func @_relmf_body(%arg0: i32, %arg1: i32, %arg2: memref<16384xi32, #tpu.memory_space<hbm>>, %arg3: memref<16384xi32, #tpu.memory_space<hbm>>, %arg4: memref<262144x128xf32, #tpu.memory_space<hbm>>, %arg5: memref<262144x128xf32, #tpu.memory_space<hbm>>, %arg6: memref<32x16384xf32, #tpu.memory_space<hbm>>, %arg7: memref<32x16384xf32, #tpu.memory_space<hbm>>, %arg8: memref<16384xf32, #tpu.memory_space<hbm>>, %arg9: memref<4x128xi32, #tpu.memory_space<vmem>>, %arg10: memref<4x128xi32, #tpu.memory_space<vmem>>, %arg11: memref<4x128xi32, #tpu.memory_space<vmem>>, %arg12: memref<4x128xi32, #tpu.memory_space<vmem>>, %arg13: memref<512x128xf32, #tpu.memory_space<vmem>>, %arg14: memref<32x512xf32, #tpu.memory_space<vmem>>, %arg15: memref<32x512xf32, #tpu.memory_space<vmem>>, %arg16: memref<512xf32, #tpu.memory_space<vmem>>, %arg17: memref<!tpu.dma_semaphore, #tpu.memory_space<semaphore_mem>>) attributes {dimension_semantics = [#tpu.dimension_semantics<core_parallel>, #tpu.dimension_semantics<subcore_parallel>], iteration_bounds = array<i64: 2, 16>, scalar_prefetch = 0 : i64, scratch_operands = 9 : i64, tpu.core_type = #tpu.core_type<sc_vector_subcore>, window_params = [{transform_indices = #map}, {transform_indices = #map}, {transform_indices = #map1}, {transform_indices = #map1}, {transform_indices = #map1}, {transform_indices = #map1}, {transform_indices = #map}]} {
    %mul3A = arith.constant 2 : i32
    %mul3A_0 = arith.muli %arg1, %mul3A : i32
    %add3A = arith.addi %mul3A_0, %arg0 : i32
    %mul3A_1 = arith.constant 512 : i32
    %mul3A_2 = arith.muli %add3A, %mul3A_1 : i32
    %add3A_3 = arith.constant 0 : i32
    %add3A_4 = arith.addi %mul3A_2, %add3A_3 : i32
    %run_scoped3A = arith.constant 0 : i32
    "tpu.region"() ({
      %run_scoped3A_201 = tpu.sem_alloc : memref<!tpu.dma_semaphore, #tpu.memory_space<semaphore_mem>>
      %dma_start3A_202 = arith.constant 0 : i32
      %dma_start3A_203 = tpu.memref_slice %arg9[%run_scoped3A, %dma_start3A_202] : memref<4x128xi32, #tpu.memory_space<vmem>> -> memref<1x128xi32, #tpu.memory_space<vmem>>
      %dma_start3A_204 = tpu.memref_squeeze %dma_start3A_203 : memref<1x128xi32, #tpu.memory_space<vmem>> -> memref<128xi32, #tpu.memory_space<vmem>>
      %dma_start3A_205 = tpu.memref_slice %arg2[%add3A_4] : memref<16384xi32, #tpu.memory_space<hbm>> -> memref<128xi32, #tpu.memory_space<hbm>>
      %dma_start3A_206 = arith.constant 0 : i32
      %dma_start3A_207 = tpu.memref_slice %arg9[%run_scoped3A, %dma_start3A_206] : memref<4x128xi32, #tpu.memory_space<vmem>> -> memref<1x128xi32, #tpu.memory_space<vmem>>
      %dma_start3A_208 = tpu.memref_squeeze %dma_start3A_207 : memref<1x128xi32, #tpu.memory_space<vmem>> -> memref<128xi32, #tpu.memory_space<vmem>>
      %dma_start3A_209 = tpu.memref_slice %arg2[%add3A_4] : memref<16384xi32, #tpu.memory_space<hbm>> -> memref<128xi32, #tpu.memory_space<hbm>>
      tpu.enqueue_dma source(%dma_start3A_209 : memref<128xi32, #tpu.memory_space<hbm>>) target(%dma_start3A_208 : memref<128xi32, #tpu.memory_space<vmem>>) target_semaphore(%run_scoped3A_201 : memref<!tpu.dma_semaphore, #tpu.memory_space<semaphore_mem>>)
      %dma_wait3A_210 = arith.constant 0 : i32
      %dma_wait3A_211 = tpu.memref_slice %arg9[%run_scoped3A, %dma_wait3A_210] : memref<4x128xi32, #tpu.memory_space<vmem>> -> memref<1x128xi32, #tpu.memory_space<vmem>>
      %dma_wait3A_212 = tpu.memref_squeeze %dma_wait3A_211 : memref<1x128xi32, #tpu.memory_space<vmem>> -> memref<128xi32, #tpu.memory_space<vmem>>
      %dma_wait3A_213 = tpu.memref_slice %arg2[%add3A_4] : memref<16384xi32, #tpu.memory_space<hbm>> -> memref<128xi32, #tpu.memory_space<hbm>>
      %dma_wait3A_214 = arith.constant 0 : i32
      %dma_wait3A_215 = tpu.memref_slice %arg9[%run_scoped3A, %dma_wait3A_214] : memref<4x128xi32, #tpu.memory_space<vmem>> -> memref<1x128xi32, #tpu.memory_space<vmem>>
      %dma_wait3A_216 = tpu.memref_squeeze %dma_wait3A_215 : memref<1x128xi32, #tpu.memory_space<vmem>> -> memref<128xi32, #tpu.memory_space<vmem>>
      %dma_wait3A_217 = tpu.memref_slice %arg2[%add3A_4] : memref<16384xi32, #tpu.memory_space<hbm>> -> memref<128xi32, #tpu.memory_space<hbm>>
      tpu.wait_dma2 semaphore(%run_scoped3A_201 : memref<!tpu.dma_semaphore, #tpu.memory_space<semaphore_mem>>) src(%dma_wait3A_217 : memref<128xi32, #tpu.memory_space<hbm>>) dst(%dma_wait3A_216 : memref<128xi32, #tpu.memory_space<vmem>>)
      tpu.yield
    }) : () -> ()
    %add3A_5 = arith.constant 0 : i32
    %add3A_6 = arith.addi %mul3A_2, %add3A_5 : i32
    %run_scoped3A_7 = arith.constant 0 : i32
    "tpu.region"() ({
      %run_scoped3A_201 = tpu.sem_alloc : memref<!tpu.dma_semaphore, #tpu.memory_space<semaphore_mem>>
      %dma_start3A_202 = arith.constant 0 : i32
      %dma_start3A_203 = tpu.memref_slice %arg10[%run_scoped3A_7, %dma_start3A_202] : memref<4x128xi32, #tpu.memory_space<vmem>> -> memref<1x128xi32, #tpu.memory_space<vmem>>
      %dma_start3A_204 = tpu.memref_squeeze %dma_start3A_203 : memref<1x128xi32, #tpu.memory_space<vmem>> -> memref<128xi32, #tpu.memory_space<vmem>>
      %dma_start3A_205 = tpu.memref_slice %arg3[%add3A_6] : memref<16384xi32, #tpu.memory_space<hbm>> -> memref<128xi32, #tpu.memory_space<hbm>>
      %dma_start3A_206 = arith.constant 0 : i32
      %dma_start3A_207 = tpu.memref_slice %arg10[%run_scoped3A_7, %dma_start3A_206] : memref<4x128xi32, #tpu.memory_space<vmem>> -> memref<1x128xi32, #tpu.memory_space<vmem>>
      %dma_start3A_208 = tpu.memref_squeeze %dma_start3A_207 : memref<1x128xi32, #tpu.memory_space<vmem>> -> memref<128xi32, #tpu.memory_space<vmem>>
      %dma_start3A_209 = tpu.memref_slice %arg3[%add3A_6] : memref<16384xi32, #tpu.memory_space<hbm>> -> memref<128xi32, #tpu.memory_space<hbm>>
      tpu.enqueue_dma source(%dma_start3A_209 : memref<128xi32, #tpu.memory_space<hbm>>) target(%dma_start3A_208 : memref<128xi32, #tpu.memory_space<vmem>>) target_semaphore(%run_scoped3A_201 : memref<!tpu.dma_semaphore, #tpu.memory_space<semaphore_mem>>)
      %dma_wait3A_210 = arith.constant 0 : i32
      %dma_wait3A_211 = tpu.memref_slice %arg10[%run_scoped3A_7, %dma_wait3A_210] : memref<4x128xi32, #tpu.memory_space<vmem>> -> memref<1x128xi32, #tpu.memory_space<vmem>>
      %dma_wait3A_212 = tpu.memref_squeeze %dma_wait3A_211 : memref<1x128xi32, #tpu.memory_space<vmem>> -> memref<128xi32, #tpu.memory_space<vmem>>
      %dma_wait3A_213 = tpu.memref_slice %arg3[%add3A_6] : memref<16384xi32, #tpu.memory_space<hbm>> -> memref<128xi32, #tpu.memory_space<hbm>>
      %dma_wait3A_214 = arith.constant 0 : i32
      %dma_wait3A_215 = tpu.memref_slice %arg10[%run_scoped3A_7, %dma_wait3A_214] : memref<4x128xi32, #tpu.memory_space<vmem>> -> memref<1x128xi32, #tpu.memory_space<vmem>>
      %dma_wait3A_216 = tpu.memref_squeeze %dma_wait3A_215 : memref<1x128xi32, #tpu.memory_space<vmem>> -> memref<128xi32, #tpu.memory_space<vmem>>
      %dma_wait3A_217 = tpu.memref_slice %arg3[%add3A_6] : memref<16384xi32, #tpu.memory_space<hbm>> -> memref<128xi32, #tpu.memory_space<hbm>>
      tpu.wait_dma2 semaphore(%run_scoped3A_201 : memref<!tpu.dma_semaphore, #tpu.memory_space<semaphore_mem>>) src(%dma_wait3A_217 : memref<128xi32, #tpu.memory_space<hbm>>) dst(%dma_wait3A_216 : memref<128xi32, #tpu.memory_space<vmem>>)
      tpu.yield
    }) : () -> ()
    %add3A_8 = arith.constant 128 : i32
    %add3A_9 = arith.addi %mul3A_2, %add3A_8 : i32
    %run_scoped3A_10 = arith.constant 1 : i32
    "tpu.region"() ({
      %run_scoped3A_201 = tpu.sem_alloc : memref<!tpu.dma_semaphore, #tpu.memory_space<semaphore_mem>>
      %dma_start3A_202 = arith.constant 0 : i32
      %dma_start3A_203 = tpu.memref_slice %arg9[%run_scoped3A_10, %dma_start3A_202] : memref<4x128xi32, #tpu.memory_space<vmem>> -> memref<1x128xi32, #tpu.memory_space<vmem>>
      %dma_start3A_204 = tpu.memref_squeeze %dma_start3A_203 : memref<1x128xi32, #tpu.memory_space<vmem>> -> memref<128xi32, #tpu.memory_space<vmem>>
      %dma_start3A_205 = tpu.memref_slice %arg2[%add3A_9] : memref<16384xi32, #tpu.memory_space<hbm>> -> memref<128xi32, #tpu.memory_space<hbm>>
      %dma_start3A_206 = arith.constant 0 : i32
      %dma_start3A_207 = tpu.memref_slice %arg9[%run_scoped3A_10, %dma_start3A_206] : memref<4x128xi32, #tpu.memory_space<vmem>> -> memref<1x128xi32, #tpu.memory_space<vmem>>
      %dma_start3A_208 = tpu.memref_squeeze %dma_start3A_207 : memref<1x128xi32, #tpu.memory_space<vmem>> -> memref<128xi32, #tpu.memory_space<vmem>>
      %dma_start3A_209 = tpu.memref_slice %arg2[%add3A_9] : memref<16384xi32, #tpu.memory_space<hbm>> -> memref<128xi32, #tpu.memory_space<hbm>>
      tpu.enqueue_dma source(%dma_start3A_209 : memref<128xi32, #tpu.memory_space<hbm>>) target(%dma_start3A_208 : memref<128xi32, #tpu.memory_space<vmem>>) target_semaphore(%run_scoped3A_201 : memref<!tpu.dma_semaphore, #tpu.memory_space<semaphore_mem>>)
      %dma_wait3A_210 = arith.constant 0 : i32
      %dma_wait3A_211 = tpu.memref_slice %arg9[%run_scoped3A_10, %dma_wait3A_210] : memref<4x128xi32, #tpu.memory_space<vmem>> -> memref<1x128xi32, #tpu.memory_space<vmem>>
      %dma_wait3A_212 = tpu.memref_squeeze %dma_wait3A_211 : memref<1x128xi32, #tpu.memory_space<vmem>> -> memref<128xi32, #tpu.memory_space<vmem>>
      %dma_wait3A_213 = tpu.memref_slice %arg2[%add3A_9] : memref<16384xi32, #tpu.memory_space<hbm>> -> memref<128xi32, #tpu.memory_space<hbm>>
      %dma_wait3A_214 = arith.constant 0 : i32
      %dma_wait3A_215 = tpu.memref_slice %arg9[%run_scoped3A_10, %dma_wait3A_214] : memref<4x128xi32, #tpu.memory_space<vmem>> -> memref<1x128xi32, #tpu.memory_space<vmem>>
      %dma_wait3A_216 = tpu.memref_squeeze %dma_wait3A_215 : memref<1x128xi32, #tpu.memory_space<vmem>> -> memref<128xi32, #tpu.memory_space<vmem>>
      %dma_wait3A_217 = tpu.memref_slice %arg2[%add3A_9] : memref<16384xi32, #tpu.memory_space<hbm>> -> memref<128xi32, #tpu.memory_space<hbm>>
      tpu.wait_dma2 semaphore(%run_scoped3A_201 : memref<!tpu.dma_semaphore, #tpu.memory_space<semaphore_mem>>) src(%dma_wait3A_217 : memref<128xi32, #tpu.memory_space<hbm>>) dst(%dma_wait3A_216 : memref<128xi32, #tpu.memory_space<vmem>>)
      tpu.yield
    }) : () -> ()
    %add3A_11 = arith.constant 128 : i32
    %add3A_12 = arith.addi %mul3A_2, %add3A_11 : i32
    %run_scoped3A_13 = arith.constant 1 : i32
    "tpu.region"() ({
      %run_scoped3A_201 = tpu.sem_alloc : memref<!tpu.dma_semaphore, #tpu.memory_space<semaphore_mem>>
      %dma_start3A_202 = arith.constant 0 : i32
      %dma_start3A_203 = tpu.memref_slice %arg10[%run_scoped3A_13, %dma_start3A_202] : memref<4x128xi32, #tpu.memory_space<vmem>> -> memref<1x128xi32, #tpu.memory_space<vmem>>
      %dma_start3A_204 = tpu.memref_squeeze %dma_start3A_203 : memref<1x128xi32, #tpu.memory_space<vmem>> -> memref<128xi32, #tpu.memory_space<vmem>>
      %dma_start3A_205 = tpu.memref_slice %arg3[%add3A_12] : memref<16384xi32, #tpu.memory_space<hbm>> -> memref<128xi32, #tpu.memory_space<hbm>>
      %dma_start3A_206 = arith.constant 0 : i32
      %dma_start3A_207 = tpu.memref_slice %arg10[%run_scoped3A_13, %dma_start3A_206] : memref<4x128xi32, #tpu.memory_space<vmem>> -> memref<1x128xi32, #tpu.memory_space<vmem>>
      %dma_start3A_208 = tpu.memref_squeeze %dma_start3A_207 : memref<1x128xi32, #tpu.memory_space<vmem>> -> memref<128xi32, #tpu.memory_space<vmem>>
      %dma_start3A_209 = tpu.memref_slice %arg3[%add3A_12] : memref<16384xi32, #tpu.memory_space<hbm>> -> memref<128xi32, #tpu.memory_space<hbm>>
      tpu.enqueue_dma source(%dma_start3A_209 : memref<128xi32, #tpu.memory_space<hbm>>) target(%dma_start3A_208 : memref<128xi32, #tpu.memory_space<vmem>>) target_semaphore(%run_scoped3A_201 : memref<!tpu.dma_semaphore, #tpu.memory_space<semaphore_mem>>)
      %dma_wait3A_210 = arith.constant 0 : i32
      %dma_wait3A_211 = tpu.memref_slice %arg10[%run_scoped3A_13, %dma_wait3A_210] : memref<4x128xi32, #tpu.memory_space<vmem>> -> memref<1x128xi32, #tpu.memory_space<vmem>>
      %dma_wait3A_212 = tpu.memref_squeeze %dma_wait3A_211 : memref<1x128xi32, #tpu.memory_space<vmem>> -> memref<128xi32, #tpu.memory_space<vmem>>
      %dma_wait3A_213 = tpu.memref_slice %arg3[%add3A_12] : memref<16384xi32, #tpu.memory_space<hbm>> -> memref<128xi32, #tpu.memory_space<hbm>>
      %dma_wait3A_214 = arith.constant 0 : i32
      %dma_wait3A_215 = tpu.memref_slice %arg10[%run_scoped3A_13, %dma_wait3A_214] : memref<4x128xi32, #tpu.memory_space<vmem>> -> memref<1x128xi32, #tpu.memory_space<vmem>>
      %dma_wait3A_216 = tpu.memref_squeeze %dma_wait3A_215 : memref<1x128xi32, #tpu.memory_space<vmem>> -> memref<128xi32, #tpu.memory_space<vmem>>
      %dma_wait3A_217 = tpu.memref_slice %arg3[%add3A_12] : memref<16384xi32, #tpu.memory_space<hbm>> -> memref<128xi32, #tpu.memory_space<hbm>>
      tpu.wait_dma2 semaphore(%run_scoped3A_201 : memref<!tpu.dma_semaphore, #tpu.memory_space<semaphore_mem>>) src(%dma_wait3A_217 : memref<128xi32, #tpu.memory_space<hbm>>) dst(%dma_wait3A_216 : memref<128xi32, #tpu.memory_space<vmem>>)
      tpu.yield
    }) : () -> ()
    %add3A_14 = arith.constant 256 : i32
    %add3A_15 = arith.addi %mul3A_2, %add3A_14 : i32
    %run_scoped3A_16 = arith.constant 2 : i32
    "tpu.region"() ({
      %run_scoped3A_201 = tpu.sem_alloc : memref<!tpu.dma_semaphore, #tpu.memory_space<semaphore_mem>>
      %dma_start3A_202 = arith.constant 0 : i32
      %dma_start3A_203 = tpu.memref_slice %arg9[%run_scoped3A_16, %dma_start3A_202] : memref<4x128xi32, #tpu.memory_space<vmem>> -> memref<1x128xi32, #tpu.memory_space<vmem>>
      %dma_start3A_204 = tpu.memref_squeeze %dma_start3A_203 : memref<1x128xi32, #tpu.memory_space<vmem>> -> memref<128xi32, #tpu.memory_space<vmem>>
      %dma_start3A_205 = tpu.memref_slice %arg2[%add3A_15] : memref<16384xi32, #tpu.memory_space<hbm>> -> memref<128xi32, #tpu.memory_space<hbm>>
      %dma_start3A_206 = arith.constant 0 : i32
      %dma_start3A_207 = tpu.memref_slice %arg9[%run_scoped3A_16, %dma_start3A_206] : memref<4x128xi32, #tpu.memory_space<vmem>> -> memref<1x128xi32, #tpu.memory_space<vmem>>
      %dma_start3A_208 = tpu.memref_squeeze %dma_start3A_207 : memref<1x128xi32, #tpu.memory_space<vmem>> -> memref<128xi32, #tpu.memory_space<vmem>>
      %dma_start3A_209 = tpu.memref_slice %arg2[%add3A_15] : memref<16384xi32, #tpu.memory_space<hbm>> -> memref<128xi32, #tpu.memory_space<hbm>>
      tpu.enqueue_dma source(%dma_start3A_209 : memref<128xi32, #tpu.memory_space<hbm>>) target(%dma_start3A_208 : memref<128xi32, #tpu.memory_space<vmem>>) target_semaphore(%run_scoped3A_201 : memref<!tpu.dma_semaphore, #tpu.memory_space<semaphore_mem>>)
      %dma_wait3A_210 = arith.constant 0 : i32
      %dma_wait3A_211 = tpu.memref_slice %arg9[%run_scoped3A_16, %dma_wait3A_210] : memref<4x128xi32, #tpu.memory_space<vmem>> -> memref<1x128xi32, #tpu.memory_space<vmem>>
      %dma_wait3A_212 = tpu.memref_squeeze %dma_wait3A_211 : memref<1x128xi32, #tpu.memory_space<vmem>> -> memref<128xi32, #tpu.memory_space<vmem>>
      %dma_wait3A_213 = tpu.memref_slice %arg2[%add3A_15] : memref<16384xi32, #tpu.memory_space<hbm>> -> memref<128xi32, #tpu.memory_space<hbm>>
      %dma_wait3A_214 = arith.constant 0 : i32
      %dma_wait3A_215 = tpu.memref_slice %arg9[%run_scoped3A_16, %dma_wait3A_214] : memref<4x128xi32, #tpu.memory_space<vmem>> -> memref<1x128xi32, #tpu.memory_space<vmem>>
      %dma_wait3A_216 = tpu.memref_squeeze %dma_wait3A_215 : memref<1x128xi32, #tpu.memory_space<vmem>> -> memref<128xi32, #tpu.memory_space<vmem>>
      %dma_wait3A_217 = tpu.memref_slice %arg2[%add3A_15] : memref<16384xi32, #tpu.memory_space<hbm>> -> memref<128xi32, #tpu.memory_space<hbm>>
      tpu.wait_dma2 semaphore(%run_scoped3A_201 : memref<!tpu.dma_semaphore, #tpu.memory_space<semaphore_mem>>) src(%dma_wait3A_217 : memref<128xi32, #tpu.memory_space<hbm>>) dst(%dma_wait3A_216 : memref<128xi32, #tpu.memory_space<vmem>>)
      tpu.yield
    }) : () -> ()
    %add3A_17 = arith.constant 256 : i32
    %add3A_18 = arith.addi %mul3A_2, %add3A_17 : i32
    %run_scoped3A_19 = arith.constant 2 : i32
    "tpu.region"() ({
      %run_scoped3A_201 = tpu.sem_alloc : memref<!tpu.dma_semaphore, #tpu.memory_space<semaphore_mem>>
      %dma_start3A_202 = arith.constant 0 : i32
      %dma_start3A_203 = tpu.memref_slice %arg10[%run_scoped3A_19, %dma_start3A_202] : memref<4x128xi32, #tpu.memory_space<vmem>> -> memref<1x128xi32, #tpu.memory_space<vmem>>
      %dma_start3A_204 = tpu.memref_squeeze %dma_start3A_203 : memref<1x128xi32, #tpu.memory_space<vmem>> -> memref<128xi32, #tpu.memory_space<vmem>>
      %dma_start3A_205 = tpu.memref_slice %arg3[%add3A_18] : memref<16384xi32, #tpu.memory_space<hbm>> -> memref<128xi32, #tpu.memory_space<hbm>>
      %dma_start3A_206 = arith.constant 0 : i32
      %dma_start3A_207 = tpu.memref_slice %arg10[%run_scoped3A_19, %dma_start3A_206] : memref<4x128xi32, #tpu.memory_space<vmem>> -> memref<1x128xi32, #tpu.memory_space<vmem>>
      %dma_start3A_208 = tpu.memref_squeeze %dma_start3A_207 : memref<1x128xi32, #tpu.memory_space<vmem>> -> memref<128xi32, #tpu.memory_space<vmem>>
      %dma_start3A_209 = tpu.memref_slice %arg3[%add3A_18] : memref<16384xi32, #tpu.memory_space<hbm>> -> memref<128xi32, #tpu.memory_space<hbm>>
      tpu.enqueue_dma source(%dma_start3A_209 : memref<128xi32, #tpu.memory_space<hbm>>) target(%dma_start3A_208 : memref<128xi32, #tpu.memory_space<vmem>>) target_semaphore(%run_scoped3A_201 : memref<!tpu.dma_semaphore, #tpu.memory_space<semaphore_mem>>)
      %dma_wait3A_210 = arith.constant 0 : i32
      %dma_wait3A_211 = tpu.memref_slice %arg10[%run_scoped3A_19, %dma_wait3A_210] : memref<4x128xi32, #tpu.memory_space<vmem>> -> memref<1x128xi32, #tpu.memory_space<vmem>>
      %dma_wait3A_212 = tpu.memref_squeeze %dma_wait3A_211 : memref<1x128xi32, #tpu.memory_space<vmem>> -> memref<128xi32, #tpu.memory_space<vmem>>
      %dma_wait3A_213 = tpu.memref_slice %arg3[%add3A_18] : memref<16384xi32, #tpu.memory_space<hbm>> -> memref<128xi32, #tpu.memory_space<hbm>>
      %dma_wait3A_214 = arith.constant 0 : i32
      %dma_wait3A_215 = tpu.memref_slice %arg10[%run_scoped3A_19, %dma_wait3A_214] : memref<4x128xi32, #tpu.memory_space<vmem>> -> memref<1x128xi32, #tpu.memory_space<vmem>>
      %dma_wait3A_216 = tpu.memref_squeeze %dma_wait3A_215 : memref<1x128xi32, #tpu.memory_space<vmem>> -> memref<128xi32, #tpu.memory_space<vmem>>
      %dma_wait3A_217 = tpu.memref_slice %arg3[%add3A_18] : memref<16384xi32, #tpu.memory_space<hbm>> -> memref<128xi32, #tpu.memory_space<hbm>>
      tpu.wait_dma2 semaphore(%run_scoped3A_201 : memref<!tpu.dma_semaphore, #tpu.memory_space<semaphore_mem>>) src(%dma_wait3A_217 : memref<128xi32, #tpu.memory_space<hbm>>) dst(%dma_wait3A_216 : memref<128xi32, #tpu.memory_space<vmem>>)
      tpu.yield
    }) : () -> ()
    %add3A_20 = arith.constant 384 : i32
    %add3A_21 = arith.addi %mul3A_2, %add3A_20 : i32
    %run_scoped3A_22 = arith.constant 3 : i32
    "tpu.region"() ({
      %run_scoped3A_201 = tpu.sem_alloc : memref<!tpu.dma_semaphore, #tpu.memory_space<semaphore_mem>>
      %dma_start3A_202 = arith.constant 0 : i32
      %dma_start3A_203 = tpu.memref_slice %arg9[%run_scoped3A_22, %dma_start3A_202] : memref<4x128xi32, #tpu.memory_space<vmem>> -> memref<1x128xi32, #tpu.memory_space<vmem>>
      %dma_start3A_204 = tpu.memref_squeeze %dma_start3A_203 : memref<1x128xi32, #tpu.memory_space<vmem>> -> memref<128xi32, #tpu.memory_space<vmem>>
      %dma_start3A_205 = tpu.memref_slice %arg2[%add3A_21] : memref<16384xi32, #tpu.memory_space<hbm>> -> memref<128xi32, #tpu.memory_space<hbm>>
      %dma_start3A_206 = arith.constant 0 : i32
      %dma_start3A_207 = tpu.memref_slice %arg9[%run_scoped3A_22, %dma_start3A_206] : memref<4x128xi32, #tpu.memory_space<vmem>> -> memref<1x128xi32, #tpu.memory_space<vmem>>
      %dma_start3A_208 = tpu.memref_squeeze %dma_start3A_207 : memref<1x128xi32, #tpu.memory_space<vmem>> -> memref<128xi32, #tpu.memory_space<vmem>>
      %dma_start3A_209 = tpu.memref_slice %arg2[%add3A_21] : memref<16384xi32, #tpu.memory_space<hbm>> -> memref<128xi32, #tpu.memory_space<hbm>>
      tpu.enqueue_dma source(%dma_start3A_209 : memref<128xi32, #tpu.memory_space<hbm>>) target(%dma_start3A_208 : memref<128xi32, #tpu.memory_space<vmem>>) target_semaphore(%run_scoped3A_201 : memref<!tpu.dma_semaphore, #tpu.memory_space<semaphore_mem>>)
      %dma_wait3A_210 = arith.constant 0 : i32
      %dma_wait3A_211 = tpu.memref_slice %arg9[%run_scoped3A_22, %dma_wait3A_210] : memref<4x128xi32, #tpu.memory_space<vmem>> -> memref<1x128xi32, #tpu.memory_space<vmem>>
      %dma_wait3A_212 = tpu.memref_squeeze %dma_wait3A_211 : memref<1x128xi32, #tpu.memory_space<vmem>> -> memref<128xi32, #tpu.memory_space<vmem>>
      %dma_wait3A_213 = tpu.memref_slice %arg2[%add3A_21] : memref<16384xi32, #tpu.memory_space<hbm>> -> memref<128xi32, #tpu.memory_space<hbm>>
      %dma_wait3A_214 = arith.constant 0 : i32
      %dma_wait3A_215 = tpu.memref_slice %arg9[%run_scoped3A_22, %dma_wait3A_214] : memref<4x128xi32, #tpu.memory_space<vmem>> -> memref<1x128xi32, #tpu.memory_space<vmem>>
      %dma_wait3A_216 = tpu.memref_squeeze %dma_wait3A_215 : memref<1x128xi32, #tpu.memory_space<vmem>> -> memref<128xi32, #tpu.memory_space<vmem>>
      %dma_wait3A_217 = tpu.memref_slice %arg2[%add3A_21] : memref<16384xi32, #tpu.memory_space<hbm>> -> memref<128xi32, #tpu.memory_space<hbm>>
      tpu.wait_dma2 semaphore(%run_scoped3A_201 : memref<!tpu.dma_semaphore, #tpu.memory_space<semaphore_mem>>) src(%dma_wait3A_217 : memref<128xi32, #tpu.memory_space<hbm>>) dst(%dma_wait3A_216 : memref<128xi32, #tpu.memory_space<vmem>>)
      tpu.yield
    }) : () -> ()
    %add3A_23 = arith.constant 384 : i32
    %add3A_24 = arith.addi %mul3A_2, %add3A_23 : i32
    %run_scoped3A_25 = arith.constant 3 : i32
    "tpu.region"() ({
      %run_scoped3A_201 = tpu.sem_alloc : memref<!tpu.dma_semaphore, #tpu.memory_space<semaphore_mem>>
      %dma_start3A_202 = arith.constant 0 : i32
      %dma_start3A_203 = tpu.memref_slice %arg10[%run_scoped3A_25, %dma_start3A_202] : memref<4x128xi32, #tpu.memory_space<vmem>> -> memref<1x128xi32, #tpu.memory_space<vmem>>
      %dma_start3A_204 = tpu.memref_squeeze %dma_start3A_203 : memref<1x128xi32, #tpu.memory_space<vmem>> -> memref<128xi32, #tpu.memory_space<vmem>>
      %dma_start3A_205 = tpu.memref_slice %arg3[%add3A_24] : memref<16384xi32, #tpu.memory_space<hbm>> -> memref<128xi32, #tpu.memory_space<hbm>>
      %dma_start3A_206 = arith.constant 0 : i32
      %dma_start3A_207 = tpu.memref_slice %arg10[%run_scoped3A_25, %dma_start3A_206] : memref<4x128xi32, #tpu.memory_space<vmem>> -> memref<1x128xi32, #tpu.memory_space<vmem>>
      %dma_start3A_208 = tpu.memref_squeeze %dma_start3A_207 : memref<1x128xi32, #tpu.memory_space<vmem>> -> memref<128xi32, #tpu.memory_space<vmem>>
      %dma_start3A_209 = tpu.memref_slice %arg3[%add3A_24] : memref<16384xi32, #tpu.memory_space<hbm>> -> memref<128xi32, #tpu.memory_space<hbm>>
      tpu.enqueue_dma source(%dma_start3A_209 : memref<128xi32, #tpu.memory_space<hbm>>) target(%dma_start3A_208 : memref<128xi32, #tpu.memory_space<vmem>>) target_semaphore(%run_scoped3A_201 : memref<!tpu.dma_semaphore, #tpu.memory_space<semaphore_mem>>)
      %dma_wait3A_210 = arith.constant 0 : i32
      %dma_wait3A_211 = tpu.memref_slice %arg10[%run_scoped3A_25, %dma_wait3A_210] : memref<4x128xi32, #tpu.memory_space<vmem>> -> memref<1x128xi32, #tpu.memory_space<vmem>>
      %dma_wait3A_212 = tpu.memref_squeeze %dma_wait3A_211 : memref<1x128xi32, #tpu.memory_space<vmem>> -> memref<128xi32, #tpu.memory_space<vmem>>
      %dma_wait3A_213 = tpu.memref_slice %arg3[%add3A_24] : memref<16384xi32, #tpu.memory_space<hbm>> -> memref<128xi32, #tpu.memory_space<hbm>>
      %dma_wait3A_214 = arith.constant 0 : i32
      %dma_wait3A_215 = tpu.memref_slice %arg10[%run_scoped3A_25, %dma_wait3A_214] : memref<4x128xi32, #tpu.memory_space<vmem>> -> memref<1x128xi32, #tpu.memory_space<vmem>>
      %dma_wait3A_216 = tpu.memref_squeeze %dma_wait3A_215 : memref<1x128xi32, #tpu.memory_space<vmem>> -> memref<128xi32, #tpu.memory_space<vmem>>
      %dma_wait3A_217 = tpu.memref_slice %arg3[%add3A_24] : memref<16384xi32, #tpu.memory_space<hbm>> -> memref<128xi32, #tpu.memory_space<hbm>>
      tpu.wait_dma2 semaphore(%run_scoped3A_201 : memref<!tpu.dma_semaphore, #tpu.memory_space<semaphore_mem>>) src(%dma_wait3A_217 : memref<128xi32, #tpu.memory_space<hbm>>) dst(%dma_wait3A_216 : memref<128xi32, #tpu.memory_space<vmem>>)
      tpu.yield
    }) : () -> ()
    %scan3A = arith.constant 0 : i32
    %scan3A_26 = arith.constant 0 : i32
    %scan3A_27 = arith.constant 4 : i32
    %scan3A_28 = arith.addi %scan3A_26, %scan3A_27 : i32
    %scan3A_29 = arith.constant 1 : i32
    scf.for %scan3A_201 = %scan3A_26 to %scan3A_28 step %scan3A_29  : i32 {
      %get3A = arith.index_cast %scan3A_201 : i32 to index
      %get3A_202 = arith.constant 0 : index
      %get3A_203 = tpu.vector_load %arg9[%get3A, %get3A_202] {strides = array<i32>} : memref<4x128xi32, #tpu.memory_space<vmem>>, vector<16xi32>,
      %ge3A = arith.constant 999424 : i32
      %ge3A_204 = vector.broadcast %ge3A : i32 to vector<16xi32>
      %ge3A_205 = arith.cmpi sge, %get3A_203, %ge3A_204 : vector<16xi32>
      %sub3A = arith.constant 782912 : i32
      %sub3A_206 = vector.broadcast %sub3A : i32 to vector<16xi32>
      %sub3A_207 = arith.subi %get3A_203, %sub3A_206 : vector<16xi32>
      %and3A = arith.constant 262143 : i32
      %and3A_208 = vector.broadcast %and3A : i32 to vector<16xi32>
      %and3A_209 = arith.andi %get3A_203, %and3A_208 : vector<16xi32>
      %select_n3A = arith.select %ge3A_205, %sub3A_207, %and3A_209 : vector<16xi1>, vector<16xi32>
      %swap3A = arith.index_cast %scan3A_201 : i32 to index
      %swap3A_210 = arith.constant 0 : index
      %swap3A_211 = tpu.vector_load %arg11[%swap3A, %swap3A_210] {strides = array<i32>} : memref<4x128xi32, #tpu.memory_space<vmem>>, vector<16xi32>,
      tpu.vector_store %arg11[%swap3A, %swap3A_210], %select_n3A {strides = array<i32>} : memref<4x128xi32, #tpu.memory_space<vmem>>, vector<16xi32>,
      %get3A_212 = arith.index_cast %scan3A_201 : i32 to index
      %get3A_213 = arith.constant 0 : index
      %get3A_214 = tpu.vector_load %arg10[%get3A_212, %get3A_213] {strides = array<i32>} : memref<4x128xi32, #tpu.memory_space<vmem>>, vector<16xi32>,
      %ge3A_215 = arith.constant 999424 : i32
      %ge3A_216 = vector.broadcast %ge3A_215 : i32 to vector<16xi32>
      %ge3A_217 = arith.cmpi sge, %get3A_214, %ge3A_216 : vector<16xi32>
      %sub3A_218 = arith.constant 782912 : i32
      %sub3A_219 = vector.broadcast %sub3A_218 : i32 to vector<16xi32>
      %sub3A_220 = arith.subi %get3A_214, %sub3A_219 : vector<16xi32>
      %and3A_221 = arith.constant 262143 : i32
      %and3A_222 = vector.broadcast %and3A_221 : i32 to vector<16xi32>
      %and3A_223 = arith.andi %get3A_214, %and3A_222 : vector<16xi32>
      %select_n3A_224 = arith.select %ge3A_217, %sub3A_220, %and3A_223 : vector<16xi1>, vector<16xi32>
      %swap3A_225 = arith.index_cast %scan3A_201 : i32 to index
      %swap3A_226 = arith.constant 0 : index
      %swap3A_227 = tpu.vector_load %arg12[%swap3A_225, %swap3A_226] {strides = array<i32>} : memref<4x128xi32, #tpu.memory_space<vmem>>, vector<16xi32>,
      tpu.vector_store %arg12[%swap3A_225, %swap3A_226], %select_n3A_224 {strides = array<i32>} : memref<4x128xi32, #tpu.memory_space<vmem>>, vector<16xi32>,
      %get3A_228 = arith.index_cast %scan3A_201 : i32 to index
      %get3A_229 = arith.constant 16 : index
      %get3A_230 = tpu.vector_load %arg9[%get3A_228, %get3A_229] {strides = array<i32>} : memref<4x128xi32, #tpu.memory_space<vmem>>, vector<16xi32>,
      %ge3A_231 = arith.constant 999424 : i32
      %ge3A_232 = vector.broadcast %ge3A_231 : i32 to vector<16xi32>
      %ge3A_233 = arith.cmpi sge, %get3A_230, %ge3A_232 : vector<16xi32>
      %sub3A_234 = arith.constant 782912 : i32
      %sub3A_235 = vector.broadcast %sub3A_234 : i32 to vector<16xi32>
      %sub3A_236 = arith.subi %get3A_230, %sub3A_235 : vector<16xi32>
      %and3A_237 = arith.constant 262143 : i32
      %and3A_238 = vector.broadcast %and3A_237 : i32 to vector<16xi32>
      %and3A_239 = arith.andi %get3A_230, %and3A_238 : vector<16xi32>
      %select_n3A_240 = arith.select %ge3A_233, %sub3A_236, %and3A_239 : vector<16xi1>, vector<16xi32>
      %swap3A_241 = arith.index_cast %scan3A_201 : i32 to index
      %swap3A_242 = arith.constant 16 : index
      %swap3A_243 = tpu.vector_load %arg11[%swap3A_241, %swap3A_242] {strides = array<i32>} : memref<4x128xi32, #tpu.memory_space<vmem>>, vector<16xi32>,
      tpu.vector_store %arg11[%swap3A_241, %swap3A_242], %select_n3A_240 {strides = array<i32>} : memref<4x128xi32, #tpu.memory_space<vmem>>, vector<16xi32>,
      %get3A_244 = arith.index_cast %scan3A_201 : i32 to index
      %get3A_245 = arith.constant 16 : index
      %get3A_246 = tpu.vector_load %arg10[%get3A_244, %get3A_245] {strides = array<i32>} : memref<4x128xi32, #tpu.memory_space<vmem>>, vector<16xi32>,
      %ge3A_247 = arith.constant 999424 : i32
      %ge3A_248 = vector.broadcast %ge3A_247 : i32 to vector<16xi32>
      %ge3A_249 = arith.cmpi sge, %get3A_246, %ge3A_248 : vector<16xi32>
      %sub3A_250 = arith.constant 782912 : i32
      %sub3A_251 = vector.broadcast %sub3A_250 : i32 to vector<16xi32>
      %sub3A_252 = arith.subi %get3A_246, %sub3A_251 : vector<16xi32>
      %and3A_253 = arith.constant 262143 : i32
      %and3A_254 = vector.broadcast %and3A_253 : i32 to vector<16xi32>
      %and3A_255 = arith.andi %get3A_246, %and3A_254 : vector<16xi32>
      %select_n3A_256 = arith.select %ge3A_249, %sub3A_252, %and3A_255 : vector<16xi1>, vector<16xi32>
      %swap3A_257 = arith.index_cast %scan3A_201 : i32 to index
      %swap3A_258 = arith.constant 16 : index
      %swap3A_259 = tpu.vector_load %arg12[%swap3A_257, %swap3A_258] {strides = array<i32>} : memref<4x128xi32, #tpu.memory_space<vmem>>, vector<16xi32>,
      tpu.vector_store %arg12[%swap3A_257, %swap3A_258], %select_n3A_256 {strides = array<i32>} : memref<4x128xi32, #tpu.memory_space<vmem>>, vector<16xi32>,
      %get3A_260 = arith.index_cast %scan3A_201 : i32 to index
      %get3A_261 = arith.constant 32 : index
      %get3A_262 = tpu.vector_load %arg9[%get3A_260, %get3A_261] {strides = array<i32>} : memref<4x128xi32, #tpu.memory_space<vmem>>, vector<16xi32>,
      %ge3A_263 = arith.constant 999424 : i32
      %ge3A_264 = vector.broadcast %ge3A_263 : i32 to vector<16xi32>
      %ge3A_265 = arith.cmpi sge, %get3A_262, %ge3A_264 : vector<16xi32>
      %sub3A_266 = arith.constant 782912 : i32
      %sub3A_267 = vector.broadcast %sub3A_266 : i32 to vector<16xi32>
      %sub3A_268 = arith.subi %get3A_262, %sub3A_267 : vector<16xi32>
      %and3A_269 = arith.constant 262143 : i32
      %and3A_270 = vector.broadcast %and3A_269 : i32 to vector<16xi32>
      %and3A_271 = arith.andi %get3A_262, %and3A_270 : vector<16xi32>
      %select_n3A_272 = arith.select %ge3A_265, %sub3A_268, %and3A_271 : vector<16xi1>, vector<16xi32>
      %swap3A_273 = arith.index_cast %scan3A_201 : i32 to index
      %swap3A_274 = arith.constant 32 : index
      %swap3A_275 = tpu.vector_load %arg11[%swap3A_273, %swap3A_274] {strides = array<i32>} : memref<4x128xi32, #tpu.memory_space<vmem>>, vector<16xi32>,
      tpu.vector_store %arg11[%swap3A_273, %swap3A_274], %select_n3A_272 {strides = array<i32>} : memref<4x128xi32, #tpu.memory_space<vmem>>, vector<16xi32>,
      %get3A_276 = arith.index_cast %scan3A_201 : i32 to index
      %get3A_277 = arith.constant 32 : index
      %get3A_278 = tpu.vector_load %arg10[%get3A_276, %get3A_277] {strides = array<i32>} : memref<4x128xi32, #tpu.memory_space<vmem>>, vector<16xi32>,
      %ge3A_279 = arith.constant 999424 : i32
      %ge3A_280 = vector.broadcast %ge3A_279 : i32 to vector<16xi32>
      %ge3A_281 = arith.cmpi sge, %get3A_278, %ge3A_280 : vector<16xi32>
      %sub3A_282 = arith.constant 782912 : i32
      %sub3A_283 = vector.broadcast %sub3A_282 : i32 to vector<16xi32>
      %sub3A_284 = arith.subi %get3A_278, %sub3A_283 : vector<16xi32>
      %and3A_285 = arith.constant 262143 : i32
      %and3A_286 = vector.broadcast %and3A_285 : i32 to vector<16xi32>
      %and3A_287 = arith.andi %get3A_278, %and3A_286 : vector<16xi32>
      %select_n3A_288 = arith.select %ge3A_281, %sub3A_284, %and3A_287 : vector<16xi1>, vector<16xi32>
      %swap3A_289 = arith.index_cast %scan3A_201 : i32 to index
      %swap3A_290 = arith.constant 32 : index
      %swap3A_291 = tpu.vector_load %arg12[%swap3A_289, %swap3A_290] {strides = array<i32>} : memref<4x128xi32, #tpu.memory_space<vmem>>, vector<16xi32>,
      tpu.vector_store %arg12[%swap3A_289, %swap3A_290], %select_n3A_288 {strides = array<i32>} : memref<4x128xi32, #tpu.memory_space<vmem>>, vector<16xi32>,
      %get3A_292 = arith.index_cast %scan3A_201 : i32 to index
      %get3A_293 = arith.constant 48 : index
      %get3A_294 = tpu.vector_load %arg9[%get3A_292, %get3A_293] {strides = array<i32>} : memref<4x128xi32, #tpu.memory_space<vmem>>, vector<16xi32>,
      %ge3A_295 = arith.constant 999424 : i32
      %ge3A_296 = vector.broadcast %ge3A_295 : i32 to vector<16xi32>
      %ge3A_297 = arith.cmpi sge, %get3A_294, %ge3A_296 : vector<16xi32>
      %sub3A_298 = arith.constant 782912 : i32
      %sub3A_299 = vector.broadcast %sub3A_298 : i32 to vector<16xi32>
      %sub3A_300 = arith.subi %get3A_294, %sub3A_299 : vector<16xi32>
      %and3A_301 = arith.constant 262143 : i32
      %and3A_302 = vector.broadcast %and3A_301 : i32 to vector<16xi32>
      %and3A_303 = arith.andi %get3A_294, %and3A_302 : vector<16xi32>
      %select_n3A_304 = arith.select %ge3A_297, %sub3A_300, %and3A_303 : vector<16xi1>, vector<16xi32>
      %swap3A_305 = arith.index_cast %scan3A_201 : i32 to index
      %swap3A_306 = arith.constant 48 : index
      %swap3A_307 = tpu.vector_load %arg11[%swap3A_305, %swap3A_306] {strides = array<i32>} : memref<4x128xi32, #tpu.memory_space<vmem>>, vector<16xi32>,
      tpu.vector_store %arg11[%swap3A_305, %swap3A_306], %select_n3A_304 {strides = array<i32>} : memref<4x128xi32, #tpu.memory_space<vmem>>, vector<16xi32>,
      %get3A_308 = arith.index_cast %scan3A_201 : i32 to index
      %get3A_309 = arith.constant 48 : index
      %get3A_310 = tpu.vector_load %arg10[%get3A_308, %get3A_309] {strides = array<i32>} : memref<4x128xi32, #tpu.memory_space<vmem>>, vector<16xi32>,
      %ge3A_311 = arith.constant 999424 : i32
      %ge3A_312 = vector.broadcast %ge3A_311 : i32 to vector<16xi32>
      %ge3A_313 = arith.cmpi sge, %get3A_310, %ge3A_312 : vector<16xi32>
      %sub3A_314 = arith.constant 782912 : i32
      %sub3A_315 = vector.broadcast %sub3A_314 : i32 to vector<16xi32>
      %sub3A_316 = arith.subi %get3A_310, %sub3A_315 : vector<16xi32>
      %and3A_317 = arith.constant 262143 : i32
      %and3A_318 = vector.broadcast %and3A_317 : i32 to vector<16xi32>
      %and3A_319 = arith.andi %get3A_310, %and3A_318 : vector<16xi32>
      %select_n3A_320 = arith.select %ge3A_313, %sub3A_316, %and3A_319 : vector<16xi1>, vector<16xi32>
      %swap3A_321 = arith.index_cast %scan3A_201 : i32 to index
      %swap3A_322 = arith.constant 48 : index
      %swap3A_323 = tpu.vector_load %arg12[%swap3A_321, %swap3A_322] {strides = array<i32>} : memref<4x128xi32, #tpu.memory_space<vmem>>, vector<16xi32>,
      tpu.vector_store %arg12[%swap3A_321, %swap3A_322], %select_n3A_320 {strides = array<i32>} : memref<4x128xi32, #tpu.memory_space<vmem>>, vector<16xi32>,
      %get3A_324 = arith.index_cast %scan3A_201 : i32 to index
      %get3A_325 = arith.constant 64 : index
      %get3A_326 = tpu.vector_load %arg9[%get3A_324, %get3A_325] {strides = array<i32>} : memref<4x128xi32, #tpu.memory_space<vmem>>, vector<16xi32>,
      %ge3A_327 = arith.constant 999424 : i32
      %ge3A_328 = vector.broadcast %ge3A_327 : i32 to vector<16xi32>
      %ge3A_329 = arith.cmpi sge, %get3A_326, %ge3A_328 : vector<16xi32>
      %sub3A_330 = arith.constant 782912 : i32
      %sub3A_331 = vector.broadcast %sub3A_330 : i32 to vector<16xi32>
      %sub3A_332 = arith.subi %get3A_326, %sub3A_331 : vector<16xi32>
      %and3A_333 = arith.constant 262143 : i32
      %and3A_334 = vector.broadcast %and3A_333 : i32 to vector<16xi32>
      %and3A_335 = arith.andi %get3A_326, %and3A_334 : vector<16xi32>
      %select_n3A_336 = arith.select %ge3A_329, %sub3A_332, %and3A_335 : vector<16xi1>, vector<16xi32>
      %swap3A_337 = arith.index_cast %scan3A_201 : i32 to index
      %swap3A_338 = arith.constant 64 : index
      %swap3A_339 = tpu.vector_load %arg11[%swap3A_337, %swap3A_338] {strides = array<i32>} : memref<4x128xi32, #tpu.memory_space<vmem>>, vector<16xi32>,
      tpu.vector_store %arg11[%swap3A_337, %swap3A_338], %select_n3A_336 {strides = array<i32>} : memref<4x128xi32, #tpu.memory_space<vmem>>, vector<16xi32>,
      %get3A_340 = arith.index_cast %scan3A_201 : i32 to index
      %get3A_341 = arith.constant 64 : index
      %get3A_342 = tpu.vector_load %arg10[%get3A_340, %get3A_341] {strides = array<i32>} : memref<4x128xi32, #tpu.memory_space<vmem>>, vector<16xi32>,
      %ge3A_343 = arith.constant 999424 : i32
      %ge3A_344 = vector.broadcast %ge3A_343 : i32 to vector<16xi32>
      %ge3A_345 = arith.cmpi sge, %get3A_342, %ge3A_344 : vector<16xi32>
      %sub3A_346 = arith.constant 782912 : i32
      %sub3A_347 = vector.broadcast %sub3A_346 : i32 to vector<16xi32>
      %sub3A_348 = arith.subi %get3A_342, %sub3A_347 : vector<16xi32>
      %and3A_349 = arith.constant 262143 : i32
      %and3A_350 = vector.broadcast %and3A_349 : i32 to vector<16xi32>
      %and3A_351 = arith.andi %get3A_342, %and3A_350 : vector<16xi32>
      %select_n3A_352 = arith.select %ge3A_345, %sub3A_348, %and3A_351 : vector<16xi1>, vector<16xi32>
      %swap3A_353 = arith.index_cast %scan3A_201 : i32 to index
      %swap3A_354 = arith.constant 64 : index
      %swap3A_355 = tpu.vector_load %arg12[%swap3A_353, %swap3A_354] {strides = array<i32>} : memref<4x128xi32, #tpu.memory_space<vmem>>, vector<16xi32>,
      tpu.vector_store %arg12[%swap3A_353, %swap3A_354], %select_n3A_352 {strides = array<i32>} : memref<4x128xi32, #tpu.memory_space<vmem>>, vector<16xi32>,
      %get3A_356 = arith.index_cast %scan3A_201 : i32 to index
      %get3A_357 = arith.constant 80 : index
      %get3A_358 = tpu.vector_load %arg9[%get3A_356, %get3A_357] {strides = array<i32>} : memref<4x128xi32, #tpu.memory_space<vmem>>, vector<16xi32>,
      %ge3A_359 = arith.constant 999424 : i32
      %ge3A_360 = vector.broadcast %ge3A_359 : i32 to vector<16xi32>
      %ge3A_361 = arith.cmpi sge, %get3A_358, %ge3A_360 : vector<16xi32>
      %sub3A_362 = arith.constant 782912 : i32
      %sub3A_363 = vector.broadcast %sub3A_362 : i32 to vector<16xi32>
      %sub3A_364 = arith.subi %get3A_358, %sub3A_363 : vector<16xi32>
      %and3A_365 = arith.constant 262143 : i32
      %and3A_366 = vector.broadcast %and3A_365 : i32 to vector<16xi32>
      %and3A_367 = arith.andi %get3A_358, %and3A_366 : vector<16xi32>
      %select_n3A_368 = arith.select %ge3A_361, %sub3A_364, %and3A_367 : vector<16xi1>, vector<16xi32>
      %swap3A_369 = arith.index_cast %scan3A_201 : i32 to index
      %swap3A_370 = arith.constant 80 : index
      %swap3A_371 = tpu.vector_load %arg11[%swap3A_369, %swap3A_370] {strides = array<i32>} : memref<4x128xi32, #tpu.memory_space<vmem>>, vector<16xi32>,
      tpu.vector_store %arg11[%swap3A_369, %swap3A_370], %select_n3A_368 {strides = array<i32>} : memref<4x128xi32, #tpu.memory_space<vmem>>, vector<16xi32>,
      %get3A_372 = arith.index_cast %scan3A_201 : i32 to index
      %get3A_373 = arith.constant 80 : index
      %get3A_374 = tpu.vector_load %arg10[%get3A_372, %get3A_373] {strides = array<i32>} : memref<4x128xi32, #tpu.memory_space<vmem>>, vector<16xi32>,
      %ge3A_375 = arith.constant 999424 : i32
      %ge3A_376 = vector.broadcast %ge3A_375 : i32 to vector<16xi32>
      %ge3A_377 = arith.cmpi sge, %get3A_374, %ge3A_376 : vector<16xi32>
      %sub3A_378 = arith.constant 782912 : i32
      %sub3A_379 = vector.broadcast %sub3A_378 : i32 to vector<16xi32>
      %sub3A_380 = arith.subi %get3A_374, %sub3A_379 : vector<16xi32>
      %and3A_381 = arith.constant 262143 : i32
      %and3A_382 = vector.broadcast %and3A_381 : i32 to vector<16xi32>
      %and3A_383 = arith.andi %get3A_374, %and3A_382 : vector<16xi32>
      %select_n3A_384 = arith.select %ge3A_377, %sub3A_380, %and3A_383 : vector<16xi1>, vector<16xi32>
      %swap3A_385 = arith.index_cast %scan3A_201 : i32 to index
      %swap3A_386 = arith.constant 80 : index
      %swap3A_387 = tpu.vector_load %arg12[%swap3A_385, %swap3A_386] {strides = array<i32>} : memref<4x128xi32, #tpu.memory_space<vmem>>, vector<16xi32>,
      tpu.vector_store %arg12[%swap3A_385, %swap3A_386], %select_n3A_384 {strides = array<i32>} : memref<4x128xi32, #tpu.memory_space<vmem>>, vector<16xi32>,
      %get3A_388 = arith.index_cast %scan3A_201 : i32 to index
      %get3A_389 = arith.constant 96 : index
      %get3A_390 = tpu.vector_load %arg9[%get3A_388, %get3A_389] {strides = array<i32>} : memref<4x128xi32, #tpu.memory_space<vmem>>, vector<16xi32>,
      %ge3A_391 = arith.constant 999424 : i32
      %ge3A_392 = vector.broadcast %ge3A_391 : i32 to vector<16xi32>
      %ge3A_393 = arith.cmpi sge, %get3A_390, %ge3A_392 : vector<16xi32>
      %sub3A_394 = arith.constant 782912 : i32
      %sub3A_395 = vector.broadcast %sub3A_394 : i32 to vector<16xi32>
      %sub3A_396 = arith.subi %get3A_390, %sub3A_395 : vector<16xi32>
      %and3A_397 = arith.constant 262143 : i32
      %and3A_398 = vector.broadcast %and3A_397 : i32 to vector<16xi32>
      %and3A_399 = arith.andi %get3A_390, %and3A_398 : vector<16xi32>
      %select_n3A_400 = arith.select %ge3A_393, %sub3A_396, %and3A_399 : vector<16xi1>, vector<16xi32>
      %swap3A_401 = arith.index_cast %scan3A_201 : i32 to index
      %swap3A_402 = arith.constant 96 : index
      %swap3A_403 = tpu.vector_load %arg11[%swap3A_401, %swap3A_402] {strides = array<i32>} : memref<4x128xi32, #tpu.memory_space<vmem>>, vector<16xi32>,
      tpu.vector_store %arg11[%swap3A_401, %swap3A_402], %select_n3A_400 {strides = array<i32>} : memref<4x128xi32, #tpu.memory_space<vmem>>, vector<16xi32>,
      %get3A_404 = arith.index_cast %scan3A_201 : i32 to index
      %get3A_405 = arith.constant 96 : index
      %get3A_406 = tpu.vector_load %arg10[%get3A_404, %get3A_405] {strides = array<i32>} : memref<4x128xi32, #tpu.memory_space<vmem>>, vector<16xi32>,
      %ge3A_407 = arith.constant 999424 : i32
      %ge3A_408 = vector.broadcast %ge3A_407 : i32 to vector<16xi32>
      %ge3A_409 = arith.cmpi sge, %get3A_406, %ge3A_408 : vector<16xi32>
      %sub3A_410 = arith.constant 782912 : i32
      %sub3A_411 = vector.broadcast %sub3A_410 : i32 to vector<16xi32>
      %sub3A_412 = arith.subi %get3A_406, %sub3A_411 : vector<16xi32>
      %and3A_413 = arith.constant 262143 : i32
      %and3A_414 = vector.broadcast %and3A_413 : i32 to vector<16xi32>
      %and3A_415 = arith.andi %get3A_406, %and3A_414 : vector<16xi32>
      %select_n3A_416 = arith.select %ge3A_409, %sub3A_412, %and3A_415 : vector<16xi1>, vector<16xi32>
      %swap3A_417 = arith.index_cast %scan3A_201 : i32 to index
      %swap3A_418 = arith.constant 96 : index
      %swap3A_419 = tpu.vector_load %arg12[%swap3A_417, %swap3A_418] {strides = array<i32>} : memref<4x128xi32, #tpu.memory_space<vmem>>, vector<16xi32>,
      tpu.vector_store %arg12[%swap3A_417, %swap3A_418], %select_n3A_416 {strides = array<i32>} : memref<4x128xi32, #tpu.memory_space<vmem>>, vector<16xi32>,
      %get3A_420 = arith.index_cast %scan3A_201 : i32 to index
      %get3A_421 = arith.constant 112 : index
      %get3A_422 = tpu.vector_load %arg9[%get3A_420, %get3A_421] {strides = array<i32>} : memref<4x128xi32, #tpu.memory_space<vmem>>, vector<16xi32>,
      %ge3A_423 = arith.constant 999424 : i32
      %ge3A_424 = vector.broadcast %ge3A_423 : i32 to vector<16xi32>
      %ge3A_425 = arith.cmpi sge, %get3A_422, %ge3A_424 : vector<16xi32>
      %sub3A_426 = arith.constant 782912 : i32
      %sub3A_427 = vector.broadcast %sub3A_426 : i32 to vector<16xi32>
      %sub3A_428 = arith.subi %get3A_422, %sub3A_427 : vector<16xi32>
      %and3A_429 = arith.constant 262143 : i32
      %and3A_430 = vector.broadcast %and3A_429 : i32 to vector<16xi32>
      %and3A_431 = arith.andi %get3A_422, %and3A_430 : vector<16xi32>
      %select_n3A_432 = arith.select %ge3A_425, %sub3A_428, %and3A_431 : vector<16xi1>, vector<16xi32>
      %swap3A_433 = arith.index_cast %scan3A_201 : i32 to index
      %swap3A_434 = arith.constant 112 : index
      %swap3A_435 = tpu.vector_load %arg11[%swap3A_433, %swap3A_434] {strides = array<i32>} : memref<4x128xi32, #tpu.memory_space<vmem>>, vector<16xi32>,
      tpu.vector_store %arg11[%swap3A_433, %swap3A_434], %select_n3A_432 {strides = array<i32>} : memref<4x128xi32, #tpu.memory_space<vmem>>, vector<16xi32>,
      %get3A_436 = arith.index_cast %scan3A_201 : i32 to index
      %get3A_437 = arith.constant 112 : index
      %get3A_438 = tpu.vector_load %arg10[%get3A_436, %get3A_437] {strides = array<i32>} : memref<4x128xi32, #tpu.memory_space<vmem>>, vector<16xi32>,
      %ge3A_439 = arith.constant 999424 : i32
      %ge3A_440 = vector.broadcast %ge3A_439 : i32 to vector<16xi32>
      %ge3A_441 = arith.cmpi sge, %get3A_438, %ge3A_440 : vector<16xi32>
      %sub3A_442 = arith.constant 782912 : i32
      %sub3A_443 = vector.broadcast %sub3A_442 : i32 to vector<16xi32>
      %sub3A_444 = arith.subi %get3A_438, %sub3A_443 : vector<16xi32>
      %and3A_445 = arith.constant 262143 : i32
      %and3A_446 = vector.broadcast %and3A_445 : i32 to vector<16xi32>
      %and3A_447 = arith.andi %get3A_438, %and3A_446 : vector<16xi32>
      %select_n3A_448 = arith.select %ge3A_441, %sub3A_444, %and3A_447 : vector<16xi1>, vector<16xi32>
      %swap3A_449 = arith.index_cast %scan3A_201 : i32 to index
      %swap3A_450 = arith.constant 112 : index
      %swap3A_451 = tpu.vector_load %arg12[%swap3A_449, %swap3A_450] {strides = array<i32>} : memref<4x128xi32, #tpu.memory_space<vmem>>, vector<16xi32>,
      tpu.vector_store %arg12[%swap3A_449, %swap3A_450], %select_n3A_448 {strides = array<i32>} : memref<4x128xi32, #tpu.memory_space<vmem>>, vector<16xi32>,
    }
    %scan3A_30 = arith.constant 4 : i32
    %iota3A = tpu.iota {dimensions = array<i32: 0>} : vector<16xi32>
    %dma_start3A = arith.constant 0 : i32
    %dma_start3A_31 = arith.constant 0 : i32
    %dma_start3A_32 = arith.constant 0 : i32
    %dma_start3A_33 = tpu.memref_slice %arg13[%dma_start3A_31, %dma_start3A_32] : memref<512x128xf32, #tpu.memory_space<vmem>> -> memref<128x128xf32, #tpu.memory_space<vmem>>
    %dma_start3A_34 = arith.constant 0 : i32
    %dma_start3A_35 = tpu.memref_slice %arg11[%dma_start3A, %dma_start3A_34] : memref<4x128xi32, #tpu.memory_space<vmem>> -> memref<1x128xi32, #tpu.memory_space<vmem>>
    %dma_start3A_36 = tpu.memref_squeeze %dma_start3A_35 : memref<1x128xi32, #tpu.memory_space<vmem>> -> memref<128xi32, #tpu.memory_space<vmem>>
    %dma_start3A_37 = arith.constant 0 : i32
    %dma_start3A_38 = arith.constant 0 : i32
    %dma_start3A_39 = tpu.memref_slice %arg4[%dma_start3A_37, %dma_start3A_38] : memref<262144x128xf32, #tpu.memory_space<hbm>> -> memref<262144x128xf32, #tpu.memory_space<hbm>>
    tpu.enqueue_indirect_dma source(%dma_start3A_39 : memref<262144x128xf32, #tpu.memory_space<hbm>>) target(%dma_start3A_33 : memref<128x128xf32, #tpu.memory_space<vmem>>) offsets(%dma_start3A_36 : memref<128xi32, #tpu.memory_space<vmem>>) semaphore(%arg17 : memref<!tpu.dma_semaphore, #tpu.memory_space<semaphore_mem>>)
    %dma_start3A_40 = arith.constant 1 : i32
    %dma_start3A_41 = arith.constant 128 : i32
    %dma_start3A_42 = arith.constant 0 : i32
    %dma_start3A_43 = tpu.memref_slice %arg13[%dma_start3A_41, %dma_start3A_42] : memref<512x128xf32, #tpu.memory_space<vmem>> -> memref<128x128xf32, #tpu.memory_space<vmem>>
    %dma_start3A_44 = arith.constant 0 : i32
    %dma_start3A_45 = tpu.memref_slice %arg11[%dma_start3A_40, %dma_start3A_44] : memref<4x128xi32, #tpu.memory_space<vmem>> -> memref<1x128xi32, #tpu.memory_space<vmem>>
    %dma_start3A_46 = tpu.memref_squeeze %dma_start3A_45 : memref<1x128xi32, #tpu.memory_space<vmem>> -> memref<128xi32, #tpu.memory_space<vmem>>
    %dma_start3A_47 = arith.constant 0 : i32
    %dma_start3A_48 = arith.constant 0 : i32
    %dma_start3A_49 = tpu.memref_slice %arg4[%dma_start3A_47, %dma_start3A_48] : memref<262144x128xf32, #tpu.memory_space<hbm>> -> memref<262144x128xf32, #tpu.memory_space<hbm>>
    tpu.enqueue_indirect_dma source(%dma_start3A_49 : memref<262144x128xf32, #tpu.memory_space<hbm>>) target(%dma_start3A_43 : memref<128x128xf32, #tpu.memory_space<vmem>>) offsets(%dma_start3A_46 : memref<128xi32, #tpu.memory_space<vmem>>) semaphore(%arg17 : memref<!tpu.dma_semaphore, #tpu.memory_space<semaphore_mem>>)
    %dma_start3A_50 = arith.constant 2 : i32
    %dma_start3A_51 = arith.constant 256 : i32
    %dma_start3A_52 = arith.constant 0 : i32
    %dma_start3A_53 = tpu.memref_slice %arg13[%dma_start3A_51, %dma_start3A_52] : memref<512x128xf32, #tpu.memory_space<vmem>> -> memref<128x128xf32, #tpu.memory_space<vmem>>
    %dma_start3A_54 = arith.constant 0 : i32
    %dma_start3A_55 = tpu.memref_slice %arg11[%dma_start3A_50, %dma_start3A_54] : memref<4x128xi32, #tpu.memory_space<vmem>> -> memref<1x128xi32, #tpu.memory_space<vmem>>
    %dma_start3A_56 = tpu.memref_squeeze %dma_start3A_55 : memref<1x128xi32, #tpu.memory_space<vmem>> -> memref<128xi32, #tpu.memory_space<vmem>>
    %dma_start3A_57 = arith.constant 0 : i32
    %dma_start3A_58 = arith.constant 0 : i32
    %dma_start3A_59 = tpu.memref_slice %arg4[%dma_start3A_57, %dma_start3A_58] : memref<262144x128xf32, #tpu.memory_space<hbm>> -> memref<262144x128xf32, #tpu.memory_space<hbm>>
    tpu.enqueue_indirect_dma source(%dma_start3A_59 : memref<262144x128xf32, #tpu.memory_space<hbm>>) target(%dma_start3A_53 : memref<128x128xf32, #tpu.memory_space<vmem>>) offsets(%dma_start3A_56 : memref<128xi32, #tpu.memory_space<vmem>>) semaphore(%arg17 : memref<!tpu.dma_semaphore, #tpu.memory_space<semaphore_mem>>)
    %dma_start3A_60 = arith.constant 3 : i32
    %dma_start3A_61 = arith.constant 384 : i32
    %dma_start3A_62 = arith.constant 0 : i32
    %dma_start3A_63 = tpu.memref_slice %arg13[%dma_start3A_61, %dma_start3A_62] : memref<512x128xf32, #tpu.memory_space<vmem>> -> memref<128x128xf32, #tpu.memory_space<vmem>>
    %dma_start3A_64 = arith.constant 0 : i32
    %dma_start3A_65 = tpu.memref_slice %arg11[%dma_start3A_60, %dma_start3A_64] : memref<4x128xi32, #tpu.memory_space<vmem>> -> memref<1x128xi32, #tpu.memory_space<vmem>>
    %dma_start3A_66 = tpu.memref_squeeze %dma_start3A_65 : memref<1x128xi32, #tpu.memory_space<vmem>> -> memref<128xi32, #tpu.memory_space<vmem>>
    %dma_start3A_67 = arith.constant 0 : i32
    %dma_start3A_68 = arith.constant 0 : i32
    %dma_start3A_69 = tpu.memref_slice %arg4[%dma_start3A_67, %dma_start3A_68] : memref<262144x128xf32, #tpu.memory_space<hbm>> -> memref<262144x128xf32, #tpu.memory_space<hbm>>
    tpu.enqueue_indirect_dma source(%dma_start3A_69 : memref<262144x128xf32, #tpu.memory_space<hbm>>) target(%dma_start3A_63 : memref<128x128xf32, #tpu.memory_space<vmem>>) offsets(%dma_start3A_66 : memref<128xi32, #tpu.memory_space<vmem>>) semaphore(%arg17 : memref<!tpu.dma_semaphore, #tpu.memory_space<semaphore_mem>>)
    %dma_wait3A = arith.constant 0 : i32
    %dma_wait3A_70 = arith.constant 0 : i32
    %dma_wait3A_71 = arith.constant 0 : i32
    %dma_wait3A_72 = tpu.memref_slice %arg13[%dma_wait3A_70, %dma_wait3A_71] : memref<512x128xf32, #tpu.memory_space<vmem>> -> memref<128x128xf32, #tpu.memory_space<vmem>>
    %dma_wait3A_73 = arith.constant 0 : i32
    %dma_wait3A_74 = tpu.memref_slice %arg11[%dma_wait3A, %dma_wait3A_73] : memref<4x128xi32, #tpu.memory_space<vmem>> -> memref<1x128xi32, #tpu.memory_space<vmem>>
    %dma_wait3A_75 = tpu.memref_squeeze %dma_wait3A_74 : memref<1x128xi32, #tpu.memory_space<vmem>> -> memref<128xi32, #tpu.memory_space<vmem>>
    %dma_wait3A_76 = arith.constant 0 : i32
    %dma_wait3A_77 = arith.constant 0 : i32
    %dma_wait3A_78 = tpu.memref_slice %arg4[%dma_wait3A_76, %dma_wait3A_77] : memref<262144x128xf32, #tpu.memory_space<hbm>> -> memref<262144x128xf32, #tpu.memory_space<hbm>>
    tpu.wait_indirect_dma semaphore(%arg17 : memref<!tpu.dma_semaphore, #tpu.memory_space<semaphore_mem>>) src(%dma_wait3A_78 : memref<262144x128xf32, #tpu.memory_space<hbm>>) dst(%dma_wait3A_72 : memref<128x128xf32, #tpu.memory_space<vmem>>)
    %dma_wait3A_79 = arith.constant 1 : i32
    %dma_wait3A_80 = arith.constant 128 : i32
    %dma_wait3A_81 = arith.constant 0 : i32
    %dma_wait3A_82 = tpu.memref_slice %arg13[%dma_wait3A_80, %dma_wait3A_81] : memref<512x128xf32, #tpu.memory_space<vmem>> -> memref<128x128xf32, #tpu.memory_space<vmem>>
    %dma_wait3A_83 = arith.constant 0 : i32
    %dma_wait3A_84 = tpu.memref_slice %arg11[%dma_wait3A_79, %dma_wait3A_83] : memref<4x128xi32, #tpu.memory_space<vmem>> -> memref<1x128xi32, #tpu.memory_space<vmem>>
    %dma_wait3A_85 = tpu.memref_squeeze %dma_wait3A_84 : memref<1x128xi32, #tpu.memory_space<vmem>> -> memref<128xi32, #tpu.memory_space<vmem>>
    %dma_wait3A_86 = arith.constant 0 : i32
    %dma_wait3A_87 = arith.constant 0 : i32
    %dma_wait3A_88 = tpu.memref_slice %arg4[%dma_wait3A_86, %dma_wait3A_87] : memref<262144x128xf32, #tpu.memory_space<hbm>> -> memref<262144x128xf32, #tpu.memory_space<hbm>>
    tpu.wait_indirect_dma semaphore(%arg17 : memref<!tpu.dma_semaphore, #tpu.memory_space<semaphore_mem>>) src(%dma_wait3A_88 : memref<262144x128xf32, #tpu.memory_space<hbm>>) dst(%dma_wait3A_82 : memref<128x128xf32, #tpu.memory_space<vmem>>)
    %dma_wait3A_89 = arith.constant 2 : i32
    %dma_wait3A_90 = arith.constant 256 : i32
    %dma_wait3A_91 = arith.constant 0 : i32
    %dma_wait3A_92 = tpu.memref_slice %arg13[%dma_wait3A_90, %dma_wait3A_91] : memref<512x128xf32, #tpu.memory_space<vmem>> -> memref<128x128xf32, #tpu.memory_space<vmem>>
    %dma_wait3A_93 = arith.constant 0 : i32
    %dma_wait3A_94 = tpu.memref_slice %arg11[%dma_wait3A_89, %dma_wait3A_93] : memref<4x128xi32, #tpu.memory_space<vmem>> -> memref<1x128xi32, #tpu.memory_space<vmem>>
    %dma_wait3A_95 = tpu.memref_squeeze %dma_wait3A_94 : memref<1x128xi32, #tpu.memory_space<vmem>> -> memref<128xi32, #tpu.memory_space<vmem>>
    %dma_wait3A_96 = arith.constant 0 : i32
    %dma_wait3A_97 = arith.constant 0 : i32
    %dma_wait3A_98 = tpu.memref_slice %arg4[%dma_wait3A_96, %dma_wait3A_97] : memref<262144x128xf32, #tpu.memory_space<hbm>> -> memref<262144x128xf32, #tpu.memory_space<hbm>>
    tpu.wait_indirect_dma semaphore(%arg17 : memref<!tpu.dma_semaphore, #tpu.memory_space<semaphore_mem>>) src(%dma_wait3A_98 : memref<262144x128xf32, #tpu.memory_space<hbm>>) dst(%dma_wait3A_92 : memref<128x128xf32, #tpu.memory_space<vmem>>)
    %dma_wait3A_99 = arith.constant 3 : i32
    %dma_wait3A_100 = arith.constant 384 : i32
    %dma_wait3A_101 = arith.constant 0 : i32
    %dma_wait3A_102 = tpu.memref_slice %arg13[%dma_wait3A_100, %dma_wait3A_101] : memref<512x128xf32, #tpu.memory_space<vmem>> -> memref<128x128xf32, #tpu.memory_space<vmem>>
    %dma_wait3A_103 = arith.constant 0 : i32
    %dma_wait3A_104 = tpu.memref_slice %arg11[%dma_wait3A_99, %dma_wait3A_103] : memref<4x128xi32, #tpu.memory_space<vmem>> -> memref<1x128xi32, #tpu.memory_space<vmem>>
    %dma_wait3A_105 = tpu.memref_squeeze %dma_wait3A_104 : memref<1x128xi32, #tpu.memory_space<vmem>> -> memref<128xi32, #tpu.memory_space<vmem>>
    %dma_wait3A_106 = arith.constant 0 : i32
    %dma_wait3A_107 = arith.constant 0 : i32
    %dma_wait3A_108 = tpu.memref_slice %arg4[%dma_wait3A_106, %dma_wait3A_107] : memref<262144x128xf32, #tpu.memory_space<hbm>> -> memref<262144x128xf32, #tpu.memory_space<hbm>>
    tpu.wait_indirect_dma semaphore(%arg17 : memref<!tpu.dma_semaphore, #tpu.memory_space<semaphore_mem>>) src(%dma_wait3A_108 : memref<262144x128xf32, #tpu.memory_space<hbm>>) dst(%dma_wait3A_102 : memref<128x128xf32, #tpu.memory_space<vmem>>)
    %scan3A_109 = arith.constant 0 : i32
    %scan3A_110 = arith.constant 0 : i32
    %scan3A_111 = arith.constant 32 : i32
    %scan3A_112 = arith.addi %scan3A_110, %scan3A_111 : i32
    %scan3A_113 = arith.constant 1 : i32
    scf.for %scan3A_201 = %scan3A_110 to %scan3A_112 step %scan3A_113  : i32 {
      %jit3A = arith.constant 8 : i32
      %div3A = arith.divsi %scan3A_201, %jit3A : i32
      %sign3A = arith.constant 0 : i32
      %sign3A_202 = arith.cmpi sgt, %scan3A_201, %sign3A : i32
      %sign3A_203 = arith.extui %sign3A_202 : i1 to i32
      %sign3A_204 = arith.constant 0 : i32
      %sign3A_205 = arith.cmpi slt, %scan3A_201, %sign3A_204 : i32
      %sign3A_206 = arith.extui %sign3A_205 : i1 to i32
      %sign3A_207 = arith.subi %sign3A_203, %sign3A_206 : i32
      %sign3A_208 = arith.constant 0 : i32
      %sign3A_209 = arith.cmpi sgt, %jit3A, %sign3A_208 : i32
      %sign3A_210 = arith.extui %sign3A_209 : i1 to i32
      %sign3A_211 = arith.constant 0 : i32
      %sign3A_212 = arith.cmpi slt, %jit3A, %sign3A_211 : i32
      %sign3A_213 = arith.extui %sign3A_212 : i1 to i32
      %sign3A_214 = arith.subi %sign3A_210, %sign3A_213 : i32
      %ne3A = arith.cmpi ne, %sign3A_207, %sign3A_214 : i32
      %rem3A = arith.remsi %scan3A_201, %jit3A : i32
      %ne3A_215 = arith.constant 0 : i32
      %ne3A_216 = arith.cmpi ne, %rem3A, %ne3A_215 : i32
      %and3A = arith.andi %ne3A, %ne3A_216 : i1
      %sub3A = arith.constant 1 : i32
      %sub3A_217 = arith.subi %div3A, %sub3A : i32
      %select_n3A = arith.select %and3A, %sub3A_217, %div3A : i32
      %jit3A_218 = arith.constant 8 : i32
      %eq3A = arith.constant 0 : i32
      %eq3A_219 = arith.cmpi eq, %jit3A_218, %eq3A : i32
      %jit3A_220 = arith.constant 1 : i32
      %select_n3A_221 = arith.select %eq3A_219, %jit3A_220, %jit3A_218 : i32
      %rem3A_222 = arith.remsi %scan3A_201, %select_n3A_221 : i32
      %ne3A_223 = arith.constant 0 : i32
      %ne3A_224 = arith.cmpi ne, %rem3A_222, %ne3A_223 : i32
      %lt3A = arith.constant 0 : i32
      %lt3A_225 = arith.cmpi slt, %rem3A_222, %lt3A : i32
      %lt3A_226 = arith.constant 0 : i32
      %lt3A_227 = arith.cmpi slt, %select_n3A_221, %lt3A_226 : i32
      %ne3A_228 = arith.xori %lt3A_225, %lt3A_227 : i1
      %and3A_229 = arith.andi %ne3A_228, %ne3A_224 : i1
      %add3A_230 = arith.addi %rem3A_222, %select_n3A_221 : i32
      %select_n3A_231 = arith.select %and3A_229, %add3A_230, %rem3A_222 : i32
      %mul3A_232 = arith.constant 16 : i32
      %mul3A_233 = arith.muli %select_n3A_231, %mul3A_232 : i32
      %mul3A_234 = arith.constant 16 : i32
      %mul3A_235 = arith.muli %scan3A_201, %mul3A_234 : i32
      %add3A_236 = vector.broadcast %mul3A_235 : i32 to vector<16xi32>
      %add3A_237 = arith.addi %iota3A, %add3A_236 : vector<16xi32>
      %mul3A_238 = arith.constant 16 : i32
      %mul3A_239 = arith.muli %scan3A_201, %mul3A_238 : i32
      %multiple_of3A = tpu.assume_multiple %mul3A_239, 16 : i32
      %get3A = arith.index_cast %select_n3A : i32 to index
      %get3A_240 = arith.index_cast %mul3A_233 : i32 to index
      %get3A_241 = tpu.vector_load %arg9[%get3A, %get3A_240] {strides = array<i32>} : memref<4x128xi32, #tpu.memory_space<vmem>>, vector<16xi32>,
      %shift_right_logical3A = arith.constant 18 : i32
      %shift_right_logical3A_242 = vector.broadcast %shift_right_logical3A : i32 to vector<16xi32>
      %shift_right_logical3A_243 = arith.shrui %get3A_241, %shift_right_logical3A_242 : vector<16xi32>
      %mul3A_244 = arith.constant 32 : i32
      %mul3A_245 = vector.broadcast %mul3A_244 : i32 to vector<16xi32>
      %mul3A_246 = arith.muli %shift_right_logical3A_243, %mul3A_245 : vector<16xi32>
      %add3A_247 = arith.constant 0 : i32
      %add3A_248 = vector.broadcast %add3A_247 : i32 to vector<16xi32>
      %add3A_249 = arith.addi %mul3A_246, %add3A_248 : vector<16xi32>
      %gather3A = tpu.vector_load_idx %arg13[%add3A_237, %add3A_249] : memref<512x128xf32, #tpu.memory_space<vmem>>[vector<16xi32>, vector<16xi32>], vector<16xf32>,
      %swap3A = arith.constant 0 : i32
      %swap3A_250 = arith.index_cast %swap3A : i32 to index
      %swap3A_251 = arith.index_cast %multiple_of3A : i32 to index
      %swap3A_252 = tpu.vector_load %arg14[%swap3A_250, %swap3A_251] {strides = array<i32>} : memref<32x512xf32, #tpu.memory_space<vmem>>, vector<16xf32>,
      tpu.vector_store %arg14[%swap3A_250, %swap3A_251], %gather3A {strides = array<i32>} : memref<32x512xf32, #tpu.memory_space<vmem>>, vector<16xf32>,
      %add3A_253 = arith.constant 1 : i32
      %add3A_254 = vector.broadcast %add3A_253 : i32 to vector<16xi32>
      %add3A_255 = arith.addi %mul3A_246, %add3A_254 : vector<16xi32>
      %gather3A_256 = tpu.vector_load_idx %arg13[%add3A_237, %add3A_255] : memref<512x128xf32, #tpu.memory_space<vmem>>[vector<16xi32>, vector<16xi32>], vector<16xf32>,
      %swap3A_257 = arith.constant 1 : i32
      %swap3A_258 = arith.index_cast %swap3A_257 : i32 to index
      %swap3A_259 = arith.index_cast %multiple_of3A : i32 to index
      %swap3A_260 = tpu.vector_load %arg14[%swap3A_258, %swap3A_259] {strides = array<i32>} : memref<32x512xf32, #tpu.memory_space<vmem>>, vector<16xf32>,
      tpu.vector_store %arg14[%swap3A_258, %swap3A_259], %gather3A_256 {strides = array<i32>} : memref<32x512xf32, #tpu.memory_space<vmem>>, vector<16xf32>,
      %add3A_261 = arith.constant 2 : i32
      %add3A_262 = vector.broadcast %add3A_261 : i32 to vector<16xi32>
      %add3A_263 = arith.addi %mul3A_246, %add3A_262 : vector<16xi32>
      %gather3A_264 = tpu.vector_load_idx %arg13[%add3A_237, %add3A_263] : memref<512x128xf32, #tpu.memory_space<vmem>>[vector<16xi32>, vector<16xi32>], vector<16xf32>,
      %swap3A_265 = arith.constant 2 : i32
      %swap3A_266 = arith.index_cast %swap3A_265 : i32 to index
      %swap3A_267 = arith.index_cast %multiple_of3A : i32 to index
      %swap3A_268 = tpu.vector_load %arg14[%swap3A_266, %swap3A_267] {strides = array<i32>} : memref<32x512xf32, #tpu.memory_space<vmem>>, vector<16xf32>,
      tpu.vector_store %arg14[%swap3A_266, %swap3A_267], %gather3A_264 {strides = array<i32>} : memref<32x512xf32, #tpu.memory_space<vmem>>, vector<16xf32>,
      %add3A_269 = arith.constant 3 : i32
      %add3A_270 = vector.broadcast %add3A_269 : i32 to vector<16xi32>
      %add3A_271 = arith.addi %mul3A_246, %add3A_270 : vector<16xi32>
      %gather3A_272 = tpu.vector_load_idx %arg13[%add3A_237, %add3A_271] : memref<512x128xf32, #tpu.memory_space<vmem>>[vector<16xi32>, vector<16xi32>], vector<16xf32>,
      %swap3A_273 = arith.constant 3 : i32
      %swap3A_274 = arith.index_cast %swap3A_273 : i32 to index
      %swap3A_275 = arith.index_cast %multiple_of3A : i32 to index
      %swap3A_276 = tpu.vector_load %arg14[%swap3A_274, %swap3A_275] {strides = array<i32>} : memref<32x512xf32, #tpu.memory_space<vmem>>, vector<16xf32>,
      tpu.vector_store %arg14[%swap3A_274, %swap3A_275], %gather3A_272 {strides = array<i32>} : memref<32x512xf32, #tpu.memory_space<vmem>>, vector<16xf32>,
      %add3A_277 = arith.constant 4 : i32
      %add3A_278 = vector.broadcast %add3A_277 : i32 to vector<16xi32>
      %add3A_279 = arith.addi %mul3A_246, %add3A_278 : vector<16xi32>
      %gather3A_280 = tpu.vector_load_idx %arg13[%add3A_237, %add3A_279] : memref<512x128xf32, #tpu.memory_space<vmem>>[vector<16xi32>, vector<16xi32>], vector<16xf32>,
      %swap3A_281 = arith.constant 4 : i32
      %swap3A_282 = arith.index_cast %swap3A_281 : i32 to index
      %swap3A_283 = arith.index_cast %multiple_of3A : i32 to index
      %swap3A_284 = tpu.vector_load %arg14[%swap3A_282, %swap3A_283] {strides = array<i32>} : memref<32x512xf32, #tpu.memory_space<vmem>>, vector<16xf32>,
      tpu.vector_store %arg14[%swap3A_282, %swap3A_283], %gather3A_280 {strides = array<i32>} : memref<32x512xf32, #tpu.memory_space<vmem>>, vector<16xf32>,
      %add3A_285 = arith.constant 5 : i32
      %add3A_286 = vector.broadcast %add3A_285 : i32 to vector<16xi32>
      %add3A_287 = arith.addi %mul3A_246, %add3A_286 : vector<16xi32>
      %gather3A_288 = tpu.vector_load_idx %arg13[%add3A_237, %add3A_287] : memref<512x128xf32, #tpu.memory_space<vmem>>[vector<16xi32>, vector<16xi32>], vector<16xf32>,
      %swap3A_289 = arith.constant 5 : i32
      %swap3A_290 = arith.index_cast %swap3A_289 : i32 to index
      %swap3A_291 = arith.index_cast %multiple_of3A : i32 to index
      %swap3A_292 = tpu.vector_load %arg14[%swap3A_290, %swap3A_291] {strides = array<i32>} : memref<32x512xf32, #tpu.memory_space<vmem>>, vector<16xf32>,
      tpu.vector_store %arg14[%swap3A_290, %swap3A_291], %gather3A_288 {strides = array<i32>} : memref<32x512xf32, #tpu.memory_space<vmem>>, vector<16xf32>,
      %add3A_293 = arith.constant 6 : i32
      %add3A_294 = vector.broadcast %add3A_293 : i32 to vector<16xi32>
      %add3A_295 = arith.addi %mul3A_246, %add3A_294 : vector<16xi32>
      %gather3A_296 = tpu.vector_load_idx %arg13[%add3A_237, %add3A_295] : memref<512x128xf32, #tpu.memory_space<vmem>>[vector<16xi32>, vector<16xi32>], vector<16xf32>,
      %swap3A_297 = arith.constant 6 : i32
      %swap3A_298 = arith.index_cast %swap3A_297 : i32 to index
      %swap3A_299 = arith.index_cast %multiple_of3A : i32 to index
      %swap3A_300 = tpu.vector_load %arg14[%swap3A_298, %swap3A_299] {strides = array<i32>} : memref<32x512xf32, #tpu.memory_space<vmem>>, vector<16xf32>,
      tpu.vector_store %arg14[%swap3A_298, %swap3A_299], %gather3A_296 {strides = array<i32>} : memref<32x512xf32, #tpu.memory_space<vmem>>, vector<16xf32>,
      %add3A_301 = arith.constant 7 : i32
      %add3A_302 = vector.broadcast %add3A_301 : i32 to vector<16xi32>
      %add3A_303 = arith.addi %mul3A_246, %add3A_302 : vector<16xi32>
      %gather3A_304 = tpu.vector_load_idx %arg13[%add3A_237, %add3A_303] : memref<512x128xf32, #tpu.memory_space<vmem>>[vector<16xi32>, vector<16xi32>], vector<16xf32>,
      %swap3A_305 = arith.constant 7 : i32
      %swap3A_306 = arith.index_cast %swap3A_305 : i32 to index
      %swap3A_307 = arith.index_cast %multiple_of3A : i32 to index
      %swap3A_308 = tpu.vector_load %arg14[%swap3A_306, %swap3A_307] {strides = array<i32>} : memref<32x512xf32, #tpu.memory_space<vmem>>, vector<16xf32>,
      tpu.vector_store %arg14[%swap3A_306, %swap3A_307], %gather3A_304 {strides = array<i32>} : memref<32x512xf32, #tpu.memory_space<vmem>>, vector<16xf32>,
      %add3A_309 = arith.constant 8 : i32
      %add3A_310 = vector.broadcast %add3A_309 : i32 to vector<16xi32>
      %add3A_311 = arith.addi %mul3A_246, %add3A_310 : vector<16xi32>
      %gather3A_312 = tpu.vector_load_idx %arg13[%add3A_237, %add3A_311] : memref<512x128xf32, #tpu.memory_space<vmem>>[vector<16xi32>, vector<16xi32>], vector<16xf32>,
      %swap3A_313 = arith.constant 8 : i32
      %swap3A_314 = arith.index_cast %swap3A_313 : i32 to index
      %swap3A_315 = arith.index_cast %multiple_of3A : i32 to index
      %swap3A_316 = tpu.vector_load %arg14[%swap3A_314, %swap3A_315] {strides = array<i32>} : memref<32x512xf32, #tpu.memory_space<vmem>>, vector<16xf32>,
      tpu.vector_store %arg14[%swap3A_314, %swap3A_315], %gather3A_312 {strides = array<i32>} : memref<32x512xf32, #tpu.memory_space<vmem>>, vector<16xf32>,
      %add3A_317 = arith.constant 9 : i32
      %add3A_318 = vector.broadcast %add3A_317 : i32 to vector<16xi32>
      %add3A_319 = arith.addi %mul3A_246, %add3A_318 : vector<16xi32>
      %gather3A_320 = tpu.vector_load_idx %arg13[%add3A_237, %add3A_319] : memref<512x128xf32, #tpu.memory_space<vmem>>[vector<16xi32>, vector<16xi32>], vector<16xf32>,
      %swap3A_321 = arith.constant 9 : i32
      %swap3A_322 = arith.index_cast %swap3A_321 : i32 to index
      %swap3A_323 = arith.index_cast %multiple_of3A : i32 to index
      %swap3A_324 = tpu.vector_load %arg14[%swap3A_322, %swap3A_323] {strides = array<i32>} : memref<32x512xf32, #tpu.memory_space<vmem>>, vector<16xf32>,
      tpu.vector_store %arg14[%swap3A_322, %swap3A_323], %gather3A_320 {strides = array<i32>} : memref<32x512xf32, #tpu.memory_space<vmem>>, vector<16xf32>,
      %add3A_325 = arith.constant 10 : i32
      %add3A_326 = vector.broadcast %add3A_325 : i32 to vector<16xi32>
      %add3A_327 = arith.addi %mul3A_246, %add3A_326 : vector<16xi32>
      %gather3A_328 = tpu.vector_load_idx %arg13[%add3A_237, %add3A_327] : memref<512x128xf32, #tpu.memory_space<vmem>>[vector<16xi32>, vector<16xi32>], vector<16xf32>,
      %swap3A_329 = arith.constant 10 : i32
      %swap3A_330 = arith.index_cast %swap3A_329 : i32 to index
      %swap3A_331 = arith.index_cast %multiple_of3A : i32 to index
      %swap3A_332 = tpu.vector_load %arg14[%swap3A_330, %swap3A_331] {strides = array<i32>} : memref<32x512xf32, #tpu.memory_space<vmem>>, vector<16xf32>,
      tpu.vector_store %arg14[%swap3A_330, %swap3A_331], %gather3A_328 {strides = array<i32>} : memref<32x512xf32, #tpu.memory_space<vmem>>, vector<16xf32>,
      %add3A_333 = arith.constant 11 : i32
      %add3A_334 = vector.broadcast %add3A_333 : i32 to vector<16xi32>
      %add3A_335 = arith.addi %mul3A_246, %add3A_334 : vector<16xi32>
      %gather3A_336 = tpu.vector_load_idx %arg13[%add3A_237, %add3A_335] : memref<512x128xf32, #tpu.memory_space<vmem>>[vector<16xi32>, vector<16xi32>], vector<16xf32>,
      %swap3A_337 = arith.constant 11 : i32
      %swap3A_338 = arith.index_cast %swap3A_337 : i32 to index
      %swap3A_339 = arith.index_cast %multiple_of3A : i32 to index
      %swap3A_340 = tpu.vector_load %arg14[%swap3A_338, %swap3A_339] {strides = array<i32>} : memref<32x512xf32, #tpu.memory_space<vmem>>, vector<16xf32>,
      tpu.vector_store %arg14[%swap3A_338, %swap3A_339], %gather3A_336 {strides = array<i32>} : memref<32x512xf32, #tpu.memory_space<vmem>>, vector<16xf32>,
      %add3A_341 = arith.constant 12 : i32
      %add3A_342 = vector.broadcast %add3A_341 : i32 to vector<16xi32>
      %add3A_343 = arith.addi %mul3A_246, %add3A_342 : vector<16xi32>
      %gather3A_344 = tpu.vector_load_idx %arg13[%add3A_237, %add3A_343] : memref<512x128xf32, #tpu.memory_space<vmem>>[vector<16xi32>, vector<16xi32>], vector<16xf32>,
      %swap3A_345 = arith.constant 12 : i32
      %swap3A_346 = arith.index_cast %swap3A_345 : i32 to index
      %swap3A_347 = arith.index_cast %multiple_of3A : i32 to index
      %swap3A_348 = tpu.vector_load %arg14[%swap3A_346, %swap3A_347] {strides = array<i32>} : memref<32x512xf32, #tpu.memory_space<vmem>>, vector<16xf32>,
      tpu.vector_store %arg14[%swap3A_346, %swap3A_347], %gather3A_344 {strides = array<i32>} : memref<32x512xf32, #tpu.memory_space<vmem>>, vector<16xf32>,
      %add3A_349 = arith.constant 13 : i32
      %add3A_350 = vector.broadcast %add3A_349 : i32 to vector<16xi32>
      %add3A_351 = arith.addi %mul3A_246, %add3A_350 : vector<16xi32>
      %gather3A_352 = tpu.vector_load_idx %arg13[%add3A_237, %add3A_351] : memref<512x128xf32, #tpu.memory_space<vmem>>[vector<16xi32>, vector<16xi32>], vector<16xf32>,
      %swap3A_353 = arith.constant 13 : i32
      %swap3A_354 = arith.index_cast %swap3A_353 : i32 to index
      %swap3A_355 = arith.index_cast %multiple_of3A : i32 to index
      %swap3A_356 = tpu.vector_load %arg14[%swap3A_354, %swap3A_355] {strides = array<i32>} : memref<32x512xf32, #tpu.memory_space<vmem>>, vector<16xf32>,
      tpu.vector_store %arg14[%swap3A_354, %swap3A_355], %gather3A_352 {strides = array<i32>} : memref<32x512xf32, #tpu.memory_space<vmem>>, vector<16xf32>,
      %add3A_357 = arith.constant 14 : i32
      %add3A_358 = vector.broadcast %add3A_357 : i32 to vector<16xi32>
      %add3A_359 = arith.addi %mul3A_246, %add3A_358 : vector<16xi32>
      %gather3A_360 = tpu.vector_load_idx %arg13[%add3A_237, %add3A_359] : memref<512x128xf32, #tpu.memory_space<vmem>>[vector<16xi32>, vector<16xi32>], vector<16xf32>,
      %swap3A_361 = arith.constant 14 : i32
      %swap3A_362 = arith.index_cast %swap3A_361 : i32 to index
      %swap3A_363 = arith.index_cast %multiple_of3A : i32 to index
      %swap3A_364 = tpu.vector_load %arg14[%swap3A_362, %swap3A_363] {strides = array<i32>} : memref<32x512xf32, #tpu.memory_space<vmem>>, vector<16xf32>,
      tpu.vector_store %arg14[%swap3A_362, %swap3A_363], %gather3A_360 {strides = array<i32>} : memref<32x512xf32, #tpu.memory_space<vmem>>, vector<16xf32>,
      %add3A_365 = arith.constant 15 : i32
      %add3A_366 = vector.broadcast %add3A_365 : i32 to vector<16xi32>
      %add3A_367 = arith.addi %mul3A_246, %add3A_366 : vector<16xi32>
      %gather3A_368 = tpu.vector_load_idx %arg13[%add3A_237, %add3A_367] : memref<512x128xf32, #tpu.memory_space<vmem>>[vector<16xi32>, vector<16xi32>], vector<16xf32>,
      %swap3A_369 = arith.constant 15 : i32
      %swap3A_370 = arith.index_cast %swap3A_369 : i32 to index
      %swap3A_371 = arith.index_cast %multiple_of3A : i32 to index
      %swap3A_372 = tpu.vector_load %arg14[%swap3A_370, %swap3A_371] {strides = array<i32>} : memref<32x512xf32, #tpu.memory_space<vmem>>, vector<16xf32>,
      tpu.vector_store %arg14[%swap3A_370, %swap3A_371], %gather3A_368 {strides = array<i32>} : memref<32x512xf32, #tpu.memory_space<vmem>>, vector<16xf32>,
      %add3A_373 = arith.constant 16 : i32
      %add3A_374 = vector.broadcast %add3A_373 : i32 to vector<16xi32>
      %add3A_375 = arith.addi %mul3A_246, %add3A_374 : vector<16xi32>
      %gather3A_376 = tpu.vector_load_idx %arg13[%add3A_237, %add3A_375] : memref<512x128xf32, #tpu.memory_space<vmem>>[vector<16xi32>, vector<16xi32>], vector<16xf32>,
      %swap3A_377 = arith.constant 16 : i32
      %swap3A_378 = arith.index_cast %swap3A_377 : i32 to index
      %swap3A_379 = arith.index_cast %multiple_of3A : i32 to index
      %swap3A_380 = tpu.vector_load %arg14[%swap3A_378, %swap3A_379] {strides = array<i32>} : memref<32x512xf32, #tpu.memory_space<vmem>>, vector<16xf32>,
      tpu.vector_store %arg14[%swap3A_378, %swap3A_379], %gather3A_376 {strides = array<i32>} : memref<32x512xf32, #tpu.memory_space<vmem>>, vector<16xf32>,
      %add3A_381 = arith.constant 17 : i32
      %add3A_382 = vector.broadcast %add3A_381 : i32 to vector<16xi32>
      %add3A_383 = arith.addi %mul3A_246, %add3A_382 : vector<16xi32>
      %gather3A_384 = tpu.vector_load_idx %arg13[%add3A_237, %add3A_383] : memref<512x128xf32, #tpu.memory_space<vmem>>[vector<16xi32>, vector<16xi32>], vector<16xf32>,
      %swap3A_385 = arith.constant 17 : i32
      %swap3A_386 = arith.index_cast %swap3A_385 : i32 to index
      %swap3A_387 = arith.index_cast %multiple_of3A : i32 to index
      %swap3A_388 = tpu.vector_load %arg14[%swap3A_386, %swap3A_387] {strides = array<i32>} : memref<32x512xf32, #tpu.memory_space<vmem>>, vector<16xf32>,
      tpu.vector_store %arg14[%swap3A_386, %swap3A_387], %gather3A_384 {strides = array<i32>} : memref<32x512xf32, #tpu.memory_space<vmem>>, vector<16xf32>,
      %add3A_389 = arith.constant 18 : i32
      %add3A_390 = vector.broadcast %add3A_389 : i32 to vector<16xi32>
      %add3A_391 = arith.addi %mul3A_246, %add3A_390 : vector<16xi32>
      %gather3A_392 = tpu.vector_load_idx %arg13[%add3A_237, %add3A_391] : memref<512x128xf32, #tpu.memory_space<vmem>>[vector<16xi32>, vector<16xi32>], vector<16xf32>,
      %swap3A_393 = arith.constant 18 : i32
      %swap3A_394 = arith.index_cast %swap3A_393 : i32 to index
      %swap3A_395 = arith.index_cast %multiple_of3A : i32 to index
      %swap3A_396 = tpu.vector_load %arg14[%swap3A_394, %swap3A_395] {strides = array<i32>} : memref<32x512xf32, #tpu.memory_space<vmem>>, vector<16xf32>,
      tpu.vector_store %arg14[%swap3A_394, %swap3A_395], %gather3A_392 {strides = array<i32>} : memref<32x512xf32, #tpu.memory_space<vmem>>, vector<16xf32>,
      %add3A_397 = arith.constant 19 : i32
      %add3A_398 = vector.broadcast %add3A_397 : i32 to vector<16xi32>
      %add3A_399 = arith.addi %mul3A_246, %add3A_398 : vector<16xi32>
      %gather3A_400 = tpu.vector_load_idx %arg13[%add3A_237, %add3A_399] : memref<512x128xf32, #tpu.memory_space<vmem>>[vector<16xi32>, vector<16xi32>], vector<16xf32>,
      %swap3A_401 = arith.constant 19 : i32
      %swap3A_402 = arith.index_cast %swap3A_401 : i32 to index
      %swap3A_403 = arith.index_cast %multiple_of3A : i32 to index
      %swap3A_404 = tpu.vector_load %arg14[%swap3A_402, %swap3A_403] {strides = array<i32>} : memref<32x512xf32, #tpu.memory_space<vmem>>, vector<16xf32>,
      tpu.vector_store %arg14[%swap3A_402, %swap3A_403], %gather3A_400 {strides = array<i32>} : memref<32x512xf32, #tpu.memory_space<vmem>>, vector<16xf32>,
      %add3A_405 = arith.constant 20 : i32
      %add3A_406 = vector.broadcast %add3A_405 : i32 to vector<16xi32>
      %add3A_407 = arith.addi %mul3A_246, %add3A_406 : vector<16xi32>
      %gather3A_408 = tpu.vector_load_idx %arg13[%add3A_237, %add3A_407] : memref<512x128xf32, #tpu.memory_space<vmem>>[vector<16xi32>, vector<16xi32>], vector<16xf32>,
      %swap3A_409 = arith.constant 20 : i32
      %swap3A_410 = arith.index_cast %swap3A_409 : i32 to index
      %swap3A_411 = arith.index_cast %multiple_of3A : i32 to index
      %swap3A_412 = tpu.vector_load %arg14[%swap3A_410, %swap3A_411] {strides = array<i32>} : memref<32x512xf32, #tpu.memory_space<vmem>>, vector<16xf32>,
      tpu.vector_store %arg14[%swap3A_410, %swap3A_411], %gather3A_408 {strides = array<i32>} : memref<32x512xf32, #tpu.memory_space<vmem>>, vector<16xf32>,
      %add3A_413 = arith.constant 21 : i32
      %add3A_414 = vector.broadcast %add3A_413 : i32 to vector<16xi32>
      %add3A_415 = arith.addi %mul3A_246, %add3A_414 : vector<16xi32>
      %gather3A_416 = tpu.vector_load_idx %arg13[%add3A_237, %add3A_415] : memref<512x128xf32, #tpu.memory_space<vmem>>[vector<16xi32>, vector<16xi32>], vector<16xf32>,
      %swap3A_417 = arith.constant 21 : i32
      %swap3A_418 = arith.index_cast %swap3A_417 : i32 to index
      %swap3A_419 = arith.index_cast %multiple_of3A : i32 to index
      %swap3A_420 = tpu.vector_load %arg14[%swap3A_418, %swap3A_419] {strides = array<i32>} : memref<32x512xf32, #tpu.memory_space<vmem>>, vector<16xf32>,
      tpu.vector_store %arg14[%swap3A_418, %swap3A_419], %gather3A_416 {strides = array<i32>} : memref<32x512xf32, #tpu.memory_space<vmem>>, vector<16xf32>,
      %add3A_421 = arith.constant 22 : i32
      %add3A_422 = vector.broadcast %add3A_421 : i32 to vector<16xi32>
      %add3A_423 = arith.addi %mul3A_246, %add3A_422 : vector<16xi32>
      %gather3A_424 = tpu.vector_load_idx %arg13[%add3A_237, %add3A_423] : memref<512x128xf32, #tpu.memory_space<vmem>>[vector<16xi32>, vector<16xi32>], vector<16xf32>,
      %swap3A_425 = arith.constant 22 : i32
      %swap3A_426 = arith.index_cast %swap3A_425 : i32 to index
      %swap3A_427 = arith.index_cast %multiple_of3A : i32 to index
      %swap3A_428 = tpu.vector_load %arg14[%swap3A_426, %swap3A_427] {strides = array<i32>} : memref<32x512xf32, #tpu.memory_space<vmem>>, vector<16xf32>,
      tpu.vector_store %arg14[%swap3A_426, %swap3A_427], %gather3A_424 {strides = array<i32>} : memref<32x512xf32, #tpu.memory_space<vmem>>, vector<16xf32>,
      %add3A_429 = arith.constant 23 : i32
      %add3A_430 = vector.broadcast %add3A_429 : i32 to vector<16xi32>
      %add3A_431 = arith.addi %mul3A_246, %add3A_430 : vector<16xi32>
      %gather3A_432 = tpu.vector_load_idx %arg13[%add3A_237, %add3A_431] : memref<512x128xf32, #tpu.memory_space<vmem>>[vector<16xi32>, vector<16xi32>], vector<16xf32>,
      %swap3A_433 = arith.constant 23 : i32
      %swap3A_434 = arith.index_cast %swap3A_433 : i32 to index
      %swap3A_435 = arith.index_cast %multiple_of3A : i32 to index
      %swap3A_436 = tpu.vector_load %arg14[%swap3A_434, %swap3A_435] {strides = array<i32>} : memref<32x512xf32, #tpu.memory_space<vmem>>, vector<16xf32>,
      tpu.vector_store %arg14[%swap3A_434, %swap3A_435], %gather3A_432 {strides = array<i32>} : memref<32x512xf32, #tpu.memory_space<vmem>>, vector<16xf32>,
      %add3A_437 = arith.constant 24 : i32
      %add3A_438 = vector.broadcast %add3A_437 : i32 to vector<16xi32>
      %add3A_439 = arith.addi %mul3A_246, %add3A_438 : vector<16xi32>
      %gather3A_440 = tpu.vector_load_idx %arg13[%add3A_237, %add3A_439] : memref<512x128xf32, #tpu.memory_space<vmem>>[vector<16xi32>, vector<16xi32>], vector<16xf32>,
      %swap3A_441 = arith.constant 24 : i32
      %swap3A_442 = arith.index_cast %swap3A_441 : i32 to index
      %swap3A_443 = arith.index_cast %multiple_of3A : i32 to index
      %swap3A_444 = tpu.vector_load %arg14[%swap3A_442, %swap3A_443] {strides = array<i32>} : memref<32x512xf32, #tpu.memory_space<vmem>>, vector<16xf32>,
      tpu.vector_store %arg14[%swap3A_442, %swap3A_443], %gather3A_440 {strides = array<i32>} : memref<32x512xf32, #tpu.memory_space<vmem>>, vector<16xf32>,
      %add3A_445 = arith.constant 25 : i32
      %add3A_446 = vector.broadcast %add3A_445 : i32 to vector<16xi32>
      %add3A_447 = arith.addi %mul3A_246, %add3A_446 : vector<16xi32>
      %gather3A_448 = tpu.vector_load_idx %arg13[%add3A_237, %add3A_447] : memref<512x128xf32, #tpu.memory_space<vmem>>[vector<16xi32>, vector<16xi32>], vector<16xf32>,
      %swap3A_449 = arith.constant 25 : i32
      %swap3A_450 = arith.index_cast %swap3A_449 : i32 to index
      %swap3A_451 = arith.index_cast %multiple_of3A : i32 to index
      %swap3A_452 = tpu.vector_load %arg14[%swap3A_450, %swap3A_451] {strides = array<i32>} : memref<32x512xf32, #tpu.memory_space<vmem>>, vector<16xf32>,
      tpu.vector_store %arg14[%swap3A_450, %swap3A_451], %gather3A_448 {strides = array<i32>} : memref<32x512xf32, #tpu.memory_space<vmem>>, vector<16xf32>,
      %add3A_453 = arith.constant 26 : i32
      %add3A_454 = vector.broadcast %add3A_453 : i32 to vector<16xi32>
      %add3A_455 = arith.addi %mul3A_246, %add3A_454 : vector<16xi32>
      %gather3A_456 = tpu.vector_load_idx %arg13[%add3A_237, %add3A_455] : memref<512x128xf32, #tpu.memory_space<vmem>>[vector<16xi32>, vector<16xi32>], vector<16xf32>,
      %swap3A_457 = arith.constant 26 : i32
      %swap3A_458 = arith.index_cast %swap3A_457 : i32 to index
      %swap3A_459 = arith.index_cast %multiple_of3A : i32 to index
      %swap3A_460 = tpu.vector_load %arg14[%swap3A_458, %swap3A_459] {strides = array<i32>} : memref<32x512xf32, #tpu.memory_space<vmem>>, vector<16xf32>,
      tpu.vector_store %arg14[%swap3A_458, %swap3A_459], %gather3A_456 {strides = array<i32>} : memref<32x512xf32, #tpu.memory_space<vmem>>, vector<16xf32>,
      %add3A_461 = arith.constant 27 : i32
      %add3A_462 = vector.broadcast %add3A_461 : i32 to vector<16xi32>
      %add3A_463 = arith.addi %mul3A_246, %add3A_462 : vector<16xi32>
      %gather3A_464 = tpu.vector_load_idx %arg13[%add3A_237, %add3A_463] : memref<512x128xf32, #tpu.memory_space<vmem>>[vector<16xi32>, vector<16xi32>], vector<16xf32>,
      %swap3A_465 = arith.constant 27 : i32
      %swap3A_466 = arith.index_cast %swap3A_465 : i32 to index
      %swap3A_467 = arith.index_cast %multiple_of3A : i32 to index
      %swap3A_468 = tpu.vector_load %arg14[%swap3A_466, %swap3A_467] {strides = array<i32>} : memref<32x512xf32, #tpu.memory_space<vmem>>, vector<16xf32>,
      tpu.vector_store %arg14[%swap3A_466, %swap3A_467], %gather3A_464 {strides = array<i32>} : memref<32x512xf32, #tpu.memory_space<vmem>>, vector<16xf32>,
      %add3A_469 = arith.constant 28 : i32
      %add3A_470 = vector.broadcast %add3A_469 : i32 to vector<16xi32>
      %add3A_471 = arith.addi %mul3A_246, %add3A_470 : vector<16xi32>
      %gather3A_472 = tpu.vector_load_idx %arg13[%add3A_237, %add3A_471] : memref<512x128xf32, #tpu.memory_space<vmem>>[vector<16xi32>, vector<16xi32>], vector<16xf32>,
      %swap3A_473 = arith.constant 28 : i32
      %swap3A_474 = arith.index_cast %swap3A_473 : i32 to index
      %swap3A_475 = arith.index_cast %multiple_of3A : i32 to index
      %swap3A_476 = tpu.vector_load %arg14[%swap3A_474, %swap3A_475] {strides = array<i32>} : memref<32x512xf32, #tpu.memory_space<vmem>>, vector<16xf32>,
      tpu.vector_store %arg14[%swap3A_474, %swap3A_475], %gather3A_472 {strides = array<i32>} : memref<32x512xf32, #tpu.memory_space<vmem>>, vector<16xf32>,
      %add3A_477 = arith.constant 29 : i32
      %add3A_478 = vector.broadcast %add3A_477 : i32 to vector<16xi32>
      %add3A_479 = arith.addi %mul3A_246, %add3A_478 : vector<16xi32>
      %gather3A_480 = tpu.vector_load_idx %arg13[%add3A_237, %add3A_479] : memref<512x128xf32, #tpu.memory_space<vmem>>[vector<16xi32>, vector<16xi32>], vector<16xf32>,
      %swap3A_481 = arith.constant 29 : i32
      %swap3A_482 = arith.index_cast %swap3A_481 : i32 to index
      %swap3A_483 = arith.index_cast %multiple_of3A : i32 to index
      %swap3A_484 = tpu.vector_load %arg14[%swap3A_482, %swap3A_483] {strides = array<i32>} : memref<32x512xf32, #tpu.memory_space<vmem>>, vector<16xf32>,
      tpu.vector_store %arg14[%swap3A_482, %swap3A_483], %gather3A_480 {strides = array<i32>} : memref<32x512xf32, #tpu.memory_space<vmem>>, vector<16xf32>,
      %add3A_485 = arith.constant 30 : i32
      %add3A_486 = vector.broadcast %add3A_485 : i32 to vector<16xi32>
      %add3A_487 = arith.addi %mul3A_246, %add3A_486 : vector<16xi32>
      %gather3A_488 = tpu.vector_load_idx %arg13[%add3A_237, %add3A_487] : memref<512x128xf32, #tpu.memory_space<vmem>>[vector<16xi32>, vector<16xi32>], vector<16xf32>,
      %swap3A_489 = arith.constant 30 : i32
      %swap3A_490 = arith.index_cast %swap3A_489 : i32 to index
      %swap3A_491 = arith.index_cast %multiple_of3A : i32 to index
      %swap3A_492 = tpu.vector_load %arg14[%swap3A_490, %swap3A_491] {strides = array<i32>} : memref<32x512xf32, #tpu.memory_space<vmem>>, vector<16xf32>,
      tpu.vector_store %arg14[%swap3A_490, %swap3A_491], %gather3A_488 {strides = array<i32>} : memref<32x512xf32, #tpu.memory_space<vmem>>, vector<16xf32>,
      %add3A_493 = arith.constant 31 : i32
      %add3A_494 = vector.broadcast %add3A_493 : i32 to vector<16xi32>
      %add3A_495 = arith.addi %mul3A_246, %add3A_494 : vector<16xi32>
      %gather3A_496 = tpu.vector_load_idx %arg13[%add3A_237, %add3A_495] : memref<512x128xf32, #tpu.memory_space<vmem>>[vector<16xi32>, vector<16xi32>], vector<16xf32>,
      %swap3A_497 = arith.constant 31 : i32
      %swap3A_498 = arith.index_cast %swap3A_497 : i32 to index
      %swap3A_499 = arith.index_cast %multiple_of3A : i32 to index
      %swap3A_500 = tpu.vector_load %arg14[%swap3A_498, %swap3A_499] {strides = array<i32>} : memref<32x512xf32, #tpu.memory_space<vmem>>, vector<16xf32>,
      tpu.vector_store %arg14[%swap3A_498, %swap3A_499], %gather3A_496 {strides = array<i32>} : memref<32x512xf32, #tpu.memory_space<vmem>>, vector<16xf32>,
    }
    %scan3A_114 = arith.constant 32 : i32
    %dma_start3A_115 = arith.constant 0 : i32
    %dma_start3A_116 = arith.constant 0 : i32
    %dma_start3A_117 = arith.constant 0 : i32
    %dma_start3A_118 = tpu.memref_slice %arg13[%dma_start3A_116, %dma_start3A_117] : memref<512x128xf32, #tpu.memory_space<vmem>> -> memref<128x128xf32, #tpu.memory_space<vmem>>
    %dma_start3A_119 = arith.constant 0 : i32
    %dma_start3A_120 = tpu.memref_slice %arg12[%dma_start3A_115, %dma_start3A_119] : memref<4x128xi32, #tpu.memory_space<vmem>> -> memref<1x128xi32, #tpu.memory_space<vmem>>
    %dma_start3A_121 = tpu.memref_squeeze %dma_start3A_120 : memref<1x128xi32, #tpu.memory_space<vmem>> -> memref<128xi32, #tpu.memory_space<vmem>>
    %dma_start3A_122 = arith.constant 0 : i32
    %dma_start3A_123 = arith.constant 0 : i32
    %dma_start3A_124 = tpu.memref_slice %arg5[%dma_start3A_122, %dma_start3A_123] : memref<262144x128xf32, #tpu.memory_space<hbm>> -> memref<262144x128xf32, #tpu.memory_space<hbm>>
    tpu.enqueue_indirect_dma source(%dma_start3A_124 : memref<262144x128xf32, #tpu.memory_space<hbm>>) target(%dma_start3A_118 : memref<128x128xf32, #tpu.memory_space<vmem>>) offsets(%dma_start3A_121 : memref<128xi32, #tpu.memory_space<vmem>>) semaphore(%arg17 : memref<!tpu.dma_semaphore, #tpu.memory_space<semaphore_mem>>)
    %dma_start3A_125 = arith.constant 1 : i32
    %dma_start3A_126 = arith.constant 128 : i32
    %dma_start3A_127 = arith.constant 0 : i32
    %dma_start3A_128 = tpu.memref_slice %arg13[%dma_start3A_126, %dma_start3A_127] : memref<512x128xf32, #tpu.memory_space<vmem>> -> memref<128x128xf32, #tpu.memory_space<vmem>>
    %dma_start3A_129 = arith.constant 0 : i32
    %dma_start3A_130 = tpu.memref_slice %arg12[%dma_start3A_125, %dma_start3A_129] : memref<4x128xi32, #tpu.memory_space<vmem>> -> memref<1x128xi32, #tpu.memory_space<vmem>>
    %dma_start3A_131 = tpu.memref_squeeze %dma_start3A_130 : memref<1x128xi32, #tpu.memory_space<vmem>> -> memref<128xi32, #tpu.memory_space<vmem>>
    %dma_start3A_132 = arith.constant 0 : i32
    %dma_start3A_133 = arith.constant 0 : i32
    %dma_start3A_134 = tpu.memref_slice %arg5[%dma_start3A_132, %dma_start3A_133] : memref<262144x128xf32, #tpu.memory_space<hbm>> -> memref<262144x128xf32, #tpu.memory_space<hbm>>
    tpu.enqueue_indirect_dma source(%dma_start3A_134 : memref<262144x128xf32, #tpu.memory_space<hbm>>) target(%dma_start3A_128 : memref<128x128xf32, #tpu.memory_space<vmem>>) offsets(%dma_start3A_131 : memref<128xi32, #tpu.memory_space<vmem>>) semaphore(%arg17 : memref<!tpu.dma_semaphore, #tpu.memory_space<semaphore_mem>>)
    %dma_start3A_135 = arith.constant 2 : i32
    %dma_start3A_136 = arith.constant 256 : i32
    %dma_start3A_137 = arith.constant 0 : i32
    %dma_start3A_138 = tpu.memref_slice %arg13[%dma_start3A_136, %dma_start3A_137] : memref<512x128xf32, #tpu.memory_space<vmem>> -> memref<128x128xf32, #tpu.memory_space<vmem>>
    %dma_start3A_139 = arith.constant 0 : i32
    %dma_start3A_140 = tpu.memref_slice %arg12[%dma_start3A_135, %dma_start3A_139] : memref<4x128xi32, #tpu.memory_space<vmem>> -> memref<1x128xi32, #tpu.memory_space<vmem>>
    %dma_start3A_141 = tpu.memref_squeeze %dma_start3A_140 : memref<1x128xi32, #tpu.memory_space<vmem>> -> memref<128xi32, #tpu.memory_space<vmem>>
    %dma_start3A_142 = arith.constant 0 : i32
    %dma_start3A_143 = arith.constant 0 : i32
    %dma_start3A_144 = tpu.memref_slice %arg5[%dma_start3A_142, %dma_start3A_143] : memref<262144x128xf32, #tpu.memory_space<hbm>> -> memref<262144x128xf32, #tpu.memory_space<hbm>>
    tpu.enqueue_indirect_dma source(%dma_start3A_144 : memref<262144x128xf32, #tpu.memory_space<hbm>>) target(%dma_start3A_138 : memref<128x128xf32, #tpu.memory_space<vmem>>) offsets(%dma_start3A_141 : memref<128xi32, #tpu.memory_space<vmem>>) semaphore(%arg17 : memref<!tpu.dma_semaphore, #tpu.memory_space<semaphore_mem>>)
    %dma_start3A_145 = arith.constant 3 : i32
    %dma_start3A_146 = arith.constant 384 : i32
    %dma_start3A_147 = arith.constant 0 : i32
    %dma_start3A_148 = tpu.memref_slice %arg13[%dma_start3A_146, %dma_start3A_147] : memref<512x128xf32, #tpu.memory_space<vmem>> -> memref<128x128xf32, #tpu.memory_space<vmem>>
    %dma_start3A_149 = arith.constant 0 : i32
    %dma_start3A_150 = tpu.memref_slice %arg12[%dma_start3A_145, %dma_start3A_149] : memref<4x128xi32, #tpu.memory_space<vmem>> -> memref<1x128xi32, #tpu.memory_space<vmem>>
    %dma_start3A_151 = tpu.memref_squeeze %dma_start3A_150 : memref<1x128xi32, #tpu.memory_space<vmem>> -> memref<128xi32, #tpu.memory_space<vmem>>
    %dma_start3A_152 = arith.constant 0 : i32
    %dma_start3A_153 = arith.constant 0 : i32
    %dma_start3A_154 = tpu.memref_slice %arg5[%dma_start3A_152, %dma_start3A_153] : memref<262144x128xf32, #tpu.memory_space<hbm>> -> memref<262144x128xf32, #tpu.memory_space<hbm>>
    tpu.enqueue_indirect_dma source(%dma_start3A_154 : memref<262144x128xf32, #tpu.memory_space<hbm>>) target(%dma_start3A_148 : memref<128x128xf32, #tpu.memory_space<vmem>>) offsets(%dma_start3A_151 : memref<128xi32, #tpu.memory_space<vmem>>) semaphore(%arg17 : memref<!tpu.dma_semaphore, #tpu.memory_space<semaphore_mem>>)
    %dma_wait3A_155 = arith.constant 0 : i32
    %dma_wait3A_156 = arith.constant 0 : i32
    %dma_wait3A_157 = arith.constant 0 : i32
    %dma_wait3A_158 = tpu.memref_slice %arg13[%dma_wait3A_156, %dma_wait3A_157] : memref<512x128xf32, #tpu.memory_space<vmem>> -> memref<128x128xf32, #tpu.memory_space<vmem>>
    %dma_wait3A_159 = arith.constant 0 : i32
    %dma_wait3A_160 = tpu.memref_slice %arg12[%dma_wait3A_155, %dma_wait3A_159] : memref<4x128xi32, #tpu.memory_space<vmem>> -> memref<1x128xi32, #tpu.memory_space<vmem>>
    %dma_wait3A_161 = tpu.memref_squeeze %dma_wait3A_160 : memref<1x128xi32, #tpu.memory_space<vmem>> -> memref<128xi32, #tpu.memory_space<vmem>>
    %dma_wait3A_162 = arith.constant 0 : i32
    %dma_wait3A_163 = arith.constant 0 : i32
    %dma_wait3A_164 = tpu.memref_slice %arg5[%dma_wait3A_162, %dma_wait3A_163] : memref<262144x128xf32, #tpu.memory_space<hbm>> -> memref<262144x128xf32, #tpu.memory_space<hbm>>
    tpu.wait_indirect_dma semaphore(%arg17 : memref<!tpu.dma_semaphore, #tpu.memory_space<semaphore_mem>>) src(%dma_wait3A_164 : memref<262144x128xf32, #tpu.memory_space<hbm>>) dst(%dma_wait3A_158 : memref<128x128xf32, #tpu.memory_space<vmem>>)
    %dma_wait3A_165 = arith.constant 1 : i32
    %dma_wait3A_166 = arith.constant 128 : i32
    %dma_wait3A_167 = arith.constant 0 : i32
    %dma_wait3A_168 = tpu.memref_slice %arg13[%dma_wait3A_166, %dma_wait3A_167] : memref<512x128xf32, #tpu.memory_space<vmem>> -> memref<128x128xf32, #tpu.memory_space<vmem>>
    %dma_wait3A_169 = arith.constant 0 : i32
    %dma_wait3A_170 = tpu.memref_slice %arg12[%dma_wait3A_165, %dma_wait3A_169] : memref<4x128xi32, #tpu.memory_space<vmem>> -> memref<1x128xi32, #tpu.memory_space<vmem>>
    %dma_wait3A_171 = tpu.memref_squeeze %dma_wait3A_170 : memref<1x128xi32, #tpu.memory_space<vmem>> -> memref<128xi32, #tpu.memory_space<vmem>>
    %dma_wait3A_172 = arith.constant 0 : i32
    %dma_wait3A_173 = arith.constant 0 : i32
    %dma_wait3A_174 = tpu.memref_slice %arg5[%dma_wait3A_172, %dma_wait3A_173] : memref<262144x128xf32, #tpu.memory_space<hbm>> -> memref<262144x128xf32, #tpu.memory_space<hbm>>
    tpu.wait_indirect_dma semaphore(%arg17 : memref<!tpu.dma_semaphore, #tpu.memory_space<semaphore_mem>>) src(%dma_wait3A_174 : memref<262144x128xf32, #tpu.memory_space<hbm>>) dst(%dma_wait3A_168 : memref<128x128xf32, #tpu.memory_space<vmem>>)
    %dma_wait3A_175 = arith.constant 2 : i32
    %dma_wait3A_176 = arith.constant 256 : i32
    %dma_wait3A_177 = arith.constant 0 : i32
    %dma_wait3A_178 = tpu.memref_slice %arg13[%dma_wait3A_176, %dma_wait3A_177] : memref<512x128xf32, #tpu.memory_space<vmem>> -> memref<128x128xf32, #tpu.memory_space<vmem>>
    %dma_wait3A_179 = arith.constant 0 : i32
    %dma_wait3A_180 = tpu.memref_slice %arg12[%dma_wait3A_175, %dma_wait3A_179] : memref<4x128xi32, #tpu.memory_space<vmem>> -> memref<1x128xi32, #tpu.memory_space<vmem>>
    %dma_wait3A_181 = tpu.memref_squeeze %dma_wait3A_180 : memref<1x128xi32, #tpu.memory_space<vmem>> -> memref<128xi32, #tpu.memory_space<vmem>>
    %dma_wait3A_182 = arith.constant 0 : i32
    %dma_wait3A_183 = arith.constant 0 : i32
    %dma_wait3A_184 = tpu.memref_slice %arg5[%dma_wait3A_182, %dma_wait3A_183] : memref<262144x128xf32, #tpu.memory_space<hbm>> -> memref<262144x128xf32, #tpu.memory_space<hbm>>
    tpu.wait_indirect_dma semaphore(%arg17 : memref<!tpu.dma_semaphore, #tpu.memory_space<semaphore_mem>>) src(%dma_wait3A_184 : memref<262144x128xf32, #tpu.memory_space<hbm>>) dst(%dma_wait3A_178 : memref<128x128xf32, #tpu.memory_space<vmem>>)
    %dma_wait3A_185 = arith.constant 3 : i32
    %dma_wait3A_186 = arith.constant 384 : i32
    %dma_wait3A_187 = arith.constant 0 : i32
    %dma_wait3A_188 = tpu.memref_slice %arg13[%dma_wait3A_186, %dma_wait3A_187] : memref<512x128xf32, #tpu.memory_space<vmem>> -> memref<128x128xf32, #tpu.memory_space<vmem>>
    %dma_wait3A_189 = arith.constant 0 : i32
    %dma_wait3A_190 = tpu.memref_slice %arg12[%dma_wait3A_185, %dma_wait3A_189] : memref<4x128xi32, #tpu.memory_space<vmem>> -> memref<1x128xi32, #tpu.memory_space<vmem>>
    %dma_wait3A_191 = tpu.memref_squeeze %dma_wait3A_190 : memref<1x128xi32, #tpu.memory_space<vmem>> -> memref<128xi32, #tpu.memory_space<vmem>>
    %dma_wait3A_192 = arith.constant 0 : i32
    %dma_wait3A_193 = arith.constant 0 : i32
    %dma_wait3A_194 = tpu.memref_slice %arg5[%dma_wait3A_192, %dma_wait3A_193] : memref<262144x128xf32, #tpu.memory_space<hbm>> -> memref<262144x128xf32, #tpu.memory_space<hbm>>
    tpu.wait_indirect_dma semaphore(%arg17 : memref<!tpu.dma_semaphore, #tpu.memory_space<semaphore_mem>>) src(%dma_wait3A_194 : memref<262144x128xf32, #tpu.memory_space<hbm>>) dst(%dma_wait3A_188 : memref<128x128xf32, #tpu.memory_space<vmem>>)
    %scan3A_195 = arith.constant 0 : i32
    %scan3A_196 = arith.constant 0 : i32
    %scan3A_197 = arith.constant 32 : i32
    %scan3A_198 = arith.addi %scan3A_196, %scan3A_197 : i32
    %scan3A_199 = arith.constant 1 : i32
    scf.for %scan3A_201 = %scan3A_196 to %scan3A_198 step %scan3A_199  : i32 {
      %jit3A = arith.constant 8 : i32
      %div3A = arith.divsi %scan3A_201, %jit3A : i32
      %sign3A = arith.constant 0 : i32
      %sign3A_202 = arith.cmpi sgt, %scan3A_201, %sign3A : i32
      %sign3A_203 = arith.extui %sign3A_202 : i1 to i32
      %sign3A_204 = arith.constant 0 : i32
      %sign3A_205 = arith.cmpi slt, %scan3A_201, %sign3A_204 : i32
      %sign3A_206 = arith.extui %sign3A_205 : i1 to i32
      %sign3A_207 = arith.subi %sign3A_203, %sign3A_206 : i32
      %sign3A_208 = arith.constant 0 : i32
      %sign3A_209 = arith.cmpi sgt, %jit3A, %sign3A_208 : i32
      %sign3A_210 = arith.extui %sign3A_209 : i1 to i32
      %sign3A_211 = arith.constant 0 : i32
      %sign3A_212 = arith.cmpi slt, %jit3A, %sign3A_211 : i32
      %sign3A_213 = arith.extui %sign3A_212 : i1 to i32
      %sign3A_214 = arith.subi %sign3A_210, %sign3A_213 : i32
      %ne3A = arith.cmpi ne, %sign3A_207, %sign3A_214 : i32
      %rem3A = arith.remsi %scan3A_201, %jit3A : i32
      %ne3A_215 = arith.constant 0 : i32
      %ne3A_216 = arith.cmpi ne, %rem3A, %ne3A_215 : i32
      %and3A = arith.andi %ne3A, %ne3A_216 : i1
      %sub3A = arith.constant 1 : i32
      %sub3A_217 = arith.subi %div3A, %sub3A : i32
      %select_n3A = arith.select %and3A, %sub3A_217, %div3A : i32
      %jit3A_218 = arith.constant 8 : i32
      %eq3A = arith.constant 0 : i32
      %eq3A_219 = arith.cmpi eq, %jit3A_218, %eq3A : i32
      %jit3A_220 = arith.constant 1 : i32
      %select_n3A_221 = arith.select %eq3A_219, %jit3A_220, %jit3A_218 : i32
      %rem3A_222 = arith.remsi %scan3A_201, %select_n3A_221 : i32
      %ne3A_223 = arith.constant 0 : i32
      %ne3A_224 = arith.cmpi ne, %rem3A_222, %ne3A_223 : i32
      %lt3A = arith.constant 0 : i32
      %lt3A_225 = arith.cmpi slt, %rem3A_222, %lt3A : i32
      %lt3A_226 = arith.constant 0 : i32
      %lt3A_227 = arith.cmpi slt, %select_n3A_221, %lt3A_226 : i32
      %ne3A_228 = arith.xori %lt3A_225, %lt3A_227 : i1
      %and3A_229 = arith.andi %ne3A_228, %ne3A_224 : i1
      %add3A_230 = arith.addi %rem3A_222, %select_n3A_221 : i32
      %select_n3A_231 = arith.select %and3A_229, %add3A_230, %rem3A_222 : i32
      %mul3A_232 = arith.constant 16 : i32
      %mul3A_233 = arith.muli %select_n3A_231, %mul3A_232 : i32
      %mul3A_234 = arith.constant 16 : i32
      %mul3A_235 = arith.muli %scan3A_201, %mul3A_234 : i32
      %add3A_236 = vector.broadcast %mul3A_235 : i32 to vector<16xi32>
      %add3A_237 = arith.addi %iota3A, %add3A_236 : vector<16xi32>
      %mul3A_238 = arith.constant 16 : i32
      %mul3A_239 = arith.muli %scan3A_201, %mul3A_238 : i32
      %multiple_of3A = tpu.assume_multiple %mul3A_239, 16 : i32
      %get3A = arith.index_cast %select_n3A : i32 to index
      %get3A_240 = arith.index_cast %mul3A_233 : i32 to index
      %get3A_241 = tpu.vector_load %arg10[%get3A, %get3A_240] {strides = array<i32>} : memref<4x128xi32, #tpu.memory_space<vmem>>, vector<16xi32>,
      %shift_right_logical3A = arith.constant 18 : i32
      %shift_right_logical3A_242 = vector.broadcast %shift_right_logical3A : i32 to vector<16xi32>
      %shift_right_logical3A_243 = arith.shrui %get3A_241, %shift_right_logical3A_242 : vector<16xi32>
      %mul3A_244 = arith.constant 32 : i32
      %mul3A_245 = vector.broadcast %mul3A_244 : i32 to vector<16xi32>
      %mul3A_246 = arith.muli %shift_right_logical3A_243, %mul3A_245 : vector<16xi32>
      %broadcast_in_dim3A = arith.constant 0.000000e+00 : f32
      %broadcast_in_dim3A_247 = vector.broadcast %broadcast_in_dim3A : f32 to vector<16xf32>
      %add3A_248 = arith.constant 0 : i32
      %add3A_249 = vector.broadcast %add3A_248 : i32 to vector<16xi32>
      %add3A_250 = arith.addi %mul3A_246, %add3A_249 : vector<16xi32>
      %gather3A = tpu.vector_load_idx %arg13[%add3A_237, %add3A_250] : memref<512x128xf32, #tpu.memory_space<vmem>>[vector<16xi32>, vector<16xi32>], vector<16xf32>,
      %swap3A = arith.constant 0 : i32
      %swap3A_251 = arith.index_cast %swap3A : i32 to index
      %swap3A_252 = arith.index_cast %multiple_of3A : i32 to index
      %swap3A_253 = tpu.vector_load %arg15[%swap3A_251, %swap3A_252] {strides = array<i32>} : memref<32x512xf32, #tpu.memory_space<vmem>>, vector<16xf32>,
      tpu.vector_store %arg15[%swap3A_251, %swap3A_252], %gather3A {strides = array<i32>} : memref<32x512xf32, #tpu.memory_space<vmem>>, vector<16xf32>,
      %get3A_254 = arith.constant 0 : i32
      %get3A_255 = arith.index_cast %get3A_254 : i32 to index
      %get3A_256 = arith.index_cast %multiple_of3A : i32 to index
      %get3A_257 = tpu.vector_load %arg14[%get3A_255, %get3A_256] {strides = array<i32>} : memref<32x512xf32, #tpu.memory_space<vmem>>, vector<16xf32>,
      %mul3A_258 = arith.mulf %get3A_257, %gather3A : vector<16xf32>
      %add3A_259 = arith.addf %broadcast_in_dim3A_247, %mul3A_258 : vector<16xf32>
      %add3A_260 = arith.constant 1 : i32
      %add3A_261 = vector.broadcast %add3A_260 : i32 to vector<16xi32>
      %add3A_262 = arith.addi %mul3A_246, %add3A_261 : vector<16xi32>
      %gather3A_263 = tpu.vector_load_idx %arg13[%add3A_237, %add3A_262] : memref<512x128xf32, #tpu.memory_space<vmem>>[vector<16xi32>, vector<16xi32>], vector<16xf32>,
      %swap3A_264 = arith.constant 1 : i32
      %swap3A_265 = arith.index_cast %swap3A_264 : i32 to index
      %swap3A_266 = arith.index_cast %multiple_of3A : i32 to index
      %swap3A_267 = tpu.vector_load %arg15[%swap3A_265, %swap3A_266] {strides = array<i32>} : memref<32x512xf32, #tpu.memory_space<vmem>>, vector<16xf32>,
      tpu.vector_store %arg15[%swap3A_265, %swap3A_266], %gather3A_263 {strides = array<i32>} : memref<32x512xf32, #tpu.memory_space<vmem>>, vector<16xf32>,
      %get3A_268 = arith.constant 1 : i32
      %get3A_269 = arith.index_cast %get3A_268 : i32 to index
      %get3A_270 = arith.index_cast %multiple_of3A : i32 to index
      %get3A_271 = tpu.vector_load %arg14[%get3A_269, %get3A_270] {strides = array<i32>} : memref<32x512xf32, #tpu.memory_space<vmem>>, vector<16xf32>,
      %mul3A_272 = arith.mulf %get3A_271, %gather3A_263 : vector<16xf32>
      %add3A_273 = arith.addf %add3A_259, %mul3A_272 : vector<16xf32>
      %add3A_274 = arith.constant 2 : i32
      %add3A_275 = vector.broadcast %add3A_274 : i32 to vector<16xi32>
      %add3A_276 = arith.addi %mul3A_246, %add3A_275 : vector<16xi32>
      %gather3A_277 = tpu.vector_load_idx %arg13[%add3A_237, %add3A_276] : memref<512x128xf32, #tpu.memory_space<vmem>>[vector<16xi32>, vector<16xi32>], vector<16xf32>,
      %swap3A_278 = arith.constant 2 : i32
      %swap3A_279 = arith.index_cast %swap3A_278 : i32 to index
      %swap3A_280 = arith.index_cast %multiple_of3A : i32 to index
      %swap3A_281 = tpu.vector_load %arg15[%swap3A_279, %swap3A_280] {strides = array<i32>} : memref<32x512xf32, #tpu.memory_space<vmem>>, vector<16xf32>,
      tpu.vector_store %arg15[%swap3A_279, %swap3A_280], %gather3A_277 {strides = array<i32>} : memref<32x512xf32, #tpu.memory_space<vmem>>, vector<16xf32>,
      %get3A_282 = arith.constant 2 : i32
      %get3A_283 = arith.index_cast %get3A_282 : i32 to index
      %get3A_284 = arith.index_cast %multiple_of3A : i32 to index
      %get3A_285 = tpu.vector_load %arg14[%get3A_283, %get3A_284] {strides = array<i32>} : memref<32x512xf32, #tpu.memory_space<vmem>>, vector<16xf32>,
      %mul3A_286 = arith.mulf %get3A_285, %gather3A_277 : vector<16xf32>
      %add3A_287 = arith.addf %add3A_273, %mul3A_286 : vector<16xf32>
      %add3A_288 = arith.constant 3 : i32
      %add3A_289 = vector.broadcast %add3A_288 : i32 to vector<16xi32>
      %add3A_290 = arith.addi %mul3A_246, %add3A_289 : vector<16xi32>
      %gather3A_291 = tpu.vector_load_idx %arg13[%add3A_237, %add3A_290] : memref<512x128xf32, #tpu.memory_space<vmem>>[vector<16xi32>, vector<16xi32>], vector<16xf32>,
      %swap3A_292 = arith.constant 3 : i32
      %swap3A_293 = arith.index_cast %swap3A_292 : i32 to index
      %swap3A_294 = arith.index_cast %multiple_of3A : i32 to index
      %swap3A_295 = tpu.vector_load %arg15[%swap3A_293, %swap3A_294] {strides = array<i32>} : memref<32x512xf32, #tpu.memory_space<vmem>>, vector<16xf32>,
      tpu.vector_store %arg15[%swap3A_293, %swap3A_294], %gather3A_291 {strides = array<i32>} : memref<32x512xf32, #tpu.memory_space<vmem>>, vector<16xf32>,
      %get3A_296 = arith.constant 3 : i32
      %get3A_297 = arith.index_cast %get3A_296 : i32 to index
      %get3A_298 = arith.index_cast %multiple_of3A : i32 to index
      %get3A_299 = tpu.vector_load %arg14[%get3A_297, %get3A_298] {strides = array<i32>} : memref<32x512xf32, #tpu.memory_space<vmem>>, vector<16xf32>,
      %mul3A_300 = arith.mulf %get3A_299, %gather3A_291 : vector<16xf32>
      %add3A_301 = arith.addf %add3A_287, %mul3A_300 : vector<16xf32>
      %add3A_302 = arith.constant 4 : i32
      %add3A_303 = vector.broadcast %add3A_302 : i32 to vector<16xi32>
      %add3A_304 = arith.addi %mul3A_246, %add3A_303 : vector<16xi32>
      %gather3A_305 = tpu.vector_load_idx %arg13[%add3A_237, %add3A_304] : memref<512x128xf32, #tpu.memory_space<vmem>>[vector<16xi32>, vector<16xi32>], vector<16xf32>,
      %swap3A_306 = arith.constant 4 : i32
      %swap3A_307 = arith.index_cast %swap3A_306 : i32 to index
      %swap3A_308 = arith.index_cast %multiple_of3A : i32 to index
      %swap3A_309 = tpu.vector_load %arg15[%swap3A_307, %swap3A_308] {strides = array<i32>} : memref<32x512xf32, #tpu.memory_space<vmem>>, vector<16xf32>,
      tpu.vector_store %arg15[%swap3A_307, %swap3A_308], %gather3A_305 {strides = array<i32>} : memref<32x512xf32, #tpu.memory_space<vmem>>, vector<16xf32>,
      %get3A_310 = arith.constant 4 : i32
      %get3A_311 = arith.index_cast %get3A_310 : i32 to index
      %get3A_312 = arith.index_cast %multiple_of3A : i32 to index
      %get3A_313 = tpu.vector_load %arg14[%get3A_311, %get3A_312] {strides = array<i32>} : memref<32x512xf32, #tpu.memory_space<vmem>>, vector<16xf32>,
      %mul3A_314 = arith.mulf %get3A_313, %gather3A_305 : vector<16xf32>
      %add3A_315 = arith.addf %add3A_301, %mul3A_314 : vector<16xf32>
      %add3A_316 = arith.constant 5 : i32
      %add3A_317 = vector.broadcast %add3A_316 : i32 to vector<16xi32>
      %add3A_318 = arith.addi %mul3A_246, %add3A_317 : vector<16xi32>
      %gather3A_319 = tpu.vector_load_idx %arg13[%add3A_237, %add3A_318] : memref<512x128xf32, #tpu.memory_space<vmem>>[vector<16xi32>, vector<16xi32>], vector<16xf32>,
      %swap3A_320 = arith.constant 5 : i32
      %swap3A_321 = arith.index_cast %swap3A_320 : i32 to index
      %swap3A_322 = arith.index_cast %multiple_of3A : i32 to index
      %swap3A_323 = tpu.vector_load %arg15[%swap3A_321, %swap3A_322] {strides = array<i32>} : memref<32x512xf32, #tpu.memory_space<vmem>>, vector<16xf32>,
      tpu.vector_store %arg15[%swap3A_321, %swap3A_322], %gather3A_319 {strides = array<i32>} : memref<32x512xf32, #tpu.memory_space<vmem>>, vector<16xf32>,
      %get3A_324 = arith.constant 5 : i32
      %get3A_325 = arith.index_cast %get3A_324 : i32 to index
      %get3A_326 = arith.index_cast %multiple_of3A : i32 to index
      %get3A_327 = tpu.vector_load %arg14[%get3A_325, %get3A_326] {strides = array<i32>} : memref<32x512xf32, #tpu.memory_space<vmem>>, vector<16xf32>,
      %mul3A_328 = arith.mulf %get3A_327, %gather3A_319 : vector<16xf32>
      %add3A_329 = arith.addf %add3A_315, %mul3A_328 : vector<16xf32>
      %add3A_330 = arith.constant 6 : i32
      %add3A_331 = vector.broadcast %add3A_330 : i32 to vector<16xi32>
      %add3A_332 = arith.addi %mul3A_246, %add3A_331 : vector<16xi32>
      %gather3A_333 = tpu.vector_load_idx %arg13[%add3A_237, %add3A_332] : memref<512x128xf32, #tpu.memory_space<vmem>>[vector<16xi32>, vector<16xi32>], vector<16xf32>,
      %swap3A_334 = arith.constant 6 : i32
      %swap3A_335 = arith.index_cast %swap3A_334 : i32 to index
      %swap3A_336 = arith.index_cast %multiple_of3A : i32 to index
      %swap3A_337 = tpu.vector_load %arg15[%swap3A_335, %swap3A_336] {strides = array<i32>} : memref<32x512xf32, #tpu.memory_space<vmem>>, vector<16xf32>,
      tpu.vector_store %arg15[%swap3A_335, %swap3A_336], %gather3A_333 {strides = array<i32>} : memref<32x512xf32, #tpu.memory_space<vmem>>, vector<16xf32>,
      %get3A_338 = arith.constant 6 : i32
      %get3A_339 = arith.index_cast %get3A_338 : i32 to index
      %get3A_340 = arith.index_cast %multiple_of3A : i32 to index
      %get3A_341 = tpu.vector_load %arg14[%get3A_339, %get3A_340] {strides = array<i32>} : memref<32x512xf32, #tpu.memory_space<vmem>>, vector<16xf32>,
      %mul3A_342 = arith.mulf %get3A_341, %gather3A_333 : vector<16xf32>
      %add3A_343 = arith.addf %add3A_329, %mul3A_342 : vector<16xf32>
      %add3A_344 = arith.constant 7 : i32
      %add3A_345 = vector.broadcast %add3A_344 : i32 to vector<16xi32>
      %add3A_346 = arith.addi %mul3A_246, %add3A_345 : vector<16xi32>
      %gather3A_347 = tpu.vector_load_idx %arg13[%add3A_237, %add3A_346] : memref<512x128xf32, #tpu.memory_space<vmem>>[vector<16xi32>, vector<16xi32>], vector<16xf32>,
      %swap3A_348 = arith.constant 7 : i32
      %swap3A_349 = arith.index_cast %swap3A_348 : i32 to index
      %swap3A_350 = arith.index_cast %multiple_of3A : i32 to index
      %swap3A_351 = tpu.vector_load %arg15[%swap3A_349, %swap3A_350] {strides = array<i32>} : memref<32x512xf32, #tpu.memory_space<vmem>>, vector<16xf32>,
      tpu.vector_store %arg15[%swap3A_349, %swap3A_350], %gather3A_347 {strides = array<i32>} : memref<32x512xf32, #tpu.memory_space<vmem>>, vector<16xf32>,
      %get3A_352 = arith.constant 7 : i32
      %get3A_353 = arith.index_cast %get3A_352 : i32 to index
      %get3A_354 = arith.index_cast %multiple_of3A : i32 to index
      %get3A_355 = tpu.vector_load %arg14[%get3A_353, %get3A_354] {strides = array<i32>} : memref<32x512xf32, #tpu.memory_space<vmem>>, vector<16xf32>,
      %mul3A_356 = arith.mulf %get3A_355, %gather3A_347 : vector<16xf32>
      %add3A_357 = arith.addf %add3A_343, %mul3A_356 : vector<16xf32>
      %add3A_358 = arith.constant 8 : i32
      %add3A_359 = vector.broadcast %add3A_358 : i32 to vector<16xi32>
      %add3A_360 = arith.addi %mul3A_246, %add3A_359 : vector<16xi32>
      %gather3A_361 = tpu.vector_load_idx %arg13[%add3A_237, %add3A_360] : memref<512x128xf32, #tpu.memory_space<vmem>>[vector<16xi32>, vector<16xi32>], vector<16xf32>,
      %swap3A_362 = arith.constant 8 : i32
      %swap3A_363 = arith.index_cast %swap3A_362 : i32 to index
      %swap3A_364 = arith.index_cast %multiple_of3A : i32 to index
      %swap3A_365 = tpu.vector_load %arg15[%swap3A_363, %swap3A_364] {strides = array<i32>} : memref<32x512xf32, #tpu.memory_space<vmem>>, vector<16xf32>,
      tpu.vector_store %arg15[%swap3A_363, %swap3A_364], %gather3A_361 {strides = array<i32>} : memref<32x512xf32, #tpu.memory_space<vmem>>, vector<16xf32>,
      %get3A_366 = arith.constant 8 : i32
      %get3A_367 = arith.index_cast %get3A_366 : i32 to index
      %get3A_368 = arith.index_cast %multiple_of3A : i32 to index
      %get3A_369 = tpu.vector_load %arg14[%get3A_367, %get3A_368] {strides = array<i32>} : memref<32x512xf32, #tpu.memory_space<vmem>>, vector<16xf32>,
      %mul3A_370 = arith.mulf %get3A_369, %gather3A_361 : vector<16xf32>
      %add3A_371 = arith.addf %add3A_357, %mul3A_370 : vector<16xf32>
      %add3A_372 = arith.constant 9 : i32
      %add3A_373 = vector.broadcast %add3A_372 : i32 to vector<16xi32>
      %add3A_374 = arith.addi %mul3A_246, %add3A_373 : vector<16xi32>
      %gather3A_375 = tpu.vector_load_idx %arg13[%add3A_237, %add3A_374] : memref<512x128xf32, #tpu.memory_space<vmem>>[vector<16xi32>, vector<16xi32>], vector<16xf32>,
      %swap3A_376 = arith.constant 9 : i32
      %swap3A_377 = arith.index_cast %swap3A_376 : i32 to index
      %swap3A_378 = arith.index_cast %multiple_of3A : i32 to index
      %swap3A_379 = tpu.vector_load %arg15[%swap3A_377, %swap3A_378] {strides = array<i32>} : memref<32x512xf32, #tpu.memory_space<vmem>>, vector<16xf32>,
      tpu.vector_store %arg15[%swap3A_377, %swap3A_378], %gather3A_375 {strides = array<i32>} : memref<32x512xf32, #tpu.memory_space<vmem>>, vector<16xf32>,
      %get3A_380 = arith.constant 9 : i32
      %get3A_381 = arith.index_cast %get3A_380 : i32 to index
      %get3A_382 = arith.index_cast %multiple_of3A : i32 to index
      %get3A_383 = tpu.vector_load %arg14[%get3A_381, %get3A_382] {strides = array<i32>} : memref<32x512xf32, #tpu.memory_space<vmem>>, vector<16xf32>,
      %mul3A_384 = arith.mulf %get3A_383, %gather3A_375 : vector<16xf32>
      %add3A_385 = arith.addf %add3A_371, %mul3A_384 : vector<16xf32>
      %add3A_386 = arith.constant 10 : i32
      %add3A_387 = vector.broadcast %add3A_386 : i32 to vector<16xi32>
      %add3A_388 = arith.addi %mul3A_246, %add3A_387 : vector<16xi32>
      %gather3A_389 = tpu.vector_load_idx %arg13[%add3A_237, %add3A_388] : memref<512x128xf32, #tpu.memory_space<vmem>>[vector<16xi32>, vector<16xi32>], vector<16xf32>,
      %swap3A_390 = arith.constant 10 : i32
      %swap3A_391 = arith.index_cast %swap3A_390 : i32 to index
      %swap3A_392 = arith.index_cast %multiple_of3A : i32 to index
      %swap3A_393 = tpu.vector_load %arg15[%swap3A_391, %swap3A_392] {strides = array<i32>} : memref<32x512xf32, #tpu.memory_space<vmem>>, vector<16xf32>,
      tpu.vector_store %arg15[%swap3A_391, %swap3A_392], %gather3A_389 {strides = array<i32>} : memref<32x512xf32, #tpu.memory_space<vmem>>, vector<16xf32>,
      %get3A_394 = arith.constant 10 : i32
      %get3A_395 = arith.index_cast %get3A_394 : i32 to index
      %get3A_396 = arith.index_cast %multiple_of3A : i32 to index
      %get3A_397 = tpu.vector_load %arg14[%get3A_395, %get3A_396] {strides = array<i32>} : memref<32x512xf32, #tpu.memory_space<vmem>>, vector<16xf32>,
      %mul3A_398 = arith.mulf %get3A_397, %gather3A_389 : vector<16xf32>
      %add3A_399 = arith.addf %add3A_385, %mul3A_398 : vector<16xf32>
      %add3A_400 = arith.constant 11 : i32
      %add3A_401 = vector.broadcast %add3A_400 : i32 to vector<16xi32>
      %add3A_402 = arith.addi %mul3A_246, %add3A_401 : vector<16xi32>
      %gather3A_403 = tpu.vector_load_idx %arg13[%add3A_237, %add3A_402] : memref<512x128xf32, #tpu.memory_space<vmem>>[vector<16xi32>, vector<16xi32>], vector<16xf32>,
      %swap3A_404 = arith.constant 11 : i32
      %swap3A_405 = arith.index_cast %swap3A_404 : i32 to index
      %swap3A_406 = arith.index_cast %multiple_of3A : i32 to index
      %swap3A_407 = tpu.vector_load %arg15[%swap3A_405, %swap3A_406] {strides = array<i32>} : memref<32x512xf32, #tpu.memory_space<vmem>>, vector<16xf32>,
      tpu.vector_store %arg15[%swap3A_405, %swap3A_406], %gather3A_403 {strides = array<i32>} : memref<32x512xf32, #tpu.memory_space<vmem>>, vector<16xf32>,
      %get3A_408 = arith.constant 11 : i32
      %get3A_409 = arith.index_cast %get3A_408 : i32 to index
      %get3A_410 = arith.index_cast %multiple_of3A : i32 to index
      %get3A_411 = tpu.vector_load %arg14[%get3A_409, %get3A_410] {strides = array<i32>} : memref<32x512xf32, #tpu.memory_space<vmem>>, vector<16xf32>,
      %mul3A_412 = arith.mulf %get3A_411, %gather3A_403 : vector<16xf32>
      %add3A_413 = arith.addf %add3A_399, %mul3A_412 : vector<16xf32>
      %add3A_414 = arith.constant 12 : i32
      %add3A_415 = vector.broadcast %add3A_414 : i32 to vector<16xi32>
      %add3A_416 = arith.addi %mul3A_246, %add3A_415 : vector<16xi32>
      %gather3A_417 = tpu.vector_load_idx %arg13[%add3A_237, %add3A_416] : memref<512x128xf32, #tpu.memory_space<vmem>>[vector<16xi32>, vector<16xi32>], vector<16xf32>,
      %swap3A_418 = arith.constant 12 : i32
      %swap3A_419 = arith.index_cast %swap3A_418 : i32 to index
      %swap3A_420 = arith.index_cast %multiple_of3A : i32 to index
      %swap3A_421 = tpu.vector_load %arg15[%swap3A_419, %swap3A_420] {strides = array<i32>} : memref<32x512xf32, #tpu.memory_space<vmem>>, vector<16xf32>,
      tpu.vector_store %arg15[%swap3A_419, %swap3A_420], %gather3A_417 {strides = array<i32>} : memref<32x512xf32, #tpu.memory_space<vmem>>, vector<16xf32>,
      %get3A_422 = arith.constant 12 : i32
      %get3A_423 = arith.index_cast %get3A_422 : i32 to index
      %get3A_424 = arith.index_cast %multiple_of3A : i32 to index
      %get3A_425 = tpu.vector_load %arg14[%get3A_423, %get3A_424] {strides = array<i32>} : memref<32x512xf32, #tpu.memory_space<vmem>>, vector<16xf32>,
      %mul3A_426 = arith.mulf %get3A_425, %gather3A_417 : vector<16xf32>
      %add3A_427 = arith.addf %add3A_413, %mul3A_426 : vector<16xf32>
      %add3A_428 = arith.constant 13 : i32
      %add3A_429 = vector.broadcast %add3A_428 : i32 to vector<16xi32>
      %add3A_430 = arith.addi %mul3A_246, %add3A_429 : vector<16xi32>
      %gather3A_431 = tpu.vector_load_idx %arg13[%add3A_237, %add3A_430] : memref<512x128xf32, #tpu.memory_space<vmem>>[vector<16xi32>, vector<16xi32>], vector<16xf32>,
      %swap3A_432 = arith.constant 13 : i32
      %swap3A_433 = arith.index_cast %swap3A_432 : i32 to index
      %swap3A_434 = arith.index_cast %multiple_of3A : i32 to index
      %swap3A_435 = tpu.vector_load %arg15[%swap3A_433, %swap3A_434] {strides = array<i32>} : memref<32x512xf32, #tpu.memory_space<vmem>>, vector<16xf32>,
      tpu.vector_store %arg15[%swap3A_433, %swap3A_434], %gather3A_431 {strides = array<i32>} : memref<32x512xf32, #tpu.memory_space<vmem>>, vector<16xf32>,
      %get3A_436 = arith.constant 13 : i32
      %get3A_437 = arith.index_cast %get3A_436 : i32 to index
      %get3A_438 = arith.index_cast %multiple_of3A : i32 to index
      %get3A_439 = tpu.vector_load %arg14[%get3A_437, %get3A_438] {strides = array<i32>} : memref<32x512xf32, #tpu.memory_space<vmem>>, vector<16xf32>,
      %mul3A_440 = arith.mulf %get3A_439, %gather3A_431 : vector<16xf32>
      %add3A_441 = arith.addf %add3A_427, %mul3A_440 : vector<16xf32>
      %add3A_442 = arith.constant 14 : i32
      %add3A_443 = vector.broadcast %add3A_442 : i32 to vector<16xi32>
      %add3A_444 = arith.addi %mul3A_246, %add3A_443 : vector<16xi32>
      %gather3A_445 = tpu.vector_load_idx %arg13[%add3A_237, %add3A_444] : memref<512x128xf32, #tpu.memory_space<vmem>>[vector<16xi32>, vector<16xi32>], vector<16xf32>,
      %swap3A_446 = arith.constant 14 : i32
      %swap3A_447 = arith.index_cast %swap3A_446 : i32 to index
      %swap3A_448 = arith.index_cast %multiple_of3A : i32 to index
      %swap3A_449 = tpu.vector_load %arg15[%swap3A_447, %swap3A_448] {strides = array<i32>} : memref<32x512xf32, #tpu.memory_space<vmem>>, vector<16xf32>,
      tpu.vector_store %arg15[%swap3A_447, %swap3A_448], %gather3A_445 {strides = array<i32>} : memref<32x512xf32, #tpu.memory_space<vmem>>, vector<16xf32>,
      %get3A_450 = arith.constant 14 : i32
      %get3A_451 = arith.index_cast %get3A_450 : i32 to index
      %get3A_452 = arith.index_cast %multiple_of3A : i32 to index
      %get3A_453 = tpu.vector_load %arg14[%get3A_451, %get3A_452] {strides = array<i32>} : memref<32x512xf32, #tpu.memory_space<vmem>>, vector<16xf32>,
      %mul3A_454 = arith.mulf %get3A_453, %gather3A_445 : vector<16xf32>
      %add3A_455 = arith.addf %add3A_441, %mul3A_454 : vector<16xf32>
      %add3A_456 = arith.constant 15 : i32
      %add3A_457 = vector.broadcast %add3A_456 : i32 to vector<16xi32>
      %add3A_458 = arith.addi %mul3A_246, %add3A_457 : vector<16xi32>
      %gather3A_459 = tpu.vector_load_idx %arg13[%add3A_237, %add3A_458] : memref<512x128xf32, #tpu.memory_space<vmem>>[vector<16xi32>, vector<16xi32>], vector<16xf32>,
      %swap3A_460 = arith.constant 15 : i32
      %swap3A_461 = arith.index_cast %swap3A_460 : i32 to index
      %swap3A_462 = arith.index_cast %multiple_of3A : i32 to index
      %swap3A_463 = tpu.vector_load %arg15[%swap3A_461, %swap3A_462] {strides = array<i32>} : memref<32x512xf32, #tpu.memory_space<vmem>>, vector<16xf32>,
      tpu.vector_store %arg15[%swap3A_461, %swap3A_462], %gather3A_459 {strides = array<i32>} : memref<32x512xf32, #tpu.memory_space<vmem>>, vector<16xf32>,
      %get3A_464 = arith.constant 15 : i32
      %get3A_465 = arith.index_cast %get3A_464 : i32 to index
      %get3A_466 = arith.index_cast %multiple_of3A : i32 to index
      %get3A_467 = tpu.vector_load %arg14[%get3A_465, %get3A_466] {strides = array<i32>} : memref<32x512xf32, #tpu.memory_space<vmem>>, vector<16xf32>,
      %mul3A_468 = arith.mulf %get3A_467, %gather3A_459 : vector<16xf32>
      %add3A_469 = arith.addf %add3A_455, %mul3A_468 : vector<16xf32>
      %add3A_470 = arith.constant 16 : i32
      %add3A_471 = vector.broadcast %add3A_470 : i32 to vector<16xi32>
      %add3A_472 = arith.addi %mul3A_246, %add3A_471 : vector<16xi32>
      %gather3A_473 = tpu.vector_load_idx %arg13[%add3A_237, %add3A_472] : memref<512x128xf32, #tpu.memory_space<vmem>>[vector<16xi32>, vector<16xi32>], vector<16xf32>,
      %swap3A_474 = arith.constant 16 : i32
      %swap3A_475 = arith.index_cast %swap3A_474 : i32 to index
      %swap3A_476 = arith.index_cast %multiple_of3A : i32 to index
      %swap3A_477 = tpu.vector_load %arg15[%swap3A_475, %swap3A_476] {strides = array<i32>} : memref<32x512xf32, #tpu.memory_space<vmem>>, vector<16xf32>,
      tpu.vector_store %arg15[%swap3A_475, %swap3A_476], %gather3A_473 {strides = array<i32>} : memref<32x512xf32, #tpu.memory_space<vmem>>, vector<16xf32>,
      %get3A_478 = arith.constant 16 : i32
      %get3A_479 = arith.index_cast %get3A_478 : i32 to index
      %get3A_480 = arith.index_cast %multiple_of3A : i32 to index
      %get3A_481 = tpu.vector_load %arg14[%get3A_479, %get3A_480] {strides = array<i32>} : memref<32x512xf32, #tpu.memory_space<vmem>>, vector<16xf32>,
      %mul3A_482 = arith.mulf %get3A_481, %gather3A_473 : vector<16xf32>
      %add3A_483 = arith.addf %add3A_469, %mul3A_482 : vector<16xf32>
      %add3A_484 = arith.constant 17 : i32
      %add3A_485 = vector.broadcast %add3A_484 : i32 to vector<16xi32>
      %add3A_486 = arith.addi %mul3A_246, %add3A_485 : vector<16xi32>
      %gather3A_487 = tpu.vector_load_idx %arg13[%add3A_237, %add3A_486] : memref<512x128xf32, #tpu.memory_space<vmem>>[vector<16xi32>, vector<16xi32>], vector<16xf32>,
      %swap3A_488 = arith.constant 17 : i32
      %swap3A_489 = arith.index_cast %swap3A_488 : i32 to index
      %swap3A_490 = arith.index_cast %multiple_of3A : i32 to index
      %swap3A_491 = tpu.vector_load %arg15[%swap3A_489, %swap3A_490] {strides = array<i32>} : memref<32x512xf32, #tpu.memory_space<vmem>>, vector<16xf32>,
      tpu.vector_store %arg15[%swap3A_489, %swap3A_490], %gather3A_487 {strides = array<i32>} : memref<32x512xf32, #tpu.memory_space<vmem>>, vector<16xf32>,
      %get3A_492 = arith.constant 17 : i32
      %get3A_493 = arith.index_cast %get3A_492 : i32 to index
      %get3A_494 = arith.index_cast %multiple_of3A : i32 to index
      %get3A_495 = tpu.vector_load %arg14[%get3A_493, %get3A_494] {strides = array<i32>} : memref<32x512xf32, #tpu.memory_space<vmem>>, vector<16xf32>,
      %mul3A_496 = arith.mulf %get3A_495, %gather3A_487 : vector<16xf32>
      %add3A_497 = arith.addf %add3A_483, %mul3A_496 : vector<16xf32>
      %add3A_498 = arith.constant 18 : i32
      %add3A_499 = vector.broadcast %add3A_498 : i32 to vector<16xi32>
      %add3A_500 = arith.addi %mul3A_246, %add3A_499 : vector<16xi32>
      %gather3A_501 = tpu.vector_load_idx %arg13[%add3A_237, %add3A_500] : memref<512x128xf32, #tpu.memory_space<vmem>>[vector<16xi32>, vector<16xi32>], vector<16xf32>,
      %swap3A_502 = arith.constant 18 : i32
      %swap3A_503 = arith.index_cast %swap3A_502 : i32 to index
      %swap3A_504 = arith.index_cast %multiple_of3A : i32 to index
      %swap3A_505 = tpu.vector_load %arg15[%swap3A_503, %swap3A_504] {strides = array<i32>} : memref<32x512xf32, #tpu.memory_space<vmem>>, vector<16xf32>,
      tpu.vector_store %arg15[%swap3A_503, %swap3A_504], %gather3A_501 {strides = array<i32>} : memref<32x512xf32, #tpu.memory_space<vmem>>, vector<16xf32>,
      %get3A_506 = arith.constant 18 : i32
      %get3A_507 = arith.index_cast %get3A_506 : i32 to index
      %get3A_508 = arith.index_cast %multiple_of3A : i32 to index
      %get3A_509 = tpu.vector_load %arg14[%get3A_507, %get3A_508] {strides = array<i32>} : memref<32x512xf32, #tpu.memory_space<vmem>>, vector<16xf32>,
      %mul3A_510 = arith.mulf %get3A_509, %gather3A_501 : vector<16xf32>
      %add3A_511 = arith.addf %add3A_497, %mul3A_510 : vector<16xf32>
      %add3A_512 = arith.constant 19 : i32
      %add3A_513 = vector.broadcast %add3A_512 : i32 to vector<16xi32>
      %add3A_514 = arith.addi %mul3A_246, %add3A_513 : vector<16xi32>
      %gather3A_515 = tpu.vector_load_idx %arg13[%add3A_237, %add3A_514] : memref<512x128xf32, #tpu.memory_space<vmem>>[vector<16xi32>, vector<16xi32>], vector<16xf32>,
      %swap3A_516 = arith.constant 19 : i32
      %swap3A_517 = arith.index_cast %swap3A_516 : i32 to index
      %swap3A_518 = arith.index_cast %multiple_of3A : i32 to index
      %swap3A_519 = tpu.vector_load %arg15[%swap3A_517, %swap3A_518] {strides = array<i32>} : memref<32x512xf32, #tpu.memory_space<vmem>>, vector<16xf32>,
      tpu.vector_store %arg15[%swap3A_517, %swap3A_518], %gather3A_515 {strides = array<i32>} : memref<32x512xf32, #tpu.memory_space<vmem>>, vector<16xf32>,
      %get3A_520 = arith.constant 19 : i32
      %get3A_521 = arith.index_cast %get3A_520 : i32 to index
      %get3A_522 = arith.index_cast %multiple_of3A : i32 to index
      %get3A_523 = tpu.vector_load %arg14[%get3A_521, %get3A_522] {strides = array<i32>} : memref<32x512xf32, #tpu.memory_space<vmem>>, vector<16xf32>,
      %mul3A_524 = arith.mulf %get3A_523, %gather3A_515 : vector<16xf32>
      %add3A_525 = arith.addf %add3A_511, %mul3A_524 : vector<16xf32>
      %add3A_526 = arith.constant 20 : i32
      %add3A_527 = vector.broadcast %add3A_526 : i32 to vector<16xi32>
      %add3A_528 = arith.addi %mul3A_246, %add3A_527 : vector<16xi32>
      %gather3A_529 = tpu.vector_load_idx %arg13[%add3A_237, %add3A_528] : memref<512x128xf32, #tpu.memory_space<vmem>>[vector<16xi32>, vector<16xi32>], vector<16xf32>,
      %swap3A_530 = arith.constant 20 : i32
      %swap3A_531 = arith.index_cast %swap3A_530 : i32 to index
      %swap3A_532 = arith.index_cast %multiple_of3A : i32 to index
      %swap3A_533 = tpu.vector_load %arg15[%swap3A_531, %swap3A_532] {strides = array<i32>} : memref<32x512xf32, #tpu.memory_space<vmem>>, vector<16xf32>,
      tpu.vector_store %arg15[%swap3A_531, %swap3A_532], %gather3A_529 {strides = array<i32>} : memref<32x512xf32, #tpu.memory_space<vmem>>, vector<16xf32>,
      %get3A_534 = arith.constant 20 : i32
      %get3A_535 = arith.index_cast %get3A_534 : i32 to index
      %get3A_536 = arith.index_cast %multiple_of3A : i32 to index
      %get3A_537 = tpu.vector_load %arg14[%get3A_535, %get3A_536] {strides = array<i32>} : memref<32x512xf32, #tpu.memory_space<vmem>>, vector<16xf32>,
      %mul3A_538 = arith.mulf %get3A_537, %gather3A_529 : vector<16xf32>
      %add3A_539 = arith.addf %add3A_525, %mul3A_538 : vector<16xf32>
      %add3A_540 = arith.constant 21 : i32
      %add3A_541 = vector.broadcast %add3A_540 : i32 to vector<16xi32>
      %add3A_542 = arith.addi %mul3A_246, %add3A_541 : vector<16xi32>
      %gather3A_543 = tpu.vector_load_idx %arg13[%add3A_237, %add3A_542] : memref<512x128xf32, #tpu.memory_space<vmem>>[vector<16xi32>, vector<16xi32>], vector<16xf32>,
      %swap3A_544 = arith.constant 21 : i32
      %swap3A_545 = arith.index_cast %swap3A_544 : i32 to index
      %swap3A_546 = arith.index_cast %multiple_of3A : i32 to index
      %swap3A_547 = tpu.vector_load %arg15[%swap3A_545, %swap3A_546] {strides = array<i32>} : memref<32x512xf32, #tpu.memory_space<vmem>>, vector<16xf32>,
      tpu.vector_store %arg15[%swap3A_545, %swap3A_546], %gather3A_543 {strides = array<i32>} : memref<32x512xf32, #tpu.memory_space<vmem>>, vector<16xf32>,
      %get3A_548 = arith.constant 21 : i32
      %get3A_549 = arith.index_cast %get3A_548 : i32 to index
      %get3A_550 = arith.index_cast %multiple_of3A : i32 to index
      %get3A_551 = tpu.vector_load %arg14[%get3A_549, %get3A_550] {strides = array<i32>} : memref<32x512xf32, #tpu.memory_space<vmem>>, vector<16xf32>,
      %mul3A_552 = arith.mulf %get3A_551, %gather3A_543 : vector<16xf32>
      %add3A_553 = arith.addf %add3A_539, %mul3A_552 : vector<16xf32>
      %add3A_554 = arith.constant 22 : i32
      %add3A_555 = vector.broadcast %add3A_554 : i32 to vector<16xi32>
      %add3A_556 = arith.addi %mul3A_246, %add3A_555 : vector<16xi32>
      %gather3A_557 = tpu.vector_load_idx %arg13[%add3A_237, %add3A_556] : memref<512x128xf32, #tpu.memory_space<vmem>>[vector<16xi32>, vector<16xi32>], vector<16xf32>,
      %swap3A_558 = arith.constant 22 : i32
      %swap3A_559 = arith.index_cast %swap3A_558 : i32 to index
      %swap3A_560 = arith.index_cast %multiple_of3A : i32 to index
      %swap3A_561 = tpu.vector_load %arg15[%swap3A_559, %swap3A_560] {strides = array<i32>} : memref<32x512xf32, #tpu.memory_space<vmem>>, vector<16xf32>,
      tpu.vector_store %arg15[%swap3A_559, %swap3A_560], %gather3A_557 {strides = array<i32>} : memref<32x512xf32, #tpu.memory_space<vmem>>, vector<16xf32>,
      %get3A_562 = arith.constant 22 : i32
      %get3A_563 = arith.index_cast %get3A_562 : i32 to index
      %get3A_564 = arith.index_cast %multiple_of3A : i32 to index
      %get3A_565 = tpu.vector_load %arg14[%get3A_563, %get3A_564] {strides = array<i32>} : memref<32x512xf32, #tpu.memory_space<vmem>>, vector<16xf32>,
      %mul3A_566 = arith.mulf %get3A_565, %gather3A_557 : vector<16xf32>
      %add3A_567 = arith.addf %add3A_553, %mul3A_566 : vector<16xf32>
      %add3A_568 = arith.constant 23 : i32
      %add3A_569 = vector.broadcast %add3A_568 : i32 to vector<16xi32>
      %add3A_570 = arith.addi %mul3A_246, %add3A_569 : vector<16xi32>
      %gather3A_571 = tpu.vector_load_idx %arg13[%add3A_237, %add3A_570] : memref<512x128xf32, #tpu.memory_space<vmem>>[vector<16xi32>, vector<16xi32>], vector<16xf32>,
      %swap3A_572 = arith.constant 23 : i32
      %swap3A_573 = arith.index_cast %swap3A_572 : i32 to index
      %swap3A_574 = arith.index_cast %multiple_of3A : i32 to index
      %swap3A_575 = tpu.vector_load %arg15[%swap3A_573, %swap3A_574] {strides = array<i32>} : memref<32x512xf32, #tpu.memory_space<vmem>>, vector<16xf32>,
      tpu.vector_store %arg15[%swap3A_573, %swap3A_574], %gather3A_571 {strides = array<i32>} : memref<32x512xf32, #tpu.memory_space<vmem>>, vector<16xf32>,
      %get3A_576 = arith.constant 23 : i32
      %get3A_577 = arith.index_cast %get3A_576 : i32 to index
      %get3A_578 = arith.index_cast %multiple_of3A : i32 to index
      %get3A_579 = tpu.vector_load %arg14[%get3A_577, %get3A_578] {strides = array<i32>} : memref<32x512xf32, #tpu.memory_space<vmem>>, vector<16xf32>,
      %mul3A_580 = arith.mulf %get3A_579, %gather3A_571 : vector<16xf32>
      %add3A_581 = arith.addf %add3A_567, %mul3A_580 : vector<16xf32>
      %add3A_582 = arith.constant 24 : i32
      %add3A_583 = vector.broadcast %add3A_582 : i32 to vector<16xi32>
      %add3A_584 = arith.addi %mul3A_246, %add3A_583 : vector<16xi32>
      %gather3A_585 = tpu.vector_load_idx %arg13[%add3A_237, %add3A_584] : memref<512x128xf32, #tpu.memory_space<vmem>>[vector<16xi32>, vector<16xi32>], vector<16xf32>,
      %swap3A_586 = arith.constant 24 : i32
      %swap3A_587 = arith.index_cast %swap3A_586 : i32 to index
      %swap3A_588 = arith.index_cast %multiple_of3A : i32 to index
      %swap3A_589 = tpu.vector_load %arg15[%swap3A_587, %swap3A_588] {strides = array<i32>} : memref<32x512xf32, #tpu.memory_space<vmem>>, vector<16xf32>,
      tpu.vector_store %arg15[%swap3A_587, %swap3A_588], %gather3A_585 {strides = array<i32>} : memref<32x512xf32, #tpu.memory_space<vmem>>, vector<16xf32>,
      %get3A_590 = arith.constant 24 : i32
      %get3A_591 = arith.index_cast %get3A_590 : i32 to index
      %get3A_592 = arith.index_cast %multiple_of3A : i32 to index
      %get3A_593 = tpu.vector_load %arg14[%get3A_591, %get3A_592] {strides = array<i32>} : memref<32x512xf32, #tpu.memory_space<vmem>>, vector<16xf32>,
      %mul3A_594 = arith.mulf %get3A_593, %gather3A_585 : vector<16xf32>
      %add3A_595 = arith.addf %add3A_581, %mul3A_594 : vector<16xf32>
      %add3A_596 = arith.constant 25 : i32
      %add3A_597 = vector.broadcast %add3A_596 : i32 to vector<16xi32>
      %add3A_598 = arith.addi %mul3A_246, %add3A_597 : vector<16xi32>
      %gather3A_599 = tpu.vector_load_idx %arg13[%add3A_237, %add3A_598] : memref<512x128xf32, #tpu.memory_space<vmem>>[vector<16xi32>, vector<16xi32>], vector<16xf32>,
      %swap3A_600 = arith.constant 25 : i32
      %swap3A_601 = arith.index_cast %swap3A_600 : i32 to index
      %swap3A_602 = arith.index_cast %multiple_of3A : i32 to index
      %swap3A_603 = tpu.vector_load %arg15[%swap3A_601, %swap3A_602] {strides = array<i32>} : memref<32x512xf32, #tpu.memory_space<vmem>>, vector<16xf32>,
      tpu.vector_store %arg15[%swap3A_601, %swap3A_602], %gather3A_599 {strides = array<i32>} : memref<32x512xf32, #tpu.memory_space<vmem>>, vector<16xf32>,
      %get3A_604 = arith.constant 25 : i32
      %get3A_605 = arith.index_cast %get3A_604 : i32 to index
      %get3A_606 = arith.index_cast %multiple_of3A : i32 to index
      %get3A_607 = tpu.vector_load %arg14[%get3A_605, %get3A_606] {strides = array<i32>} : memref<32x512xf32, #tpu.memory_space<vmem>>, vector<16xf32>,
      %mul3A_608 = arith.mulf %get3A_607, %gather3A_599 : vector<16xf32>
      %add3A_609 = arith.addf %add3A_595, %mul3A_608 : vector<16xf32>
      %add3A_610 = arith.constant 26 : i32
      %add3A_611 = vector.broadcast %add3A_610 : i32 to vector<16xi32>
      %add3A_612 = arith.addi %mul3A_246, %add3A_611 : vector<16xi32>
      %gather3A_613 = tpu.vector_load_idx %arg13[%add3A_237, %add3A_612] : memref<512x128xf32, #tpu.memory_space<vmem>>[vector<16xi32>, vector<16xi32>], vector<16xf32>,
      %swap3A_614 = arith.constant 26 : i32
      %swap3A_615 = arith.index_cast %swap3A_614 : i32 to index
      %swap3A_616 = arith.index_cast %multiple_of3A : i32 to index
      %swap3A_617 = tpu.vector_load %arg15[%swap3A_615, %swap3A_616] {strides = array<i32>} : memref<32x512xf32, #tpu.memory_space<vmem>>, vector<16xf32>,
      tpu.vector_store %arg15[%swap3A_615, %swap3A_616], %gather3A_613 {strides = array<i32>} : memref<32x512xf32, #tpu.memory_space<vmem>>, vector<16xf32>,
      %get3A_618 = arith.constant 26 : i32
      %get3A_619 = arith.index_cast %get3A_618 : i32 to index
      %get3A_620 = arith.index_cast %multiple_of3A : i32 to index
      %get3A_621 = tpu.vector_load %arg14[%get3A_619, %get3A_620] {strides = array<i32>} : memref<32x512xf32, #tpu.memory_space<vmem>>, vector<16xf32>,
      %mul3A_622 = arith.mulf %get3A_621, %gather3A_613 : vector<16xf32>
      %add3A_623 = arith.addf %add3A_609, %mul3A_622 : vector<16xf32>
      %add3A_624 = arith.constant 27 : i32
      %add3A_625 = vector.broadcast %add3A_624 : i32 to vector<16xi32>
      %add3A_626 = arith.addi %mul3A_246, %add3A_625 : vector<16xi32>
      %gather3A_627 = tpu.vector_load_idx %arg13[%add3A_237, %add3A_626] : memref<512x128xf32, #tpu.memory_space<vmem>>[vector<16xi32>, vector<16xi32>], vector<16xf32>,
      %swap3A_628 = arith.constant 27 : i32
      %swap3A_629 = arith.index_cast %swap3A_628 : i32 to index
      %swap3A_630 = arith.index_cast %multiple_of3A : i32 to index
      %swap3A_631 = tpu.vector_load %arg15[%swap3A_629, %swap3A_630] {strides = array<i32>} : memref<32x512xf32, #tpu.memory_space<vmem>>, vector<16xf32>,
      tpu.vector_store %arg15[%swap3A_629, %swap3A_630], %gather3A_627 {strides = array<i32>} : memref<32x512xf32, #tpu.memory_space<vmem>>, vector<16xf32>,
      %get3A_632 = arith.constant 27 : i32
      %get3A_633 = arith.index_cast %get3A_632 : i32 to index
      %get3A_634 = arith.index_cast %multiple_of3A : i32 to index
      %get3A_635 = tpu.vector_load %arg14[%get3A_633, %get3A_634] {strides = array<i32>} : memref<32x512xf32, #tpu.memory_space<vmem>>, vector<16xf32>,
      %mul3A_636 = arith.mulf %get3A_635, %gather3A_627 : vector<16xf32>
      %add3A_637 = arith.addf %add3A_623, %mul3A_636 : vector<16xf32>
      %add3A_638 = arith.constant 28 : i32
      %add3A_639 = vector.broadcast %add3A_638 : i32 to vector<16xi32>
      %add3A_640 = arith.addi %mul3A_246, %add3A_639 : vector<16xi32>
      %gather3A_641 = tpu.vector_load_idx %arg13[%add3A_237, %add3A_640] : memref<512x128xf32, #tpu.memory_space<vmem>>[vector<16xi32>, vector<16xi32>], vector<16xf32>,
      %swap3A_642 = arith.constant 28 : i32
      %swap3A_643 = arith.index_cast %swap3A_642 : i32 to index
      %swap3A_644 = arith.index_cast %multiple_of3A : i32 to index
      %swap3A_645 = tpu.vector_load %arg15[%swap3A_643, %swap3A_644] {strides = array<i32>} : memref<32x512xf32, #tpu.memory_space<vmem>>, vector<16xf32>,
      tpu.vector_store %arg15[%swap3A_643, %swap3A_644], %gather3A_641 {strides = array<i32>} : memref<32x512xf32, #tpu.memory_space<vmem>>, vector<16xf32>,
      %get3A_646 = arith.constant 28 : i32
      %get3A_647 = arith.index_cast %get3A_646 : i32 to index
      %get3A_648 = arith.index_cast %multiple_of3A : i32 to index
      %get3A_649 = tpu.vector_load %arg14[%get3A_647, %get3A_648] {strides = array<i32>} : memref<32x512xf32, #tpu.memory_space<vmem>>, vector<16xf32>,
      %mul3A_650 = arith.mulf %get3A_649, %gather3A_641 : vector<16xf32>
      %add3A_651 = arith.addf %add3A_637, %mul3A_650 : vector<16xf32>
      %add3A_652 = arith.constant 29 : i32
      %add3A_653 = vector.broadcast %add3A_652 : i32 to vector<16xi32>
      %add3A_654 = arith.addi %mul3A_246, %add3A_653 : vector<16xi32>
      %gather3A_655 = tpu.vector_load_idx %arg13[%add3A_237, %add3A_654] : memref<512x128xf32, #tpu.memory_space<vmem>>[vector<16xi32>, vector<16xi32>], vector<16xf32>,
      %swap3A_656 = arith.constant 29 : i32
      %swap3A_657 = arith.index_cast %swap3A_656 : i32 to index
      %swap3A_658 = arith.index_cast %multiple_of3A : i32 to index
      %swap3A_659 = tpu.vector_load %arg15[%swap3A_657, %swap3A_658] {strides = array<i32>} : memref<32x512xf32, #tpu.memory_space<vmem>>, vector<16xf32>,
      tpu.vector_store %arg15[%swap3A_657, %swap3A_658], %gather3A_655 {strides = array<i32>} : memref<32x512xf32, #tpu.memory_space<vmem>>, vector<16xf32>,
      %get3A_660 = arith.constant 29 : i32
      %get3A_661 = arith.index_cast %get3A_660 : i32 to index
      %get3A_662 = arith.index_cast %multiple_of3A : i32 to index
      %get3A_663 = tpu.vector_load %arg14[%get3A_661, %get3A_662] {strides = array<i32>} : memref<32x512xf32, #tpu.memory_space<vmem>>, vector<16xf32>,
      %mul3A_664 = arith.mulf %get3A_663, %gather3A_655 : vector<16xf32>
      %add3A_665 = arith.addf %add3A_651, %mul3A_664 : vector<16xf32>
      %add3A_666 = arith.constant 30 : i32
      %add3A_667 = vector.broadcast %add3A_666 : i32 to vector<16xi32>
      %add3A_668 = arith.addi %mul3A_246, %add3A_667 : vector<16xi32>
      %gather3A_669 = tpu.vector_load_idx %arg13[%add3A_237, %add3A_668] : memref<512x128xf32, #tpu.memory_space<vmem>>[vector<16xi32>, vector<16xi32>], vector<16xf32>,
      %swap3A_670 = arith.constant 30 : i32
      %swap3A_671 = arith.index_cast %swap3A_670 : i32 to index
      %swap3A_672 = arith.index_cast %multiple_of3A : i32 to index
      %swap3A_673 = tpu.vector_load %arg15[%swap3A_671, %swap3A_672] {strides = array<i32>} : memref<32x512xf32, #tpu.memory_space<vmem>>, vector<16xf32>,
      tpu.vector_store %arg15[%swap3A_671, %swap3A_672], %gather3A_669 {strides = array<i32>} : memref<32x512xf32, #tpu.memory_space<vmem>>, vector<16xf32>,
      %get3A_674 = arith.constant 30 : i32
      %get3A_675 = arith.index_cast %get3A_674 : i32 to index
      %get3A_676 = arith.index_cast %multiple_of3A : i32 to index
      %get3A_677 = tpu.vector_load %arg14[%get3A_675, %get3A_676] {strides = array<i32>} : memref<32x512xf32, #tpu.memory_space<vmem>>, vector<16xf32>,
      %mul3A_678 = arith.mulf %get3A_677, %gather3A_669 : vector<16xf32>
      %add3A_679 = arith.addf %add3A_665, %mul3A_678 : vector<16xf32>
      %add3A_680 = arith.constant 31 : i32
      %add3A_681 = vector.broadcast %add3A_680 : i32 to vector<16xi32>
      %add3A_682 = arith.addi %mul3A_246, %add3A_681 : vector<16xi32>
      %gather3A_683 = tpu.vector_load_idx %arg13[%add3A_237, %add3A_682] : memref<512x128xf32, #tpu.memory_space<vmem>>[vector<16xi32>, vector<16xi32>], vector<16xf32>,
      %swap3A_684 = arith.constant 31 : i32
      %swap3A_685 = arith.index_cast %swap3A_684 : i32 to index
      %swap3A_686 = arith.index_cast %multiple_of3A : i32 to index
      %swap3A_687 = tpu.vector_load %arg15[%swap3A_685, %swap3A_686] {strides = array<i32>} : memref<32x512xf32, #tpu.memory_space<vmem>>, vector<16xf32>,
      tpu.vector_store %arg15[%swap3A_685, %swap3A_686], %gather3A_683 {strides = array<i32>} : memref<32x512xf32, #tpu.memory_space<vmem>>, vector<16xf32>,
      %get3A_688 = arith.constant 31 : i32
      %get3A_689 = arith.index_cast %get3A_688 : i32 to index
      %get3A_690 = arith.index_cast %multiple_of3A : i32 to index
      %get3A_691 = tpu.vector_load %arg14[%get3A_689, %get3A_690] {strides = array<i32>} : memref<32x512xf32, #tpu.memory_space<vmem>>, vector<16xf32>,
      %mul3A_692 = arith.mulf %get3A_691, %gather3A_683 : vector<16xf32>
      %add3A_693 = arith.addf %add3A_679, %mul3A_692 : vector<16xf32>
      %swap3A_694 = arith.index_cast %multiple_of3A : i32 to index
      %swap3A_695 = tpu.vector_load %arg16[%swap3A_694] {strides = array<i32>} : memref<512xf32, #tpu.memory_space<vmem>>, vector<16xf32>,
      tpu.vector_store %arg16[%swap3A_694], %add3A_693 {strides = array<i32>} : memref<512xf32, #tpu.memory_space<vmem>>, vector<16xf32>,
    }
    %scan3A_200 = arith.constant 32 : i32
    "tpu.region"() ({
      %run_scoped3A_201 = tpu.sem_alloc : memref<!tpu.dma_semaphore, #tpu.memory_space<semaphore_mem>>
      %dma_start3A_202 = arith.constant 0 : i32
      %dma_start3A_203 = arith.constant 0 : i32
      %dma_start3A_204 = tpu.memref_slice %arg14[%dma_start3A_202, %dma_start3A_203] : memref<32x512xf32, #tpu.memory_space<vmem>> -> memref<8x512xf32, #tpu.memory_space<vmem>>
      %dma_start3A_205 = arith.constant 0 : i32
      %dma_start3A_206 = tpu.memref_slice %arg6[%dma_start3A_205, %mul3A_2] : memref<32x16384xf32, #tpu.memory_space<hbm>> -> memref<8x512xf32, #tpu.memory_space<hbm>>
      %dma_start3A_207 = arith.constant 0 : i32
      %dma_start3A_208 = tpu.memref_slice %arg6[%dma_start3A_207, %mul3A_2] : memref<32x16384xf32, #tpu.memory_space<hbm>> -> memref<8x512xf32, #tpu.memory_space<hbm>>
      %dma_start3A_209 = arith.constant 0 : i32
      %dma_start3A_210 = arith.constant 0 : i32
      %dma_start3A_211 = tpu.memref_slice %arg14[%dma_start3A_209, %dma_start3A_210] : memref<32x512xf32, #tpu.memory_space<vmem>> -> memref<8x512xf32, #tpu.memory_space<vmem>>
      tpu.enqueue_dma source(%dma_start3A_211 : memref<8x512xf32, #tpu.memory_space<vmem>>) target(%dma_start3A_208 : memref<8x512xf32, #tpu.memory_space<hbm>>) target_semaphore(%run_scoped3A_201 : memref<!tpu.dma_semaphore, #tpu.memory_space<semaphore_mem>>)
      %dma_wait3A_212 = arith.constant 0 : i32
      %dma_wait3A_213 = arith.constant 0 : i32
      %dma_wait3A_214 = tpu.memref_slice %arg14[%dma_wait3A_212, %dma_wait3A_213] : memref<32x512xf32, #tpu.memory_space<vmem>> -> memref<8x512xf32, #tpu.memory_space<vmem>>
      %dma_wait3A_215 = arith.constant 0 : i32
      %dma_wait3A_216 = tpu.memref_slice %arg6[%dma_wait3A_215, %mul3A_2] : memref<32x16384xf32, #tpu.memory_space<hbm>> -> memref<8x512xf32, #tpu.memory_space<hbm>>
      %dma_wait3A_217 = arith.constant 0 : i32
      %dma_wait3A_218 = tpu.memref_slice %arg6[%dma_wait3A_217, %mul3A_2] : memref<32x16384xf32, #tpu.memory_space<hbm>> -> memref<8x512xf32, #tpu.memory_space<hbm>>
      %dma_wait3A_219 = arith.constant 0 : i32
      %dma_wait3A_220 = arith.constant 0 : i32
      %dma_wait3A_221 = tpu.memref_slice %arg14[%dma_wait3A_219, %dma_wait3A_220] : memref<32x512xf32, #tpu.memory_space<vmem>> -> memref<8x512xf32, #tpu.memory_space<vmem>>
      tpu.wait_dma2 semaphore(%run_scoped3A_201 : memref<!tpu.dma_semaphore, #tpu.memory_space<semaphore_mem>>) src(%dma_wait3A_221 : memref<8x512xf32, #tpu.memory_space<vmem>>) dst(%dma_wait3A_218 : memref<8x512xf32, #tpu.memory_space<hbm>>)
      tpu.yield
    }) : () -> ()
    "tpu.region"() ({
      %run_scoped3A_201 = tpu.sem_alloc : memref<!tpu.dma_semaphore, #tpu.memory_space<semaphore_mem>>
      %dma_start3A_202 = arith.constant 0 : i32
      %dma_start3A_203 = arith.constant 0 : i32
      %dma_start3A_204 = tpu.memref_slice %arg15[%dma_start3A_202, %dma_start3A_203] : memref<32x512xf32, #tpu.memory_space<vmem>> -> memref<8x512xf32, #tpu.memory_space<vmem>>
      %dma_start3A_205 = arith.constant 0 : i32
      %dma_start3A_206 = tpu.memref_slice %arg7[%dma_start3A_205, %mul3A_2] : memref<32x16384xf32, #tpu.memory_space<hbm>> -> memref<8x512xf32, #tpu.memory_space<hbm>>
      %dma_start3A_207 = arith.constant 0 : i32
      %dma_start3A_208 = tpu.memref_slice %arg7[%dma_start3A_207, %mul3A_2] : memref<32x16384xf32, #tpu.memory_space<hbm>> -> memref<8x512xf32, #tpu.memory_space<hbm>>
      %dma_start3A_209 = arith.constant 0 : i32
      %dma_start3A_210 = arith.constant 0 : i32
      %dma_start3A_211 = tpu.memref_slice %arg15[%dma_start3A_209, %dma_start3A_210] : memref<32x512xf32, #tpu.memory_space<vmem>> -> memref<8x512xf32, #tpu.memory_space<vmem>>
      tpu.enqueue_dma source(%dma_start3A_211 : memref<8x512xf32, #tpu.memory_space<vmem>>) target(%dma_start3A_208 : memref<8x512xf32, #tpu.memory_space<hbm>>) target_semaphore(%run_scoped3A_201 : memref<!tpu.dma_semaphore, #tpu.memory_space<semaphore_mem>>)
      %dma_wait3A_212 = arith.constant 0 : i32
      %dma_wait3A_213 = arith.constant 0 : i32
      %dma_wait3A_214 = tpu.memref_slice %arg15[%dma_wait3A_212, %dma_wait3A_213] : memref<32x512xf32, #tpu.memory_space<vmem>> -> memref<8x512xf32, #tpu.memory_space<vmem>>
      %dma_wait3A_215 = arith.constant 0 : i32
      %dma_wait3A_216 = tpu.memref_slice %arg7[%dma_wait3A_215, %mul3A_2] : memref<32x16384xf32, #tpu.memory_space<hbm>> -> memref<8x512xf32, #tpu.memory_space<hbm>>
      %dma_wait3A_217 = arith.constant 0 : i32
      %dma_wait3A_218 = tpu.memref_slice %arg7[%dma_wait3A_217, %mul3A_2] : memref<32x16384xf32, #tpu.memory_space<hbm>> -> memref<8x512xf32, #tpu.memory_space<hbm>>
      %dma_wait3A_219 = arith.constant 0 : i32
      %dma_wait3A_220 = arith.constant 0 : i32
      %dma_wait3A_221 = tpu.memref_slice %arg15[%dma_wait3A_219, %dma_wait3A_220] : memref<32x512xf32, #tpu.memory_space<vmem>> -> memref<8x512xf32, #tpu.memory_space<vmem>>
      tpu.wait_dma2 semaphore(%run_scoped3A_201 : memref<!tpu.dma_semaphore, #tpu.memory_space<semaphore_mem>>) src(%dma_wait3A_221 : memref<8x512xf32, #tpu.memory_space<vmem>>) dst(%dma_wait3A_218 : memref<8x512xf32, #tpu.memory_space<hbm>>)
      tpu.yield
    }) : () -> ()
    "tpu.region"() ({
      %run_scoped3A_201 = tpu.sem_alloc : memref<!tpu.dma_semaphore, #tpu.memory_space<semaphore_mem>>
      %dma_start3A_202 = arith.constant 8 : i32
      %dma_start3A_203 = arith.constant 0 : i32
      %dma_start3A_204 = tpu.memref_slice %arg14[%dma_start3A_202, %dma_start3A_203] : memref<32x512xf32, #tpu.memory_space<vmem>> -> memref<8x512xf32, #tpu.memory_space<vmem>>
      %dma_start3A_205 = arith.constant 8 : i32
      %dma_start3A_206 = tpu.memref_slice %arg6[%dma_start3A_205, %mul3A_2] : memref<32x16384xf32, #tpu.memory_space<hbm>> -> memref<8x512xf32, #tpu.memory_space<hbm>>
      %dma_start3A_207 = arith.constant 8 : i32
      %dma_start3A_208 = tpu.memref_slice %arg6[%dma_start3A_207, %mul3A_2] : memref<32x16384xf32, #tpu.memory_space<hbm>> -> memref<8x512xf32, #tpu.memory_space<hbm>>
      %dma_start3A_209 = arith.constant 8 : i32
      %dma_start3A_210 = arith.constant 0 : i32
      %dma_start3A_211 = tpu.memref_slice %arg14[%dma_start3A_209, %dma_start3A_210] : memref<32x512xf32, #tpu.memory_space<vmem>> -> memref<8x512xf32, #tpu.memory_space<vmem>>
      tpu.enqueue_dma source(%dma_start3A_211 : memref<8x512xf32, #tpu.memory_space<vmem>>) target(%dma_start3A_208 : memref<8x512xf32, #tpu.memory_space<hbm>>) target_semaphore(%run_scoped3A_201 : memref<!tpu.dma_semaphore, #tpu.memory_space<semaphore_mem>>)
      %dma_wait3A_212 = arith.constant 8 : i32
      %dma_wait3A_213 = arith.constant 0 : i32
      %dma_wait3A_214 = tpu.memref_slice %arg14[%dma_wait3A_212, %dma_wait3A_213] : memref<32x512xf32, #tpu.memory_space<vmem>> -> memref<8x512xf32, #tpu.memory_space<vmem>>
      %dma_wait3A_215 = arith.constant 8 : i32
      %dma_wait3A_216 = tpu.memref_slice %arg6[%dma_wait3A_215, %mul3A_2] : memref<32x16384xf32, #tpu.memory_space<hbm>> -> memref<8x512xf32, #tpu.memory_space<hbm>>
      %dma_wait3A_217 = arith.constant 8 : i32
      %dma_wait3A_218 = tpu.memref_slice %arg6[%dma_wait3A_217, %mul3A_2] : memref<32x16384xf32, #tpu.memory_space<hbm>> -> memref<8x512xf32, #tpu.memory_space<hbm>>
      %dma_wait3A_219 = arith.constant 8 : i32
      %dma_wait3A_220 = arith.constant 0 : i32
      %dma_wait3A_221 = tpu.memref_slice %arg14[%dma_wait3A_219, %dma_wait3A_220] : memref<32x512xf32, #tpu.memory_space<vmem>> -> memref<8x512xf32, #tpu.memory_space<vmem>>
      tpu.wait_dma2 semaphore(%run_scoped3A_201 : memref<!tpu.dma_semaphore, #tpu.memory_space<semaphore_mem>>) src(%dma_wait3A_221 : memref<8x512xf32, #tpu.memory_space<vmem>>) dst(%dma_wait3A_218 : memref<8x512xf32, #tpu.memory_space<hbm>>)
      tpu.yield
    }) : () -> ()
    "tpu.region"() ({
      %run_scoped3A_201 = tpu.sem_alloc : memref<!tpu.dma_semaphore, #tpu.memory_space<semaphore_mem>>
      %dma_start3A_202 = arith.constant 8 : i32
      %dma_start3A_203 = arith.constant 0 : i32
      %dma_start3A_204 = tpu.memref_slice %arg15[%dma_start3A_202, %dma_start3A_203] : memref<32x512xf32, #tpu.memory_space<vmem>> -> memref<8x512xf32, #tpu.memory_space<vmem>>
      %dma_start3A_205 = arith.constant 8 : i32
      %dma_start3A_206 = tpu.memref_slice %arg7[%dma_start3A_205, %mul3A_2] : memref<32x16384xf32, #tpu.memory_space<hbm>> -> memref<8x512xf32, #tpu.memory_space<hbm>>
      %dma_start3A_207 = arith.constant 8 : i32
      %dma_start3A_208 = tpu.memref_slice %arg7[%dma_start3A_207, %mul3A_2] : memref<32x16384xf32, #tpu.memory_space<hbm>> -> memref<8x512xf32, #tpu.memory_space<hbm>>
      %dma_start3A_209 = arith.constant 8 : i32
      %dma_start3A_210 = arith.constant 0 : i32
      %dma_start3A_211 = tpu.memref_slice %arg15[%dma_start3A_209, %dma_start3A_210] : memref<32x512xf32, #tpu.memory_space<vmem>> -> memref<8x512xf32, #tpu.memory_space<vmem>>
      tpu.enqueue_dma source(%dma_start3A_211 : memref<8x512xf32, #tpu.memory_space<vmem>>) target(%dma_start3A_208 : memref<8x512xf32, #tpu.memory_space<hbm>>) target_semaphore(%run_scoped3A_201 : memref<!tpu.dma_semaphore, #tpu.memory_space<semaphore_mem>>)
      %dma_wait3A_212 = arith.constant 8 : i32
      %dma_wait3A_213 = arith.constant 0 : i32
      %dma_wait3A_214 = tpu.memref_slice %arg15[%dma_wait3A_212, %dma_wait3A_213] : memref<32x512xf32, #tpu.memory_space<vmem>> -> memref<8x512xf32, #tpu.memory_space<vmem>>
      %dma_wait3A_215 = arith.constant 8 : i32
      %dma_wait3A_216 = tpu.memref_slice %arg7[%dma_wait3A_215, %mul3A_2] : memref<32x16384xf32, #tpu.memory_space<hbm>> -> memref<8x512xf32, #tpu.memory_space<hbm>>
      %dma_wait3A_217 = arith.constant 8 : i32
      %dma_wait3A_218 = tpu.memref_slice %arg7[%dma_wait3A_217, %mul3A_2] : memref<32x16384xf32, #tpu.memory_space<hbm>> -> memref<8x512xf32, #tpu.memory_space<hbm>>
      %dma_wait3A_219 = arith.constant 8 : i32
      %dma_wait3A_220 = arith.constant 0 : i32
      %dma_wait3A_221 = tpu.memref_slice %arg15[%dma_wait3A_219, %dma_wait3A_220] : memref<32x512xf32, #tpu.memory_space<vmem>> -> memref<8x512xf32, #tpu.memory_space<vmem>>
      tpu.wait_dma2 semaphore(%run_scoped3A_201 : memref<!tpu.dma_semaphore, #tpu.memory_space<semaphore_mem>>) src(%dma_wait3A_221 : memref<8x512xf32, #tpu.memory_space<vmem>>) dst(%dma_wait3A_218 : memref<8x512xf32, #tpu.memory_space<hbm>>)
      tpu.yield
    }) : () -> ()
    "tpu.region"() ({
      %run_scoped3A_201 = tpu.sem_alloc : memref<!tpu.dma_semaphore, #tpu.memory_space<semaphore_mem>>
      %dma_start3A_202 = arith.constant 16 : i32
      %dma_start3A_203 = arith.constant 0 : i32
      %dma_start3A_204 = tpu.memref_slice %arg14[%dma_start3A_202, %dma_start3A_203] : memref<32x512xf32, #tpu.memory_space<vmem>> -> memref<8x512xf32, #tpu.memory_space<vmem>>
      %dma_start3A_205 = arith.constant 16 : i32
      %dma_start3A_206 = tpu.memref_slice %arg6[%dma_start3A_205, %mul3A_2] : memref<32x16384xf32, #tpu.memory_space<hbm>> -> memref<8x512xf32, #tpu.memory_space<hbm>>
      %dma_start3A_207 = arith.constant 16 : i32
      %dma_start3A_208 = tpu.memref_slice %arg6[%dma_start3A_207, %mul3A_2] : memref<32x16384xf32, #tpu.memory_space<hbm>> -> memref<8x512xf32, #tpu.memory_space<hbm>>
      %dma_start3A_209 = arith.constant 16 : i32
      %dma_start3A_210 = arith.constant 0 : i32
      %dma_start3A_211 = tpu.memref_slice %arg14[%dma_start3A_209, %dma_start3A_210] : memref<32x512xf32, #tpu.memory_space<vmem>> -> memref<8x512xf32, #tpu.memory_space<vmem>>
      tpu.enqueue_dma source(%dma_start3A_211 : memref<8x512xf32, #tpu.memory_space<vmem>>) target(%dma_start3A_208 : memref<8x512xf32, #tpu.memory_space<hbm>>) target_semaphore(%run_scoped3A_201 : memref<!tpu.dma_semaphore, #tpu.memory_space<semaphore_mem>>)
      %dma_wait3A_212 = arith.constant 16 : i32
      %dma_wait3A_213 = arith.constant 0 : i32
      %dma_wait3A_214 = tpu.memref_slice %arg14[%dma_wait3A_212, %dma_wait3A_213] : memref<32x512xf32, #tpu.memory_space<vmem>> -> memref<8x512xf32, #tpu.memory_space<vmem>>
      %dma_wait3A_215 = arith.constant 16 : i32
      %dma_wait3A_216 = tpu.memref_slice %arg6[%dma_wait3A_215, %mul3A_2] : memref<32x16384xf32, #tpu.memory_space<hbm>> -> memref<8x512xf32, #tpu.memory_space<hbm>>
      %dma_wait3A_217 = arith.constant 16 : i32
      %dma_wait3A_218 = tpu.memref_slice %arg6[%dma_wait3A_217, %mul3A_2] : memref<32x16384xf32, #tpu.memory_space<hbm>> -> memref<8x512xf32, #tpu.memory_space<hbm>>
      %dma_wait3A_219 = arith.constant 16 : i32
      %dma_wait3A_220 = arith.constant 0 : i32
      %dma_wait3A_221 = tpu.memref_slice %arg14[%dma_wait3A_219, %dma_wait3A_220] : memref<32x512xf32, #tpu.memory_space<vmem>> -> memref<8x512xf32, #tpu.memory_space<vmem>>
      tpu.wait_dma2 semaphore(%run_scoped3A_201 : memref<!tpu.dma_semaphore, #tpu.memory_space<semaphore_mem>>) src(%dma_wait3A_221 : memref<8x512xf32, #tpu.memory_space<vmem>>) dst(%dma_wait3A_218 : memref<8x512xf32, #tpu.memory_space<hbm>>)
      tpu.yield
    }) : () -> ()
    "tpu.region"() ({
      %run_scoped3A_201 = tpu.sem_alloc : memref<!tpu.dma_semaphore, #tpu.memory_space<semaphore_mem>>
      %dma_start3A_202 = arith.constant 16 : i32
      %dma_start3A_203 = arith.constant 0 : i32
      %dma_start3A_204 = tpu.memref_slice %arg15[%dma_start3A_202, %dma_start3A_203] : memref<32x512xf32, #tpu.memory_space<vmem>> -> memref<8x512xf32, #tpu.memory_space<vmem>>
      %dma_start3A_205 = arith.constant 16 : i32
      %dma_start3A_206 = tpu.memref_slice %arg7[%dma_start3A_205, %mul3A_2] : memref<32x16384xf32, #tpu.memory_space<hbm>> -> memref<8x512xf32, #tpu.memory_space<hbm>>
      %dma_start3A_207 = arith.constant 16 : i32
      %dma_start3A_208 = tpu.memref_slice %arg7[%dma_start3A_207, %mul3A_2] : memref<32x16384xf32, #tpu.memory_space<hbm>> -> memref<8x512xf32, #tpu.memory_space<hbm>>
      %dma_start3A_209 = arith.constant 16 : i32
      %dma_start3A_210 = arith.constant 0 : i32
      %dma_start3A_211 = tpu.memref_slice %arg15[%dma_start3A_209, %dma_start3A_210] : memref<32x512xf32, #tpu.memory_space<vmem>> -> memref<8x512xf32, #tpu.memory_space<vmem>>
      tpu.enqueue_dma source(%dma_start3A_211 : memref<8x512xf32, #tpu.memory_space<vmem>>) target(%dma_start3A_208 : memref<8x512xf32, #tpu.memory_space<hbm>>) target_semaphore(%run_scoped3A_201 : memref<!tpu.dma_semaphore, #tpu.memory_space<semaphore_mem>>)
      %dma_wait3A_212 = arith.constant 16 : i32
      %dma_wait3A_213 = arith.constant 0 : i32
      %dma_wait3A_214 = tpu.memref_slice %arg15[%dma_wait3A_212, %dma_wait3A_213] : memref<32x512xf32, #tpu.memory_space<vmem>> -> memref<8x512xf32, #tpu.memory_space<vmem>>
      %dma_wait3A_215 = arith.constant 16 : i32
      %dma_wait3A_216 = tpu.memref_slice %arg7[%dma_wait3A_215, %mul3A_2] : memref<32x16384xf32, #tpu.memory_space<hbm>> -> memref<8x512xf32, #tpu.memory_space<hbm>>
      %dma_wait3A_217 = arith.constant 16 : i32
      %dma_wait3A_218 = tpu.memref_slice %arg7[%dma_wait3A_217, %mul3A_2] : memref<32x16384xf32, #tpu.memory_space<hbm>> -> memref<8x512xf32, #tpu.memory_space<hbm>>
      %dma_wait3A_219 = arith.constant 16 : i32
      %dma_wait3A_220 = arith.constant 0 : i32
      %dma_wait3A_221 = tpu.memref_slice %arg15[%dma_wait3A_219, %dma_wait3A_220] : memref<32x512xf32, #tpu.memory_space<vmem>> -> memref<8x512xf32, #tpu.memory_space<vmem>>
      tpu.wait_dma2 semaphore(%run_scoped3A_201 : memref<!tpu.dma_semaphore, #tpu.memory_space<semaphore_mem>>) src(%dma_wait3A_221 : memref<8x512xf32, #tpu.memory_space<vmem>>) dst(%dma_wait3A_218 : memref<8x512xf32, #tpu.memory_space<hbm>>)
      tpu.yield
    }) : () -> ()
    "tpu.region"() ({
      %run_scoped3A_201 = tpu.sem_alloc : memref<!tpu.dma_semaphore, #tpu.memory_space<semaphore_mem>>
      %dma_start3A_202 = arith.constant 24 : i32
      %dma_start3A_203 = arith.constant 0 : i32
      %dma_start3A_204 = tpu.memref_slice %arg14[%dma_start3A_202, %dma_start3A_203] : memref<32x512xf32, #tpu.memory_space<vmem>> -> memref<8x512xf32, #tpu.memory_space<vmem>>
      %dma_start3A_205 = arith.constant 24 : i32
      %dma_start3A_206 = tpu.memref_slice %arg6[%dma_start3A_205, %mul3A_2] : memref<32x16384xf32, #tpu.memory_space<hbm>> -> memref<8x512xf32, #tpu.memory_space<hbm>>
      %dma_start3A_207 = arith.constant 24 : i32
      %dma_start3A_208 = tpu.memref_slice %arg6[%dma_start3A_207, %mul3A_2] : memref<32x16384xf32, #tpu.memory_space<hbm>> -> memref<8x512xf32, #tpu.memory_space<hbm>>
      %dma_start3A_209 = arith.constant 24 : i32
      %dma_start3A_210 = arith.constant 0 : i32
      %dma_start3A_211 = tpu.memref_slice %arg14[%dma_start3A_209, %dma_start3A_210] : memref<32x512xf32, #tpu.memory_space<vmem>> -> memref<8x512xf32, #tpu.memory_space<vmem>>
      tpu.enqueue_dma source(%dma_start3A_211 : memref<8x512xf32, #tpu.memory_space<vmem>>) target(%dma_start3A_208 : memref<8x512xf32, #tpu.memory_space<hbm>>) target_semaphore(%run_scoped3A_201 : memref<!tpu.dma_semaphore, #tpu.memory_space<semaphore_mem>>)
      %dma_wait3A_212 = arith.constant 24 : i32
      %dma_wait3A_213 = arith.constant 0 : i32
      %dma_wait3A_214 = tpu.memref_slice %arg14[%dma_wait3A_212, %dma_wait3A_213] : memref<32x512xf32, #tpu.memory_space<vmem>> -> memref<8x512xf32, #tpu.memory_space<vmem>>
      %dma_wait3A_215 = arith.constant 24 : i32
      %dma_wait3A_216 = tpu.memref_slice %arg6[%dma_wait3A_215, %mul3A_2] : memref<32x16384xf32, #tpu.memory_space<hbm>> -> memref<8x512xf32, #tpu.memory_space<hbm>>
      %dma_wait3A_217 = arith.constant 24 : i32
      %dma_wait3A_218 = tpu.memref_slice %arg6[%dma_wait3A_217, %mul3A_2] : memref<32x16384xf32, #tpu.memory_space<hbm>> -> memref<8x512xf32, #tpu.memory_space<hbm>>
      %dma_wait3A_219 = arith.constant 24 : i32
      %dma_wait3A_220 = arith.constant 0 : i32
      %dma_wait3A_221 = tpu.memref_slice %arg14[%dma_wait3A_219, %dma_wait3A_220] : memref<32x512xf32, #tpu.memory_space<vmem>> -> memref<8x512xf32, #tpu.memory_space<vmem>>
      tpu.wait_dma2 semaphore(%run_scoped3A_201 : memref<!tpu.dma_semaphore, #tpu.memory_space<semaphore_mem>>) src(%dma_wait3A_221 : memref<8x512xf32, #tpu.memory_space<vmem>>) dst(%dma_wait3A_218 : memref<8x512xf32, #tpu.memory_space<hbm>>)
      tpu.yield
    }) : () -> ()
    "tpu.region"() ({
      %run_scoped3A_201 = tpu.sem_alloc : memref<!tpu.dma_semaphore, #tpu.memory_space<semaphore_mem>>
      %dma_start3A_202 = arith.constant 24 : i32
      %dma_start3A_203 = arith.constant 0 : i32
      %dma_start3A_204 = tpu.memref_slice %arg15[%dma_start3A_202, %dma_start3A_203] : memref<32x512xf32, #tpu.memory_space<vmem>> -> memref<8x512xf32, #tpu.memory_space<vmem>>
      %dma_start3A_205 = arith.constant 24 : i32
      %dma_start3A_206 = tpu.memref_slice %arg7[%dma_start3A_205, %mul3A_2] : memref<32x16384xf32, #tpu.memory_space<hbm>> -> memref<8x512xf32, #tpu.memory_space<hbm>>
      %dma_start3A_207 = arith.constant 24 : i32
      %dma_start3A_208 = tpu.memref_slice %arg7[%dma_start3A_207, %mul3A_2] : memref<32x16384xf32, #tpu.memory_space<hbm>> -> memref<8x512xf32, #tpu.memory_space<hbm>>
      %dma_start3A_209 = arith.constant 24 : i32
      %dma_start3A_210 = arith.constant 0 : i32
      %dma_start3A_211 = tpu.memref_slice %arg15[%dma_start3A_209, %dma_start3A_210] : memref<32x512xf32, #tpu.memory_space<vmem>> -> memref<8x512xf32, #tpu.memory_space<vmem>>
      tpu.enqueue_dma source(%dma_start3A_211 : memref<8x512xf32, #tpu.memory_space<vmem>>) target(%dma_start3A_208 : memref<8x512xf32, #tpu.memory_space<hbm>>) target_semaphore(%run_scoped3A_201 : memref<!tpu.dma_semaphore, #tpu.memory_space<semaphore_mem>>)
      %dma_wait3A_212 = arith.constant 24 : i32
      %dma_wait3A_213 = arith.constant 0 : i32
      %dma_wait3A_214 = tpu.memref_slice %arg15[%dma_wait3A_212, %dma_wait3A_213] : memref<32x512xf32, #tpu.memory_space<vmem>> -> memref<8x512xf32, #tpu.memory_space<vmem>>
      %dma_wait3A_215 = arith.constant 24 : i32
      %dma_wait3A_216 = tpu.memref_slice %arg7[%dma_wait3A_215, %mul3A_2] : memref<32x16384xf32, #tpu.memory_space<hbm>> -> memref<8x512xf32, #tpu.memory_space<hbm>>
      %dma_wait3A_217 = arith.constant 24 : i32
      %dma_wait3A_218 = tpu.memref_slice %arg7[%dma_wait3A_217, %mul3A_2] : memref<32x16384xf32, #tpu.memory_space<hbm>> -> memref<8x512xf32, #tpu.memory_space<hbm>>
      %dma_wait3A_219 = arith.constant 24 : i32
      %dma_wait3A_220 = arith.constant 0 : i32
      %dma_wait3A_221 = tpu.memref_slice %arg15[%dma_wait3A_219, %dma_wait3A_220] : memref<32x512xf32, #tpu.memory_space<vmem>> -> memref<8x512xf32, #tpu.memory_space<vmem>>
      tpu.wait_dma2 semaphore(%run_scoped3A_201 : memref<!tpu.dma_semaphore, #tpu.memory_space<semaphore_mem>>) src(%dma_wait3A_221 : memref<8x512xf32, #tpu.memory_space<vmem>>) dst(%dma_wait3A_218 : memref<8x512xf32, #tpu.memory_space<hbm>>)
      tpu.yield
    }) : () -> ()
    "tpu.region"() ({
      %run_scoped3A_201 = tpu.sem_alloc : memref<!tpu.dma_semaphore, #tpu.memory_space<semaphore_mem>>
      %dma_start3A_202 = tpu.memref_slice %arg8[%mul3A_2] : memref<16384xf32, #tpu.memory_space<hbm>> -> memref<512xf32, #tpu.memory_space<hbm>>
      %dma_start3A_203 = tpu.memref_slice %arg8[%mul3A_2] : memref<16384xf32, #tpu.memory_space<hbm>> -> memref<512xf32, #tpu.memory_space<hbm>>
      tpu.enqueue_dma source(%arg16 : memref<512xf32, #tpu.memory_space<vmem>>) target(%dma_start3A_203 : memref<512xf32, #tpu.memory_space<hbm>>) target_semaphore(%run_scoped3A_201 : memref<!tpu.dma_semaphore, #tpu.memory_space<semaphore_mem>>)
      %dma_wait3A_204 = tpu.memref_slice %arg8[%mul3A_2] : memref<16384xf32, #tpu.memory_space<hbm>> -> memref<512xf32, #tpu.memory_space<hbm>>
      %dma_wait3A_205 = tpu.memref_slice %arg8[%mul3A_2] : memref<16384xf32, #tpu.memory_space<hbm>> -> memref<512xf32, #tpu.memory_space<hbm>>
      tpu.wait_dma2 semaphore(%run_scoped3A_201 : memref<!tpu.dma_semaphore, #tpu.memory_space<semaphore_mem>>) src(%arg16 : memref<512xf32, #tpu.memory_space<vmem>>) dst(%dma_wait3A_205 : memref<512xf32, #tpu.memory_space<hbm>>)
      tpu.yield
    }) : () -> ()
    return
  }
}

module attributes {stable_mosaic.version = 14 : i64} {
  func.func @_transpose_body(%arg0: i32, %arg1: memref<32x2048xf32, #tpu.memory_space<vmem>>, %arg2: memref<32x2048xf32, #tpu.memory_space<vmem>>, %arg3: memref<32x2048xf32, #tpu.memory_space<vmem>>, %arg4: memref<32x2048xf32, #tpu.memory_space<vmem>>, %arg5: memref<32x2048xf32, #tpu.memory_space<vmem>>, %arg6: memref<2048x128xf32, #tpu.memory_space<vmem>>) attributes {dimension_semantics = [#tpu.dimension_semantics<arbitrary>], iteration_bounds = array<i64: 128>, scalar_prefetch = 0 : i64, scratch_operands = 0 : i64, tpu.core_type = #tpu.core_type<tc>, window_params = [{transform_indices = @transform_0, window_bounds = array<i64: 32, 2048>}, {transform_indices = @transform_1, window_bounds = array<i64: 32, 2048>}, {transform_indices = @transform_2, window_bounds = array<i64: 32, 2048>}, {transform_indices = @transform_3, window_bounds = array<i64: 32, 2048>}, {pipeline_mode = #tpu.pipeline_mode<synchronous>, transform_indices = @transform_4, window_bounds = array<i64: 32, 2048>}, {transform_indices = @transform_5, window_bounds = array<i64: 2048, 128>}]} {
    %get3A = arith.constant 0 : index
    %get3A_0 = arith.constant 0 : index
    %get3A_1 = vector.load %arg1[%get3A, %get3A_0] : memref<32x2048xf32, #tpu.memory_space<vmem>>, vector<32x2048xf32>
    %iota3A = tpu.iota {dimensions = array<i32: 0>} : vector<32x32xi32>
    %iota3A_2 = tpu.iota {dimensions = array<i32: 1>} : vector<32x32xi32>
    %add3A = arith.constant 0 : i32
    %add3A_3 = vector.broadcast %add3A : i32 to vector<32x32xi32>
    %add3A_4 = arith.addi %iota3A, %add3A_3 : vector<32x32xi32>
    %eq3A = arith.cmpi eq, %add3A_4, %iota3A_2 : vector<32x32xi32>
    %convert_element_type3A = arith.extui %eq3A : vector<32x32xi1> to vector<32x32xi32>
    %convert_element_type3A_5 = arith.sitofp %convert_element_type3A : vector<32x32xi32> to vector<32x32xf32>
    %dot_general3A = arith.constant dense<0.000000e+00> : vector<2048x32xf32>
    %dot_general3A_6 = tpu.matmul %get3A_1, %convert_element_type3A_5, %dot_general3A {dimension_numbers = #tpu.dot_dimension_numbers<[0], [0], [1], [1], [0, 1, 1, 1], [], []>, transpose_lhs_hint = false} : vector<32x2048xf32>, vector<32x32xf32>, vector<2048x32xf32> -> vector<2048x32xf32>
    %swap3A = arith.constant 0 : index
    %swap3A_7 = arith.constant 0 : index
    %swap3A_8 = vector.load %arg6[%swap3A, %swap3A_7] : memref<2048x128xf32, #tpu.memory_space<vmem>>, vector<2048x32xf32>
    tpu.vector_store %arg6[%swap3A, %swap3A_7], %dot_general3A_6 {strides = array<i32>} : memref<2048x128xf32, #tpu.memory_space<vmem>>, vector<2048x32xf32>,
    %get3A_9 = arith.constant 0 : index
    %get3A_10 = arith.constant 0 : index
    %get3A_11 = vector.load %arg2[%get3A_9, %get3A_10] : memref<32x2048xf32, #tpu.memory_space<vmem>>, vector<32x2048xf32>
    %iota3A_12 = tpu.iota {dimensions = array<i32: 0>} : vector<32x32xi32>
    %iota3A_13 = tpu.iota {dimensions = array<i32: 1>} : vector<32x32xi32>
    %add3A_14 = arith.constant 0 : i32
    %add3A_15 = vector.broadcast %add3A_14 : i32 to vector<32x32xi32>
    %add3A_16 = arith.addi %iota3A_12, %add3A_15 : vector<32x32xi32>
    %eq3A_17 = arith.cmpi eq, %add3A_16, %iota3A_13 : vector<32x32xi32>
    %convert_element_type3A_18 = arith.extui %eq3A_17 : vector<32x32xi1> to vector<32x32xi32>
    %convert_element_type3A_19 = arith.sitofp %convert_element_type3A_18 : vector<32x32xi32> to vector<32x32xf32>
    %dot_general3A_20 = arith.constant dense<0.000000e+00> : vector<2048x32xf32>
    %dot_general3A_21 = tpu.matmul %get3A_11, %convert_element_type3A_19, %dot_general3A_20 {dimension_numbers = #tpu.dot_dimension_numbers<[0], [0], [1], [1], [0, 1, 1, 1], [], []>, transpose_lhs_hint = false} : vector<32x2048xf32>, vector<32x32xf32>, vector<2048x32xf32> -> vector<2048x32xf32>
    %swap3A_22 = arith.constant 0 : index
    %swap3A_23 = arith.constant 32 : index
    %swap3A_24 = vector.load %arg6[%swap3A_22, %swap3A_23] : memref<2048x128xf32, #tpu.memory_space<vmem>>, vector<2048x32xf32>
    tpu.vector_store %arg6[%swap3A_22, %swap3A_23], %dot_general3A_21 {strides = array<i32>} : memref<2048x128xf32, #tpu.memory_space<vmem>>, vector<2048x32xf32>,
    %get3A_25 = arith.constant 0 : index
    %get3A_26 = arith.constant 0 : index
    %get3A_27 = vector.load %arg3[%get3A_25, %get3A_26] : memref<32x2048xf32, #tpu.memory_space<vmem>>, vector<32x2048xf32>
    %iota3A_28 = tpu.iota {dimensions = array<i32: 0>} : vector<32x32xi32>
    %iota3A_29 = tpu.iota {dimensions = array<i32: 1>} : vector<32x32xi32>
    %add3A_30 = arith.constant 0 : i32
    %add3A_31 = vector.broadcast %add3A_30 : i32 to vector<32x32xi32>
    %add3A_32 = arith.addi %iota3A_28, %add3A_31 : vector<32x32xi32>
    %eq3A_33 = arith.cmpi eq, %add3A_32, %iota3A_29 : vector<32x32xi32>
    %convert_element_type3A_34 = arith.extui %eq3A_33 : vector<32x32xi1> to vector<32x32xi32>
    %convert_element_type3A_35 = arith.sitofp %convert_element_type3A_34 : vector<32x32xi32> to vector<32x32xf32>
    %dot_general3A_36 = arith.constant dense<0.000000e+00> : vector<2048x32xf32>
    %dot_general3A_37 = tpu.matmul %get3A_27, %convert_element_type3A_35, %dot_general3A_36 {dimension_numbers = #tpu.dot_dimension_numbers<[0], [0], [1], [1], [0, 1, 1, 1], [], []>, transpose_lhs_hint = false} : vector<32x2048xf32>, vector<32x32xf32>, vector<2048x32xf32> -> vector<2048x32xf32>
    %swap3A_38 = arith.constant 0 : index
    %swap3A_39 = arith.constant 64 : index
    %swap3A_40 = vector.load %arg6[%swap3A_38, %swap3A_39] : memref<2048x128xf32, #tpu.memory_space<vmem>>, vector<2048x32xf32>
    tpu.vector_store %arg6[%swap3A_38, %swap3A_39], %dot_general3A_37 {strides = array<i32>} : memref<2048x128xf32, #tpu.memory_space<vmem>>, vector<2048x32xf32>,
    %eq3A_41 = arith.constant 105 : i32
    %eq3A_42 = arith.cmpi eq, %arg0, %eq3A_41 : i32
    %get3A_43 = arith.constant 0 : index
    %get3A_44 = arith.constant 0 : index
    %get3A_45 = vector.load %arg5[%get3A_43, %get3A_44] : memref<32x2048xf32, #tpu.memory_space<vmem>>, vector<32x2048xf32>
    %iota3A_46 = tpu.iota {dimensions = array<i32: 0>} : vector<32x32xi32>
    %iota3A_47 = tpu.iota {dimensions = array<i32: 1>} : vector<32x32xi32>
    %add3A_48 = arith.constant 0 : i32
    %add3A_49 = vector.broadcast %add3A_48 : i32 to vector<32x32xi32>
    %add3A_50 = arith.addi %iota3A_46, %add3A_49 : vector<32x32xi32>
    %eq3A_51 = arith.cmpi eq, %add3A_50, %iota3A_47 : vector<32x32xi32>
    %convert_element_type3A_52 = arith.extui %eq3A_51 : vector<32x32xi1> to vector<32x32xi32>
    %convert_element_type3A_53 = arith.sitofp %convert_element_type3A_52 : vector<32x32xi32> to vector<32x32xf32>
    %dot_general3A_54 = arith.constant dense<0.000000e+00> : vector<2048x32xf32>
    %dot_general3A_55 = tpu.matmul %get3A_45, %convert_element_type3A_53, %dot_general3A_54 {dimension_numbers = #tpu.dot_dimension_numbers<[0], [0], [1], [1], [0, 1, 1, 1], [], []>, transpose_lhs_hint = false} : vector<32x2048xf32>, vector<32x32xf32>, vector<2048x32xf32> -> vector<2048x32xf32>
    %get3A_56 = arith.constant 0 : index
    %get3A_57 = arith.constant 0 : index
    %get3A_58 = vector.load %arg4[%get3A_56, %get3A_57] : memref<32x2048xf32, #tpu.memory_space<vmem>>, vector<32x2048xf32>
    %iota3A_59 = tpu.iota {dimensions = array<i32: 0>} : vector<32x32xi32>
    %iota3A_60 = tpu.iota {dimensions = array<i32: 1>} : vector<32x32xi32>
    %add3A_61 = arith.constant 0 : i32
    %add3A_62 = vector.broadcast %add3A_61 : i32 to vector<32x32xi32>
    %add3A_63 = arith.addi %iota3A_59, %add3A_62 : vector<32x32xi32>
    %eq3A_64 = arith.cmpi eq, %add3A_63, %iota3A_60 : vector<32x32xi32>
    %convert_element_type3A_65 = arith.extui %eq3A_64 : vector<32x32xi1> to vector<32x32xi32>
    %convert_element_type3A_66 = arith.sitofp %convert_element_type3A_65 : vector<32x32xi32> to vector<32x32xf32>
    %dot_general3A_67 = arith.constant dense<0.000000e+00> : vector<2048x32xf32>
    %dot_general3A_68 = tpu.matmul %get3A_58, %convert_element_type3A_66, %dot_general3A_67 {dimension_numbers = #tpu.dot_dimension_numbers<[0], [0], [1], [1], [0, 1, 1, 1], [], []>, transpose_lhs_hint = false} : vector<32x2048xf32>, vector<32x32xf32>, vector<2048x32xf32> -> vector<2048x32xf32>
    %select_n3A = arith.select %eq3A_42, %dot_general3A_55, %dot_general3A_68 : vector<2048x32xf32>
    %swap3A_69 = arith.constant 0 : index
    %swap3A_70 = arith.constant 96 : index
    %swap3A_71 = vector.load %arg6[%swap3A_69, %swap3A_70] : memref<2048x128xf32, #tpu.memory_space<vmem>>, vector<2048x32xf32>
    tpu.vector_store %arg6[%swap3A_69, %swap3A_70], %select_n3A {strides = array<i32>} : memref<2048x128xf32, #tpu.memory_space<vmem>>, vector<2048x32xf32>,
    return
  }
  func.func @transform_0(%arg0: i32) -> (i32, i32) {
    %add3A = arith.constant 0 : i32
    %add3A_0 = arith.addi %add3A, %arg0 : i32
    %c0_i32 = arith.constant 0 : i32
    %c0_i32_1 = arith.constant 0 : i32
    return %c0_i32, %add3A_0 : i32, i32
  }
  func.func @transform_1(%arg0: i32) -> (i32, i32) {
    %add3A = arith.constant 128 : i32
    %add3A_0 = arith.addi %add3A, %arg0 : i32
    %c0_i32 = arith.constant 0 : i32
    %c0_i32_1 = arith.constant 0 : i32
    return %c0_i32, %add3A_0 : i32, i32
  }
  func.func @transform_2(%arg0: i32) -> (i32, i32) {
    %add3A = arith.constant 256 : i32
    %add3A_0 = arith.addi %add3A, %arg0 : i32
    %c0_i32 = arith.constant 0 : i32
    %c0_i32_1 = arith.constant 0 : i32
    return %c0_i32, %add3A_0 : i32, i32
  }
  func.func @transform_3(%arg0: i32) -> (i32, i32) {
    %add3A = arith.constant 384 : i32
    %add3A_0 = arith.addi %add3A, %arg0 : i32
    %min3A = arith.constant 487 : i32
    %min3A_1 = arith.minsi %add3A_0, %min3A : i32
    %c0_i32 = arith.constant 0 : i32
    %c0_i32_2 = arith.constant 0 : i32
    return %c0_i32, %min3A_1 : i32, i32
  }
  func.func @transform_4(%arg0: i32) -> (i32, i32) {
    %c0_i32 = arith.constant 0 : i32
    %c0_i32_0 = arith.constant 0 : i32
    %c0_i32_1 = arith.constant 0 : i32
    return %c0_i32, %c0_i32_0 : i32, i32
  }
  func.func @transform_5(%arg0: i32) -> (i32, i32) {
    %c0_i32 = arith.constant 0 : i32
    %c0_i32_0 = arith.constant 0 : i32
    return %arg0, %c0_i32 : i32, i32
  }
}

</mosaic_0001>

<sc_bundles>
// kernel: kernel.5.cloned.1.call-start
scs
__scs_entry_jumppad:
0x0: {  	(pc) =	sbr.rel $0x88, $3  }
0x1: {  	(tag) =	ssettag $0x0;
	lr =	simm.s32 $0x1  }
0x2: {  	[smem:$0x3F9D] =	sst lr;
	_ =	strace $0xD0000000  }
0x3: {  	_ = 	snop  }
0x4: {  	_ = 	snop  }
0x5: {  	_ = 	snop  }
0x6: {  	_ = 	snop  }
0x7: {  	_ = 	snop  }
__scs_overlays_trampoline_lowered:
0x8: {  	[smem:$0x3FAC] =	sst s0  }
0x9: {  	[smem:$0x3FAD] =	sst s1  }
0xa: {  	[smem:$0x3FAE] =	sst s2  }
0xb: {  	[smem:$0x3FAF] =	sst s3  }
0xc: {  	[smem:$0x3FB0] =	sst s4  }
0xd: {  	[smem:$0x3FB1] =	sst s5  }
0xe: {  	[smem:$0x3FB2] =	sst s6  }
0xf: {  	[smem:$0x3FB3] =	sst s7  }
0x10: {  	[smem:$0x3FB4] =	sst s8  }
0x11: {  	[smem:$0x3FB5] =	sst s9;
	s0 =	simm.s32 @!p0 $0x0  }
0x12: {  	s1 =	sld [smem:$0x3F9B];
	s0 =	simm.s32 @p0 $0x1  }
0x13: {  	[smem:$0x3FB6] =	sst s0;
	s0 =	simm.s32 @!p1 $0x0  }
0x14: {  	s2 =	sld [smem:$0x3F9A];
	s0 =	simm.s32 @p1 $0x1  }
0x15: {  	[smem:$0x3FB7] =	sst s0;
	s0 =	simm.s32 @!p2 $0x0  }
0x16: {  	s3 =	sld [smem:$0x3FDB];
	s0 =	simm.s32 @p2 $0x1  }
0x17: {  	s4 =	simm.s32 $0x1BF5;
	[smem:$0x3FB9] =	sst s0  }
0x18: {  	s0 =	sld [smem:$0x3F9C];
	_ =	swait.ge [sflag:s4], $0x0  }
0x19: {  	s7 =	sld [smem:$0x3F9D]  }
0x1a: {  	s8 =	sadd.s32 $0xFFFFE003, lr  }
0x1b: {  	s9 =	sadd.s32 $0xFFFFFEF7, lr;
	s5 =	simm.s32 $0xFFFFFFFF;
	p2 =	slt.u32 s8, $0xFFFFF086  }
0x1c: {  	p1 =	slt.u32 s9, $0xF7A;
	s5 =	simm.s32 @!p2 $0x0  }
0x1d: {  	s5 =	simm.s32 @p1 $0x1;
	p0 =	seq.s32 s7, s2  }
0x1e: {  	s7 =	smul.u32 @!p0 $0xF7A, s2;
	p2 =	seq.s32 @!p0 s5, $0x0  }
0x1f: {  	s9 =	smul.u32 $0xF7A, s1;
	s8 =	simm.s32 @!p0 $0x1BF5;
	p2 =	por !p2, p0  }
0x20: {  	[sflag:s8] =	ssyncset.s32 @!p0 $0xFFFFF086;
	s6 =	sadd.s32 @!p0 s3, s7;
	s7 =	simm.s32 @!p0 $0x108  }
0x21: {  	s3 =	sadd.s32 s3, s9;
	s6 =	sadd.s32 @!p0 $0x88, s6;
	s7 =	simm.s32 @p2 $0x1082  }
0x22: {  	[simem:s7], [sflag:s8] =	dma.local @!p0 [hbm:s6], $0xF7A  }
0x23: {  	s9 =	sor.u32 $0xD0000000, s2;
	s6 =	simm.s32 $0x108;
	_ =	swait.ge @!p0 [sflag:s8], $0x0  }
0x24: {  	s3 =	sadd.s32 $0x88, s3;
	s6 =	simm.s32 @!p1 $0x1082;
	[sflag:s4] =	ssyncset.s32 $0xFFFFF086  }
0x25: {  	[simem:s6], [sflag:s4] =	dma.local [hbm:s3], $0xF7A  }
0x26: {  	[smem:$0x3F9D] =	sst s1;
	(tag) =	ssettag s2;
	_ =	strace s9  }
0x27: {  	s1 =	sld [smem:$0x3FAD]  }
0x28: {  	s2 =	sld [smem:$0x3FAE]  }
0x29: {  	s4 =	sld [smem:$0x3FB0]  }
0x2a: {  	p0 =	seq.s32 s5, $0x0;
	s5 =	sld [smem:$0x3FB1]  }
0x2b: {  	s6 =	sld [smem:$0x3FB2]  }
0x2c: {  	s7 =	sld [smem:$0x3FB3]  }
0x2d: {  	s3 =	simm.s32 $0x108;
	s8 =	sld [smem:$0x3FB4]  }
0x2e: {  	s3 =	simm.s32 @!p0 $0x1082;
	s9 =	sld [smem:$0x3FB5]  }
0x2f: {  	lr =	sadd.s32 s0, s3;
	s0 =	sld [smem:$0x3FAC]  }
0x30: {  	s3 =	sld [smem:$0x3FAF]  }
0x31: {  	[smem:$0x3FB8] =	sst s10  }
0x32: {  	s10 =	sld [smem:$0x3FB6];
	_ =	sdelay $0x3  }
0x33: {  	p0 =	seq.s32 s10, $0x1;
	s10 =	sld [smem:$0x3FB8];
	_ =	sdelay $0x3  }
0x34: {  	[smem:$0x3FB8] =	sst s10  }
0x35: {  	s10 =	sld [smem:$0x3FB7];
	_ =	sdelay $0x3  }
0x36: {  	p1 =	seq.s32 s10, $0x1;
	s10 =	sld [smem:$0x3FB8];
	_ =	sdelay $0x3  }
0x37: {  	[smem:$0x3FB8] =	sst s10  }
0x38: {  	s10 =	sld [smem:$0x3FB9]  }
0x39: {  	_ = 	snop;
	(pc) =	sbr.ind lr, $3  }
0x3a: {  	_ = 	snop  }
0x3b: {  	_ = 	snop  }
0x3c: {  	p2 =	seq.s32 s10, $0x1;
	s10 =	sld [smem:$0x3FB8]  }
0x3d: {  	_ =	shalt  }
0x3e: {  	_ =	shalt  }
0x3f: {  	_ =	shalt  }
0x40: {  	_ =	shalt  }
0x41: {  	_ =	shalt  }
0x42: {  	_ =	shalt  }
0x43: {  	_ =	shalt  }
0x44: {  	_ =	shalt  }
0x45: {  	_ =	shalt  }
0x46: {  	_ =	shalt  }
0x47: {  	_ =	shalt  }
0x48: {  	_ =	shalt  }
0x49: {  	_ =	shalt  }
0x4a: {  	_ =	shalt  }
0x4b: {  	_ =	shalt  }
0x4c: {  	_ =	shalt  }
0x4d: {  	_ =	shalt  }
0x4e: {  	_ =	shalt  }
0x4f: {  	_ =	shalt  }
0x50: {  	_ =	shalt  }
0x51: {  	_ =	shalt  }
0x52: {  	_ =	shalt  }
0x53: {  	_ =	shalt  }
0x54: {  	_ =	shalt  }
0x55: {  	_ =	shalt  }
0x56: {  	_ =	shalt  }
0x57: {  	_ =	shalt  }
0x58: {  	_ =	shalt  }
0x59: {  	_ =	shalt  }
0x5a: {  	_ =	shalt  }
0x5b: {  	_ =	shalt  }
0x5c: {  	_ =	shalt  }
0x5d: {  	_ =	shalt  }
0x5e: {  	_ =	shalt  }
0x5f: {  	_ =	shalt  }
0x60: {  	_ =	shalt  }
0x61: {  	_ =	shalt  }
0x62: {  	_ =	shalt  }
0x63: {  	_ =	shalt  }
0x64: {  	_ =	shalt  }
0x65: {  	_ =	shalt  }
0x66: {  	_ =	shalt  }
0x67: {  	_ =	shalt  }
0x68: {  	_ =	shalt  }
0x69: {  	_ =	shalt  }
0x6a: {  	_ =	shalt  }
0x6b: {  	_ =	shalt  }
0x6c: {  	_ =	shalt  }
0x6d: {  	_ =	shalt  }
0x6e: {  	_ =	shalt  }
0x6f: {  	_ =	shalt  }
0x70: {  	_ =	shalt  }
0x71: {  	_ =	shalt  }
0x72: {  	_ =	shalt  }
0x73: {  	_ =	shalt  }
0x74: {  	_ =	shalt  }
0x75: {  	_ =	shalt  }
0x76: {  	_ =	shalt  }
0x77: {  	_ =	shalt  }
0x78: {  	_ =	shalt  }
0x79: {  	_ =	shalt  }
0x7a: {  	_ =	shalt  }
0x7b: {  	_ =	shalt  }
0x7c: {  	_ =	shalt  }
0x7d: {  	_ =	shalt  }
0x7e: {  	_ =	shalt  }
0x7f: {  	_ =	shalt  }
0x80: {  	_ =	shalt  }
0x81: {  	_ =	shalt  }
0x82: {  	_ =	shalt  }
0x83: {  	_ =	shalt  }
0x84: {  	_ =	shalt  }
0x85: {  	_ =	shalt  }
0x86: {  	_ =	shalt  }
0x87: {  	_ =	shalt  }
.Lfunc_end0:
.L_simem_size_0:
called_computation_lowered:
.L_overlay_start_0:
0x88: {  	s2 =	sld [smem:$0x3FD9]  }
0x89: {  	s3 =	sld [smem:$0x3FFE];
	_ =	sdelay $0x1  }
0x8a: {  	s1 =	srdreg.scid  }
0x8b: {  	s0 =	sand.u32 $0x1, s1  }
0x8c: {  	s14 =	sshll.u32 s0, $0xA;
	s2 =	sadd.s32 s3, s2  }
0x8d: {  	s2 =	sadd.s32 s2, s14  }
0x8e: {  	[smem:$0x3FC4] =	sst s2  }
0x8f: {  	_ = 	snop  }
0x90: {  	s2 =	sld [smem:$0x3FD0];
	_ =	sdelay $0x1  }
0x91: {  	s15 =	sld [smem:$0x3FC9]  }
0x92: {  	s5 =	simm.s32 $0xA;
	s6 =	simm.s32 $0x10;
	s4 =	sld [smem:$0x3FC8]  }
0x93: {  	[smem:s6], [sflag:s5] =	dma.local [hbm:s2], $0x1  }
0x94: {  	_ =	swait.eq [sflag:s5], $0x1  }
0x95: {  	s16 =	sld [smem:$0x10];
	[sflag:s5] =	ssyncset.done $0x0  }
0x96: {  	s17 =	sld [smem:$0x11];
	[sflag:s5] =	ssyncadd.s32 $0xFFFFFFFF  }
0x97: {  	s18 =	sld [smem:$0x12];
	(tm) =	ssettm $0x1  }
0x98: {  	s7 =	sld [smem:$0x3FFB];
	_ =	sdelay $0x3  }
0x99: {  	_ =	strace s7  }
0x9a: {  	s7 =	sld [smem:$0x3FFC];
	_ =	sdelay $0x3  }
0x9b: {  	_ =	strace s7  }
0x9c: {  	s7 =	sld [smem:$0x3FFD];
	_ =	sdelay $0x3  }
0x9d: {  	_ =	strace s7  }
0x9e: {  	_ =	strace $0x8FFFFFFF  }
0x9f: {  	s19 =	sld [smem:$0x3FDB];
	_ =	sdelay $0x1  }
0xa0: {  	s8 =	simm.s32 $_scs_section_size  }
0xa1: {  	s9 =	simm.s32 $_size__tile_overlayer_lowered;
	s10 =	simm.s32 $_tile_overlayer_lowered  }
0xa2: {  	s22 =	simm.s32 $0x1BFF;
	s21 =	sshll.u32 s10, $0x1;
	s7 =	sadd.s32 s8, s19  }
0xa3: {  	s11 =	simm.s32 $0x0;
	s20 =	sshll.u32 s9, $0x1;
	s9 =	sadd.s32 s21, s7  }
0xa4: {  	[timem:s11], [sflag:s22] =	dma.local [hbm:s9], s20  }
0xa5: {  	_ =	swait.ge [sflag:s22], s20  }
0xa6: {  	s8 =	ssub.s32 $0x0, s20;
	[sflag:s22] =	ssyncset.done $0x0  }
0xa7: {  	[sflag:s22] =	ssyncadd.s32 s8;
	_ =	sdelay $0x1  }
0xa8: {  	s23 =	simm.s32 $0x1B8B  }
0xa9: {  	_ =	swait.ge [sflag:s23], $0x1  }
0xaa: {  	[sflag:s23] =	ssyncset.done $0x0  }
0xab: {  	s25 =	simm.s32 $0x1B8E;
	s24 =	sld [smem:$0x3FFE];
	[sflag:s23] =	ssyncadd.s32 $0xFFFFFFFF  }
0xac: {  	s26 =	simm.s32 $execute0_lowered;
	[smem:$0x3FD2] =	sst s25  }
0xad: {  	s9 =	sshll.u32 s26, $0x1;
	_ =	strace $0x80000046;
	[dreg:$0x1] =	wrdreg $0xFFFFFFFF  }
0xae: {  	s28 =	simm.s32 $_size_execute0_lowered;
	s7 =	sadd.s32 s7, s9;
	[dreg:$0x0] =	wrdreg $0x0  }
0xaf: {  	s9 =	sshll.u32 s28, $0x1;
	[dreg:$0x2] =	wrdreg s7  }
0xb0: {  	[dreg:$0x3] =	wrdreg s9  }
0xb1: {  	[dreg:$0x4] =	wrdreg $0xC0  }
0xb2: {  	_ =	task [dreg:s11], $0x5FFFF  }
0xb3: {  	[dreg:$0x1] =	wrdreg $0xFFFFFFFF  }
0xb4: {  	[dreg:$0x0] =	wrdreg $0x60  }
0xb5: {  	[dreg:$0x2] =	wrdreg s15  }
0xb6: {  	[dreg:$0x3] =	wrdreg s4  }
0xb7: {  	[dreg:$0x4] =	wrdreg s24  }
0xb8: {  	[dreg:$0x5] =	wrdreg s16  }
0xb9: {  	[dreg:$0x6] =	wrdreg s17  }
0xba: {  	[dreg:$0x7] =	wrdreg s18  }
0xbb: {  	[dreg:$0x8] =	wrdreg $0x9  }
0xbc: {  	_ =	task.clear_ibuf [dreg:s11], $0x9FFFF;
	_ =	strace $0x90000046  }
0xbd: {  	s29 =	simm.s32 $0x9;
	_ =	strace $0x80000048  }
0xbe: {  	_ =	swait.ge [sflag:s29], $0x1  }
0xbf: {  	[sflag:s29] =	ssyncadd.s32 $0xFFFFFFFF  }
0xc0: {  	_ =	strace $0x90000048  }
0xc1: {  	_ =	sfence  }
0xc2: {  	s30 =	sld [smem:$0x0];
	_ =	sdelay $0x2  }
0xc3: {  	s31 =	sshll.u32 s1, $0xD;
	s1 =	sshrl.u32 s1, $0x2  }
0xc4: {  	s3 =	sand.u32 $0x4000, s31;
	s1 =	sadd.s32 s1, s30  }
0xc5: {  	s0 =	sor.u32 s3, s0;
	s1 =	sshll.u32 s1, $0x11  }
0xc6: {  	s0 =	sor.u32 s1, s0  }
0xc7: {  	s0 =	sadd.s32 $0x8F2B, s0  }
0xc8: {  	[sflag:s0] =	ssyncadd.remote.s32 $0x1  }
0xc9: {  	_ =	sfence.sel $0xFFFF  }
0xca: {  	[dreg:$0x0] =	wrdreg $0xFFFFFFFF;
	(pc) =	sbr.abs _section_cstart, $3  }
0xcb: {  	[dreg:$0x1] =	wrdreg $0xFFFFFFFF  }
0xcc: {  	_ =	task.clear_ibuf [dreg:s11], $0x2FFFF;
	_ =	strace $0x9FFFFFFF  }
0xcd: {  	(tm) =	ssettm $0x7FFFFFFF  }
tec
execute0_lowered:
.L_overlay_start_1:
0x0: {  	(tag) =	ssettag $0x1  }
0x1: {  	s0 =	rddreg [dreg:$0x0]  }
0x2: {  	s1 =	rddreg [dreg:$0x1]  }
0x3: {  	s4 =	rddreg [dreg:$0x2]  }
0x4: {  	s5 =	rddreg [dreg:$0x3]  }
0x5: {  	s6 =	rddreg [dreg:$0x4]  }
0x6: {  	s7 =	rddreg [dreg:$0x5]  }
0x7: {  	s3 =	srdreg.scid;
	s2 =	simm.s32 $0x0;
	s8 =	stileid.u32  }
0x8: {  	s31 =	simm.s32 $0xC800;
	s28 =	simm.s32 $0x0;
	s3 =	sand.u32 $0x1, s3  }
0x9: {  	[smem:$0x7FF] =	sst s2;
	s8 =	sshll.u32 s8, $0xA;
	s9 =	sshll.u32 s3, $0x9  }
0xa: {  	_ =	strace $0x80000047;
	s10 =	ssub.s32 $0x2, s3;
	s3 =	sadd.s32 $0x400A00, s4  }
0xb: {  	s4 =	sadd.s32 $0xA00, s4;
	s8 =	sor.u32 s9, s8;
	s17 =	sshrl.u32 s10, $0x1  }
0xc: {  	s21 =	sshrl.u32 s8, $0x3;
	s22 =	ssub.s32 s10, s17;
	s13 =	sadd.s32 s5, s8  }
0xd: {  	s26 =	sor.u32 $0x4000, s8;
	s14 =	sadd.s32 s6, s8;
	s29 =	sor.u32 $0x8000, s8  }
0xe: {  	s30 =	sor.u32 $0xC000, s8;
	s18 =	sor.u32 $0x10, s21;
	s19 =	sadd.s32 s0, s21  }
0xf: {  	s20 =	sadd.s32 s1, s21;
	s24 =	sor.u32 $0x20, s21;
	s12 =	sor.u32 $0x30, s21  }
0x10: {  	s15 =	sadd.s32 s5, s26;
	s16 =	sadd.s32 s6, s26;
	s17 =	sadd.s32 s5, s29  }
0x11: {  	s21 =	sadd.s32 s7, s21;
	s22 =	smax.u32 s22, $0x1;
	[dreg:$0x7] =	wrdreg s19  }
0x12: {  	[dreg:$0x8] =	wrdreg s20;
	s23 =	sadd.s32 s0, s18;
	s9 =	sadd.s32 s1, s18  }
0x13: {  	s25 =	sadd.s32 s0, s24;
	s10 =	sadd.s32 s1, s24;
	s11 =	sadd.s32 s0, s12  }
0x14: {  	s12 =	sadd.s32 s1, s12;
	s18 =	sadd.s32 s6, s29;
	[dreg:$0x9] =	wrdreg s23  }
0x15: {  	s19 =	sadd.s32 s5, s30;
	s20 =	sadd.s32 s6, s30;
	[dreg:$0xa] =	wrdreg s9  }
0x16: {  	v0 =	vlaneseq.u32;
	s1 =	simm.s32 $0x800;
	s0 =	simm.s32 $0x1;
	[dreg:$0xb] =	wrdreg s25  }
0x17: {  	v0 =	vmul.u32 $0x80, v0;
	s23 =	simm.s32 $0x2;
	s25 =	simm.s32 $0x80;
	s9 =	simm.s32 $0x4800  }
.LBB2_1:
0x18: {  	s5 =	rddreg [dreg:$0x7]  }
0x19: {  	[tilespmem:s2], [sflag:$0x2] =	stream.linear.gather [hbm4b:s5+s2], $0x80, $0x38;
	[tilespmem:$0x18A00] =	vst v63  }
0x1a: {  	_ =	swait.ge [sflag:s23], $0x80  }
0x1b: {  	[sflag:s23] =	ssyncset.done $0x0  }
0x1c: {  	s6 =	simm.s32 $0x200;
	s29 =	rddreg [dreg:$0x8];
	[sflag:s23] =	ssyncadd.s32 $0xFFFFFF80  }
0x1d: {  	[tilespmem:s6], [sflag:$0x2] =	stream.linear.gather [hbm4b:s29+s2], $0x80, $0x38;
	[tilespmem:$0x18A00] =	vst v63  }
0x1e: {  	_ =	swait.ge [sflag:s23], $0x80  }
0x1f: {  	[sflag:s23] =	ssyncset.done $0x0  }
0x20: {  	s30 =	rddreg [dreg:$0x9];
	[sflag:s23] =	ssyncadd.s32 $0xFFFFFF80  }
0x21: {  	[tilespmem:s25], [sflag:$0x2] =	stream.linear.gather [hbm4b:s30+s2], $0x80, $0x38;
	[tilespmem:$0x18A00] =	vst v63  }
0x22: {  	_ =	swait.ge [sflag:s23], $0x80  }
0x23: {  	[sflag:s23] =	ssyncset.done $0x0  }
0x24: {  	s7 =	simm.s32 $0x280;
	s6 =	rddreg [dreg:$0xa];
	[sflag:s23] =	ssyncadd.s32 $0xFFFFFF80  }
0x25: {  	[tilespmem:s7], [sflag:$0x2] =	stream.linear.gather [hbm4b:s6+s2], $0x80, $0x38;
	[tilespmem:$0x18A00] =	vst v63  }
0x26: {  	_ =	swait.ge [sflag:s23], $0x80  }
0x27: {  	[sflag:s23] =	ssyncset.done $0x0  }
0x28: {  	s24 =	simm.s32 $0x100;
	s8 =	rddreg [dreg:$0xb];
	[sflag:s23] =	ssyncadd.s32 $0xFFFFFF80  }
0x29: {  	[tilespmem:s24], [sflag:$0x2] =	stream.linear.gather [hbm4b:s8+s2], $0x80, $0x38;
	[tilespmem:$0x18A00] =	vst v63  }
0x2a: {  	_ =	swait.ge [sflag:s23], $0x80  }
0x2b: {  	[sflag:s23] =	ssyncset.done $0x0  }
0x2c: {  	s26 =	simm.s32 $0x300;
	[sflag:s23] =	ssyncadd.s32 $0xFFFFFF80  }
0x2d: {  	[tilespmem:s26], [sflag:$0x2] =	stream.linear.gather [hbm4b:s10+s2], $0x80, $0x38;
	[tilespmem:$0x18A00] =	vst v63  }
0x2e: {  	_ =	swait.ge [sflag:s23], $0x80  }
0x2f: {  	[sflag:s23] =	ssyncset.done $0x0  }
0x30: {  	s29 =	simm.s32 $0x180;
	[sflag:s23] =	ssyncadd.s32 $0xFFFFFF80  }
0x31: {  	[tilespmem:s29], [sflag:$0x2] =	stream.linear.gather [hbm4b:s11+s2], $0x80, $0x38;
	[tilespmem:$0x18A00] =	vst v63  }
0x32: {  	_ =	swait.ge [sflag:s23], $0x80  }
0x33: {  	[sflag:s23] =	ssyncset.done $0x0  }
0x34: {  	s30 =	simm.s32 $0x380;
	[sflag:s23] =	ssyncadd.s32 $0xFFFFFF80  }
0x35: {  	[tilespmem:s30], [sflag:$0x2] =	stream.linear.gather [hbm4b:s12+s2], $0x80, $0x38;
	[tilespmem:$0x18A00] =	vst v63  }
0x36: {  	_ =	swait.ge [sflag:s23], $0x80  }
0x37: {  	[sflag:s23] =	ssyncset.done $0x0  }
0x38: {  	s5 =	simm.s32 $0x0;
	[sflag:s23] =	ssyncadd.s32 $0xFFFFFF80  }
0x39: {  	v1 =	vld [tilespmem:s5+$0x270]  }
0x3a: {  	v2 =	vld [tilespmem:s5+$0x0]  }
0x3b: {  	v3 =	vld [tilespmem:s5+$0x200]  }
0x3c: {  	v4 =	vld [tilespmem:s5+$0x10]  }
0x3d: {  	v5 =	vld [tilespmem:s5+$0x210]  }
0x3e: {  	v6 =	vld [tilespmem:s5+$0x20]  }
0x3f: {  	v8 =	vld [tilespmem:s5+$0x220]  }
0x40: {  	v10 =	vld [tilespmem:s5+$0x30]  }
0x41: {  	v11 =	vld [tilespmem:s5+$0x230];
	vm0 =	vgt.s32 v1, $0xF3FFF;
	v7 =	vadd.s32 $0xFFF40DC0, v1;
	v1 =	vand.u32 $0x3FFFF, v1  }
0x42: {  	v14 =	vld [tilespmem:s5+$0x40];
	vm13 =	vgt.s32 v2, $0xF3FFF;
	v26 =	vadd.s32 $0xFFF40DC0, v2;
	v27 =	vand.u32 $0x3FFFF, v2  }
0x43: {  	v16 =	vld [tilespmem:s5+$0x240];
	vm14 =	vgt.s32 v3, $0xF3FFF;
	v29 =	vadd.s32 $0xFFF40DC0, v3;
	v30 =	vand.u32 $0x3FFFF, v3  }
0x44: {  	v18 =	vld [tilespmem:s5+$0x50];
	v2 =	vand.u32 $0x3FFFF, v4;
	vm1 =	vgt.s32 v5, $0xF3FFF;
	v3 =	vadd.s32 $0xFFF40DC0, v5  }
0x45: {  	v20 =	vld [tilespmem:s5+$0x250];
	vm2 =	vgt.s32 v6, $0xF3FFF;
	vm3 =	vgt.s32 v8, $0xF3FFF;
	vm4 =	vgt.s32 v10, $0xF3FFF  }
0x46: {  	v22 =	vld [tilespmem:s5+$0x60];
	v9 =	vadd.s32 $0xFFF40DC0, v10;
	v12 =	vand.u32 $0x3FFFF, v10;
	vm5 =	vgt.s32 v11, $0xF3FFF  }
0x47: {  	v24 =	vld [tilespmem:s5+$0x260];
	v10 =	vadd.s32 $0xFFF40DC0, v11;
	v13 =	vand.u32 $0x3FFFF, v11;
	vm6 =	vgt.s32 v14, $0xF3FFF  }
0x48: {  	v31 =	vld [tilespmem:s5+$0x70];
	v11 =	vadd.s32 $0xFFF40DC0, v14;
	v14 =	vand.u32 $0x3FFFF, v14;
	vm7 =	vgt.s32 v16, $0xF3FFF  }
0x49: {  	v15 =	vadd.s32 $0xFFF40DC0, v16;
	v16 =	vand.u32 $0x3FFFF, v16;
	vm8 =	vgt.s32 v18, $0xF3FFF  }
0x4a: {  	v17 =	vadd.s32 $0xFFF40DC0, v18;
	v19 =	vand.u32 $0x3FFFF, v18;
	vm9 =	vgt.s32 v20, $0xF3FFF  }
0x4b: {  	v18 =	vadd.s32 $0xFFF40DC0, v20;
	v20 =	vand.u32 $0x3FFFF, v20;
	vm10 =	vgt.s32 v22, $0xF3FFF  }
0x4c: {  	v21 =	vadd.s32 $0xFFF40DC0, v22;
	v22 =	vand.u32 $0x3FFFF, v22;
	vm11 =	vgt.s32 v24, $0xF3FFF  }
0x4d: {  	v23 =	vadd.s32 $0xFFF40DC0, v24;
	v25 =	vand.u32 $0x3FFFF, v24;
	vm12 =	vgt.s32 v31, $0xF3FFF  }
0x4e: {  	v24 =	vadd.s32 $0xFFF40DC0, v31;
	v1 =	vsel vm0, v7, v1;
	vm0 =	vgt.s32 v4, $0xF3FFF  }
0x4f: {  	v7 =	vand.u32 $0x3FFFF, v6;
	v28 =	vsel vm13, v26, v27;
	v27 =	vsel vm14, v29, v30  }
0x50: {  	v26 =	vand.u32 $0x3FFFF, v31;
	[tilespmem:s5+$0x670] =	vst v1;
	v1 =	vadd.s32 $0xFFF40DC0, v4;
	v4 =	vand.u32 $0x3FFFF, v5  }
0x51: {  	s6 =	simm.s32 $0x80;
	s7 =	simm.s32 $0x400;
	v5 =	vadd.s32 $0xFFF40DC0, v6;
	v6 =	vadd.s32 $0xFFF40DC0, v8;
	v8 =	vand.u32 $0x3FFFF, v8  }
.LBB2_2:
0x52: {  	p0 =	sne.s32 s7, $0x600;
	v29 =	vld [tilespmem:s6+$0x270];
	[tilespmem:s5+$0x400] =	vst v28;
	v1 =	vsel vm0, v1, v2;
	v2 =	vsel vm1, v3, v4;
	v3 =	vsel vm2, v5, v7  }
0x53: {  	v5 =	vsel vm3, v6, v8;
	v6 =	vsel vm4, v9, v12;
	v7 =	vsel vm5, v10, v13;
	v4 =	vld [tilespmem:s6+$0x0];
	[tilespmem:s5+$0x600] =	vst v27  }
0x54: {  	v9 =	vsel vm6, v11, v14;
	v10 =	vsel vm7, v15, v16;
	v11 =	vsel vm8, v17, v19;
	v8 =	vld [tilespmem:s6+$0x200];
	[tilespmem:s5+$0x410] =	vst v1  }
0x55: {  	v13 =	vsel vm9, v18, v20;
	v14 =	vsel vm10, v21, v22;
	v15 =	vsel vm11, v23, v25;
	v12 =	vld [tilespmem:s6+$0x10];
	[tilespmem:s5+$0x610] =	vst v2  }
0x56: {  	v17 =	vsel vm12, v24, v26;
	v16 =	vld [tilespmem:s6+$0x210];
	[tilespmem:s5+$0x420] =	vst v3  }
0x57: {  	v18 =	vld [tilespmem:s6+$0x20];
	vm0 =	vgt.s32 v29, $0xF3FFF;
	v1 =	vadd.s32 $0xFFF40DC0, v29;
	v2 =	vand.u32 $0x3FFFF, v29;
	[tilespmem:s5+$0x620] =	vst v5  }
0x58: {  	vm13 =	vgt.s32 v4, $0xF3FFF;
	v26 =	vadd.s32 $0xFFF40DC0, v4;
	v19 =	vld [tilespmem:s6+$0x220];
	v1 =	vsel vm0, v1, v2;
	[tilespmem:s5+$0x430] =	vst v6  }
0x59: {  	v27 =	vand.u32 $0x3FFFF, v4;
	vm14 =	vgt.s32 v8, $0xF3FFF;
	v29 =	vadd.s32 $0xFFF40DC0, v8;
	v20 =	vld [tilespmem:s6+$0x30];
	[tilespmem:s6+$0x670] =	vst v1  }
0x5a: {  	v30 =	vand.u32 $0x3FFFF, v8;
	vm0 =	vgt.s32 v12, $0xF3FFF;
	v1 =	vadd.s32 $0xFFF40DC0, v12;
	v21 =	vld [tilespmem:s6+$0x230];
	[tilespmem:s5+$0x630] =	vst v7  }
0x5b: {  	v2 =	vand.u32 $0x3FFFF, v12;
	vm1 =	vgt.s32 v16, $0xF3FFF;
	v3 =	vadd.s32 $0xFFF40DC0, v16;
	v22 =	vld [tilespmem:s6+$0x40];
	[tilespmem:s5+$0x440] =	vst v9  }
0x5c: {  	v4 =	vand.u32 $0x3FFFF, v16;
	vm2 =	vgt.s32 v18, $0xF3FFF;
	v5 =	vadd.s32 $0xFFF40DC0, v18;
	v16 =	vld [tilespmem:s6+$0x240];
	[tilespmem:s5+$0x640] =	vst v10  }
0x5d: {  	v7 =	vand.u32 $0x3FFFF, v18;
	vm3 =	vgt.s32 v19, $0xF3FFF;
	v6 =	vadd.s32 $0xFFF40DC0, v19;
	v18 =	vld [tilespmem:s6+$0x50];
	[tilespmem:s5+$0x450] =	vst v11  }
0x5e: {  	v8 =	vand.u32 $0x3FFFF, v19;
	vm4 =	vgt.s32 v20, $0xF3FFF;
	v9 =	vadd.s32 $0xFFF40DC0, v20;
	v23 =	vld [tilespmem:s6+$0x250];
	[tilespmem:s5+$0x650] =	vst v13  }
0x5f: {  	v12 =	vand.u32 $0x3FFFF, v20;
	vm5 =	vgt.s32 v21, $0xF3FFF;
	v10 =	vadd.s32 $0xFFF40DC0, v21;
	v24 =	vld [tilespmem:s6+$0x60];
	[tilespmem:s5+$0x460] =	vst v14  }
0x60: {  	v13 =	vand.u32 $0x3FFFF, v21;
	vm6 =	vgt.s32 v22, $0xF3FFF;
	v11 =	vadd.s32 $0xFFF40DC0, v22;
	v25 =	vld [tilespmem:s6+$0x260];
	[tilespmem:s5+$0x660] =	vst v15  }
0x61: {  	v14 =	vand.u32 $0x3FFFF, v22;
	vm7 =	vgt.s32 v16, $0xF3FFF;
	v15 =	vadd.s32 $0xFFF40DC0, v16;
	v31 =	vld [tilespmem:s6+$0x70];
	[tilespmem:s5+$0x470] =	vst v17;
	s5 =	smov.u32 s6  }
0x62: {  	v16 =	vand.u32 $0x3FFFF, v16;
	vm8 =	vgt.s32 v18, $0xF3FFF;
	v17 =	vadd.s32 $0xFFF40DC0, v18  }
.Ltmp0:
0x63: {  	v19 =	vand.u32 $0x3FFFF, v18;
	vm9 =	vgt.s32 v23, $0xF3FFF;
	v18 =	vadd.s32 $0xFFF40DC0, v23;
	(pc) =	sbr.rel @p0 .LBB2_2-.Ltmp0, $4  }
0x64: {  	v20 =	vand.u32 $0x3FFFF, v23;
	vm10 =	vgt.s32 v24, $0xF3FFF;
	v21 =	vadd.s32 $0xFFF40DC0, v24  }
0x65: {  	v22 =	vand.u32 $0x3FFFF, v24;
	vm11 =	vgt.s32 v25, $0xF3FFF;
	v23 =	vadd.s32 $0xFFF40DC0, v25  }
0x66: {  	v25 =	vand.u32 $0x3FFFF, v25;
	vm12 =	vgt.s32 v31, $0xF3FFF;
	v24 =	vadd.s32 $0xFFF40DC0, v31  }
0x67: {  	v28 =	vsel vm13, v26, v27;
	v27 =	vsel vm14, v29, v30;
	s6 =	sshra.s32 s7, $0x2;
	s7 =	sadd.s32 $0x200, s7;
	v26 =	vand.u32 $0x3FFFF, v31  }
0x68: {  	v29 =	vld [tilespmem:s6+$0x270];
	[tilespmem:s5+$0x400] =	vst v28  }
0x69: {  	v1 =	vsel vm0, v1, v2;
	v28 =	vld [tilespmem:s6+$0x0];
	[tilespmem:s5+$0x600] =	vst v27  }
0x6a: {  	v2 =	vld [tilespmem:s6+$0x200];
	[tilespmem:s5+$0x410] =	vst v1;
	v1 =	vsel vm1, v3, v4  }
0x6b: {  	v3 =	vld [tilespmem:s6+$0x10];
	[tilespmem:s5+$0x610] =	vst v1;
	v1 =	vsel vm2, v5, v7  }
0x6c: {  	v32 =	vld [tilespmem:s6+$0x210];
	[tilespmem:s5+$0x420] =	vst v1;
	v1 =	vsel vm3, v6, v8  }
0x6d: {  	v33 =	vld [tilespmem:s6+$0x20];
	[tilespmem:s5+$0x620] =	vst v1;
	v1 =	vsel vm4, v9, v12  }
0x6e: {  	vm4 =	vgt.s32 v29, $0xF3FFF;
	v35 =	vadd.s32 $0xFFF40DC0, v29;
	v36 =	vand.u32 $0x3FFFF, v29  }
0x6f: {  	v42 =	vsel vm10, v21, v22;
	v34 =	vld [tilespmem:s6+$0x220];
	[tilespmem:s5+$0x430] =	vst v1;
	v1 =	vsel vm4, v35, v36  }
0x70: {  	v43 =	vsel vm11, v23, v25;
	v45 =	vsel vm12, v24, v26;
	v37 =	vld [tilespmem:s6+$0x30];
	[tilespmem:s6+$0x670] =	vst v1;
	v1 =	vsel vm5, v10, v13  }
0x71: {  	v46 =	vadd.s32 $0xFFF40DC0, v28;
	v38 =	vld [tilespmem:s6+$0x230];
	vm10 =	vgt.s32 v2, $0xF3FFF;
	[tilespmem:s5+$0x630] =	vst v1;
	v1 =	vsel vm6, v11, v14  }
0x72: {  	v47 =	vadd.s32 $0xFFF40DC0, v2;
	v2 =	vand.u32 $0x3FFFF, v2;
	v39 =	vld [tilespmem:s6+$0x40];
	[tilespmem:s5+$0x440] =	vst v1;
	v1 =	vsel vm7, v15, v16  }
0x73: {  	vm11 =	vgt.s32 v3, $0xF3FFF;
	v49 =	vadd.s32 $0xFFF40DC0, v3;
	v40 =	vld [tilespmem:s6+$0x240];
	[tilespmem:s5+$0x640] =	vst v1;
	v1 =	vsel vm8, v17, v19  }
0x74: {  	v3 =	vand.u32 $0x3FFFF, v3;
	v2 =	vsel vm10, v47, v2;
	v41 =	vld [tilespmem:s6+$0x50];
	[tilespmem:s5+$0x450] =	vst v1;
	v1 =	vsel vm9, v18, v20  }
0x75: {  	vm12 =	vgt.s32 v32, $0xF3FFF;
	v50 =	vadd.s32 $0xFFF40DC0, v32;
	v4 =	vand.u32 $0x3FFFF, v32;
	v44 =	vld [tilespmem:s6+$0x250];
	[tilespmem:s5+$0x650] =	vst v1  }
0x76: {  	v3 =	vsel vm11, v49, v3;
	vm13 =	vgt.s32 v33, $0xF3FFF;
	v52 =	vadd.s32 $0xFFF40DC0, v33;
	v48 =	vld [tilespmem:s6+$0x60];
	[tilespmem:s5+$0x460] =	vst v42  }
0x77: {  	v5 =	vand.u32 $0x3FFFF, v33;
	vm9 =	vgt.s32 v28, $0xF3FFF;
	v1 =	vand.u32 $0x3FFFF, v28;
	v51 =	vld [tilespmem:s6+$0x260];
	[tilespmem:s5+$0x660] =	vst v43  }
0x78: {  	v4 =	vsel vm12, v50, v4;
	vm14 =	vgt.s32 v34, $0xF3FFF;
	v1 =	vsel vm9, v46, v1;
	v54 =	vld [tilespmem:s6+$0x70];
	[tilespmem:s5+$0x470] =	vst v45  }
0x79: {  	v53 =	vadd.s32 $0xFFF40DC0, v34;
	v6 =	vand.u32 $0x3FFFF, v34;
	v5 =	vsel vm13, v52, v5;
	[tilespmem:s6+$0x400] =	vst v1  }
0x7a: {  	vm15 =	vgt.s32 v37, $0xF3FFF;
	v55 =	vadd.s32 $0xFFF40DC0, v37;
	v7 =	vand.u32 $0x3FFFF, v37;
	[tilespmem:s6+$0x600] =	vst v2  }
0x7b: {  	vm8 =	vgt.s32 v38, $0xF3FFF;
	v6 =	vsel vm14, v53, v6;
	v7 =	vsel vm15, v55, v7;
	[tilespmem:s6+$0x410] =	vst v3  }
0x7c: {  	vm9 =	vgt.s32 v39, $0xF3FFF;
	v56 =	vand.u32 $0x3FFFF, v39;
	vm10 =	vgt.s32 v40, $0xF3FFF;
	[tilespmem:s6+$0x610] =	vst v4  }
0x7d: {  	v57 =	vadd.s32 $0xFFF40DC0, v40;
	v58 =	vand.u32 $0x3FFFF, v40;
	v1 =	vadd.s32 $0xFFF40DC0, v38;
	[tilespmem:s6+$0x420] =	vst v5  }
0x7e: {  	v2 =	vand.u32 $0x3FFFF, v38;
	v3 =	vadd.s32 $0xFFF40DC0, v39;
	vm11 =	vgt.s32 v41, $0xF3FFF;
	[tilespmem:s6+$0x620] =	vst v6  }
0x7f: {  	v59 =	vadd.s32 $0xFFF40DC0, v41;
	v60 =	vand.u32 $0x3FFFF, v41;
	[tilespmem:s6+$0x430] =	vst v7;
	v4 =	vsel vm10, v57, v58  }
0x80: {  	v1 =	vsel vm8, v1, v2;
	vm12 =	vgt.s32 v44, $0xF3FFF;
	v2 =	vadd.s32 $0xFFF40DC0, v44;
	[tilespmem:s6+$0x640] =	vst v4  }
0x81: {  	v3 =	vsel vm9, v3, v56;
	v6 =	vsel vm11, v59, v60;
	[tilespmem:s6+$0x630] =	vst v1;
	v1 =	vand.u32 $0x3FFFF, v44  }
0x82: {  	vm13 =	vgt.s32 v48, $0xF3FFF;
	[tilespmem:s6+$0x440] =	vst v3;
	v3 =	vadd.s32 $0xFFF40DC0, v48;
	v61 =	vand.u32 $0x3FFFF, v48  }
0x83: {  	[tilespmem:s6+$0x450] =	vst v6;
	vm14 =	vgt.s32 v51, $0xF3FFF;
	v62 =	vadd.s32 $0xFFF40DC0, v51;
	v1 =	vsel vm12, v2, v1  }
0x84: {  	v2 =	vand.u32 $0x3FFFF, v51;
	v3 =	vsel vm13, v3, v61;
	vm15 =	vgt.s32 v54, $0xF3FFF;
	[tilespmem:s6+$0x650] =	vst v1  }
0x85: {  	v1 =	vadd.s32 $0xFFF40DC0, v54;
	v63 =	vand.u32 $0x3FFFF, v54;
	v2 =	vsel vm14, v62, v2;
	[tilespmem:s6+$0x460] =	vst v3  }
0x86: {  	v1 =	vsel vm15, v1, v63;
	[tilespmem:s6+$0x660] =	vst v2  }
0x87: {  	s8 =	simm.s32 $0x400;
	[tilespmem:s6+$0x470] =	vst v1  }
0x88: {  	[tilespmem:s1], [sflag:$0x1] =	stream.indirect.gather [hbm4b:s3+s25], $0x80, s8, s25, $0xb8;
	[tilespmem:$0x18A00] =	vst v63  }
0x89: {  	s24 =	simm.s32 $0x480  }
0x8a: {  	[tilespmem:s9], [sflag:$0x1] =	stream.indirect.gather [hbm4b:s3+s25], $0x80, s24, s25, $0xb8;
	[tilespmem:$0x18A00] =	vst v63  }
0x8b: {  	s26 =	simm.s32 $0x500;
	s30 =	simm.s32 $0x8800  }
0x8c: {  	[tilespmem:s30], [sflag:$0x1] =	stream.indirect.gather [hbm4b:s3+s25], $0x80, s26, s25, $0xb8;
	[tilespmem:$0x18A00] =	vst v63  }
0x8d: {  	s7 =	simm.s32 $0x580  }
0x8e: {  	[tilespmem:s31], [sflag:$0x1] =	stream.indirect.gather [hbm4b:s3+s25], $0x80, s7, s25, $0xb8;
	[tilespmem:$0x18A00] =	vst v63  }
0x8f: {  	_ =	swait.ge [sflag:s0], $0x4000  }
0x90: {  	[sflag:s0] =	ssyncset.done $0x0  }
0x91: {  	[sflag:s0] =	ssyncadd.s32 $0xFFFFC000  }
0x92: {  	_ =	swait.ge [sflag:s0], $0x4000  }
0x93: {  	[sflag:s0] =	ssyncset.done $0x0  }
0x94: {  	[sflag:s0] =	ssyncadd.s32 $0xFFFFC000  }
0x95: {  	_ =	swait.ge [sflag:s0], $0x4000  }
0x96: {  	[sflag:s0] =	ssyncset.done $0x0  }
0x97: {  	s5 =	simm.s32 $0x0;
	[sflag:s0] =	ssyncadd.s32 $0xFFFFC000  }
0x98: {  	s8 =	sand.u32 $0x600, s5;
	_ =	swait.ge [sflag:s0], $0x4000  }
0x99: {  	s6 =	sshrl.u32 s8, $0x2;
	s7 =	sand.u32 $0x70, s5;
	[sflag:s0] =	ssyncset.done $0x0  }
0x9a: {  	s6 =	sor.u32 s7, s6;
	[sflag:s0] =	ssyncadd.s32 $0xFFFFC000  }
0x9b: {  	v1 =	vld [tilespmem:s6+$0x0];
	_ =	sdelay $0x3  }
0x9c: {  	v2 =	vmov s5  }
0x9d: {  	v2 =	vshll.u32 v2, $0x7;
	v1 =	vshrl.u32 v1, $0xD  }
0x9e: {  	v2 =	vor.u32 v0, v2;
	v3 =	vand.u32 $0x7FF80, v1  }
0x9f: {  	v1 =	vand.u32 $0x60, v1;
	v2 =	vadd.s32 v2, v3  }
0xa0: {  	v1 =	vor.u32 v1, v2;
	_ =	sdelay $0x4  }
0xa1: {  	v2 =	vld.idx.msk [tilespmem:v1+s1+$0x0], $0xffff  }
0xa2: {  	v3 =	vor.u32 $0x1, v1;
	_ =	sdelay $0x1  }
0xa3: {  	s24 =	sand.u32 $0xC00, s5  }
0xa4: {  	s6 =	sor.u32 s7, s24  }
0xa5: {  	[tilespmem:s6+$0x10800] =	vst v2  }
0xa6: {  	v2 =	vld.idx.msk [tilespmem:v3+s1+$0x0], $0xffff  }
0xa7: {  	v3 =	vor.u32 $0x2, v1;
	_ =	sdelay $0x2  }
0xa8: {  	s7 =	sadd.s32 $0x10800, s6  }
0xa9: {  	[tilespmem:s7+$0x80] =	vst v2  }
0xaa: {  	v2 =	vld.idx.msk [tilespmem:v3+s1+$0x0], $0xffff  }
0xab: {  	v3 =	vor.u32 $0x3, v1;
	_ =	sdelay $0x3  }
0xac: {  	[tilespmem:s7+$0x100] =	vst v2  }
0xad: {  	v2 =	vld.idx.msk [tilespmem:v3+s1+$0x0], $0xffff  }
0xae: {  	v3 =	vor.u32 $0x4, v1;
	_ =	sdelay $0x3  }
0xaf: {  	[tilespmem:s7+$0x180] =	vst v2  }
0xb0: {  	v2 =	vld.idx.msk [tilespmem:v3+s1+$0x0], $0xffff  }
0xb1: {  	v3 =	vor.u32 $0x5, v1;
	_ =	sdelay $0x3  }
0xb2: {  	[tilespmem:s7+$0x200] =	vst v2  }
0xb3: {  	v2 =	vld.idx.msk [tilespmem:v3+s1+$0x0], $0xffff  }
0xb4: {  	v3 =	vor.u32 $0x6, v1;
	_ =	sdelay $0x3  }
0xb5: {  	[tilespmem:s7+$0x280] =	vst v2  }
0xb6: {  	v2 =	vld.idx.msk [tilespmem:v3+s1+$0x0], $0xffff  }
0xb7: {  	v3 =	vor.u32 $0x7, v1;
	_ =	sdelay $0x3  }
0xb8: {  	[tilespmem:s7+$0x300] =	vst v2  }
0xb9: {  	v2 =	vld.idx.msk [tilespmem:v3+s1+$0x0], $0xffff  }
0xba: {  	v3 =	vor.u32 $0x8, v1;
	_ =	sdelay $0x1  }
0xbb: {  	s26 =	sor.u32 s5, s5  }
0xbc: {  	s7 =	sor.u32 $0x380, s26  }
0xbd: {  	[tilespmem:s7+$0x10800] =	vst v2  }
0xbe: {  	v2 =	vld.idx.msk [tilespmem:v3+s1+$0x0], $0xffff  }
0xbf: {  	v3 =	vor.u32 $0x9, v1;
	_ =	sdelay $0x3  }
0xc0: {  	[tilespmem:s6+$0x11800] =	vst v2  }
0xc1: {  	v2 =	vld.idx.msk [tilespmem:v3+s1+$0x0], $0xffff  }
0xc2: {  	v3 =	vor.u32 $0xA, v1;
	_ =	sdelay $0x3  }
0xc3: {  	[tilespmem:s6+$0x11880] =	vst v2  }
0xc4: {  	v2 =	vld.idx.msk [tilespmem:v3+s1+$0x0], $0xffff  }
0xc5: {  	v3 =	vor.u32 $0xB, v1;
	_ =	sdelay $0x3  }
0xc6: {  	[tilespmem:s6+$0x11900] =	vst v2  }
0xc7: {  	v2 =	vld.idx.msk [tilespmem:v3+s1+$0x0], $0xffff  }
0xc8: {  	v3 =	vor.u32 $0xC, v1;
	_ =	sdelay $0x3  }
0xc9: {  	[tilespmem:s6+$0x11980] =	vst v2  }
0xca: {  	v2 =	vld.idx.msk [tilespmem:v3+s1+$0x0], $0xffff  }
0xcb: {  	v3 =	vor.u32 $0xD, v1;
	_ =	sdelay $0x3  }
0xcc: {  	[tilespmem:s6+$0x11A00] =	vst v2  }
0xcd: {  	v2 =	vld.idx.msk [tilespmem:v3+s1+$0x0], $0xffff  }
0xce: {  	v3 =	vor.u32 $0xE, v1;
	_ =	sdelay $0x3  }
0xcf: {  	[tilespmem:s6+$0x11A80] =	vst v2  }
0xd0: {  	v2 =	vld.idx.msk [tilespmem:v3+s1+$0x0], $0xffff  }
0xd1: {  	v3 =	vor.u32 $0xF, v1;
	_ =	sdelay $0x3  }
0xd2: {  	[tilespmem:s6+$0x11B00] =	vst v2  }
0xd3: {  	v2 =	vld.idx.msk [tilespmem:v3+s1+$0x0], $0xffff  }
0xd4: {  	v3 =	vor.u32 $0x10, v1;
	_ =	sdelay $0x3  }
0xd5: {  	[tilespmem:s6+$0x11B80] =	vst v2  }
0xd6: {  	v2 =	vld.idx.msk [tilespmem:v3+s1+$0x0], $0xffff  }
0xd7: {  	v3 =	vor.u32 $0x11, v1;
	_ =	sdelay $0x3  }
0xd8: {  	[tilespmem:s6+$0x12800] =	vst v2  }
0xd9: {  	v2 =	vld.idx.msk [tilespmem:v3+s1+$0x0], $0xffff  }
0xda: {  	v3 =	vor.u32 $0x12, v1;
	_ =	sdelay $0x3  }
0xdb: {  	[tilespmem:s6+$0x12880] =	vst v2  }
0xdc: {  	v2 =	vld.idx.msk [tilespmem:v3+s1+$0x0], $0xffff  }
0xdd: {  	v3 =	vor.u32 $0x13, v1;
	_ =	sdelay $0x3  }
0xde: {  	[tilespmem:s6+$0x12900] =	vst v2  }
0xdf: {  	v2 =	vld.idx.msk [tilespmem:v3+s1+$0x0], $0xffff  }
0xe0: {  	v3 =	vor.u32 $0x14, v1;
	_ =	sdelay $0x3  }
0xe1: {  	[tilespmem:s6+$0x12980] =	vst v2  }
0xe2: {  	v2 =	vld.idx.msk [tilespmem:v3+s1+$0x0], $0xffff  }
0xe3: {  	v3 =	vor.u32 $0x15, v1;
	_ =	sdelay $0x3  }
0xe4: {  	[tilespmem:s6+$0x12A00] =	vst v2  }
0xe5: {  	v2 =	vld.idx.msk [tilespmem:v3+s1+$0x0], $0xffff  }
0xe6: {  	v3 =	vor.u32 $0x16, v1;
	_ =	sdelay $0x3  }
0xe7: {  	[tilespmem:s6+$0x12A80] =	vst v2  }
0xe8: {  	v2 =	vld.idx.msk [tilespmem:v3+s1+$0x0], $0xffff  }
0xe9: {  	v3 =	vor.u32 $0x17, v1;
	_ =	sdelay $0x3  }
0xea: {  	[tilespmem:s6+$0x12B00] =	vst v2  }
0xeb: {  	v2 =	vld.idx.msk [tilespmem:v3+s1+$0x0], $0xffff  }
0xec: {  	v3 =	vor.u32 $0x18, v1;
	_ =	sdelay $0x3  }
0xed: {  	[tilespmem:s6+$0x12B80] =	vst v2  }
0xee: {  	v2 =	vld.idx.msk [tilespmem:v3+s1+$0x0], $0xffff  }
0xef: {  	v3 =	vor.u32 $0x19, v1;
	_ =	sdelay $0x3  }
0xf0: {  	[tilespmem:s6+$0x13800] =	vst v2  }
0xf1: {  	v2 =	vld.idx.msk [tilespmem:v3+s1+$0x0], $0xffff  }
0xf2: {  	v3 =	vor.u32 $0x1A, v1;
	_ =	sdelay $0x3  }
0xf3: {  	[tilespmem:s6+$0x13880] =	vst v2  }
0xf4: {  	v2 =	vld.idx.msk [tilespmem:v3+s1+$0x0], $0xffff  }
0xf5: {  	v3 =	vor.u32 $0x1B, v1;
	_ =	sdelay $0x3  }
0xf6: {  	[tilespmem:s6+$0x13900] =	vst v2  }
0xf7: {  	v2 =	vld.idx.msk [tilespmem:v3+s1+$0x0], $0xffff  }
0xf8: {  	v3 =	vor.u32 $0x1C, v1;
	_ =	sdelay $0x3  }
0xf9: {  	[tilespmem:s6+$0x13980] =	vst v2  }
0xfa: {  	v2 =	vld.idx.msk [tilespmem:v3+s1+$0x0], $0xffff  }
0xfb: {  	v3 =	vor.u32 $0x1D, v1;
	_ =	sdelay $0x3  }
0xfc: {  	[tilespmem:s6+$0x13A00] =	vst v2  }
0xfd: {  	v2 =	vld.idx.msk [tilespmem:v3+s1+$0x0], $0xffff  }
0xfe: {  	v3 =	vor.u32 $0x1E, v1;
	_ =	sdelay $0x3  }
0xff: {  	[tilespmem:s6+$0x13A80] =	vst v2  }
0x100: {  	v2 =	vld.idx.msk [tilespmem:v3+s1+$0x0], $0xffff  }
0x101: {  	v1 =	vor.u32 $0x1F, v1;
	_ =	sdelay $0x3  }
0x102: {  	[tilespmem:s6+$0x13B00] =	vst v2  }
0x103: {  	v1 =	vld.idx.msk [tilespmem:v1+s1+$0x0], $0xffff  }
0x104: {  	s30 =	simm.s32 $0x40  }
0x105: {  	s8 =	sand.u32 $0x600, s30;
	s7 =	simm.s32 $0x10  }
0x106: {  	s29 =	simm.s32 $0x80;
	s24 =	sshrl.u32 s8, $0x2;
	s26 =	sand.u32 $0x70, s7  }
.LBB2_4:
0x107: {  	s30 =	sor.u32 s26, s24  }
0x108: {  	[tilespmem:s6+$0x13B80] =	vst v1;
	s5 =	sadd.s32 $0x80, s5;
	s24 =	smov.u32 s29;
	s8 =	sadd.s32 $0x40, s29  }
0x109: {  	p0 =	sne.s32 s29, $0x7C0;
	v1 =	vld [tilespmem:s30+$0x0];
	_ =	sdelay $0x3  }
0x10a: {  	v2 =	vmov s7  }
0x10b: {  	v2 =	vshll.u32 v2, $0x7;
	v1 =	vshrl.u32 v1, $0xD  }
0x10c: {  	v2 =	vor.u32 v0, v2;
	v3 =	vand.u32 $0x7FF80, v1  }
0x10d: {  	v1 =	vand.u32 $0x60, v1;
	v2 =	vadd.s32 v2, v3  }
0x10e: {  	v1 =	vor.u32 v1, v2;
	_ =	sdelay $0x4  }
0x10f: {  	v2 =	vld.idx.msk [tilespmem:v1+s1+$0x0], $0xffff;
	_ =	sdelay $0x1  }
0x110: {  	v3 =	vor.u32 $0x1, v1;
	_ =	sdelay $0x1  }
0x111: {  	s6 =	sand.u32 $0xC00, s5  }
0x112: {  	s6 =	sor.u32 s26, s6  }
0x113: {  	[tilespmem:s6+$0x10800] =	vst v2  }
0x114: {  	v2 =	vld.idx.msk [tilespmem:v3+s1+$0x0], $0xffff;
	_ =	sdelay $0x1  }
0x115: {  	v3 =	vor.u32 $0x2, v1;
	_ =	sdelay $0x2  }
0x116: {  	s26 =	sadd.s32 $0x10800, s6  }
0x117: {  	[tilespmem:s26+$0x80] =	vst v2  }
0x118: {  	v2 =	vld.idx.msk [tilespmem:v3+s1+$0x0], $0xffff;
	_ =	sdelay $0x1  }
0x119: {  	v3 =	vor.u32 $0x3, v1;
	_ =	sdelay $0x3  }
0x11a: {  	[tilespmem:s26+$0x100] =	vst v2  }
0x11b: {  	v2 =	vld.idx.msk [tilespmem:v3+s1+$0x0], $0xffff;
	_ =	sdelay $0x1  }
0x11c: {  	v3 =	vor.u32 $0x4, v1;
	_ =	sdelay $0x3  }
0x11d: {  	[tilespmem:s26+$0x180] =	vst v2  }
0x11e: {  	v2 =	vld.idx.msk [tilespmem:v3+s1+$0x0], $0xffff;
	_ =	sdelay $0x1  }
0x11f: {  	v3 =	vor.u32 $0x5, v1;
	_ =	sdelay $0x3  }
0x120: {  	[tilespmem:s26+$0x200] =	vst v2  }
0x121: {  	v2 =	vld.idx.msk [tilespmem:v3+s1+$0x0], $0xffff;
	_ =	sdelay $0x1  }
0x122: {  	v3 =	vor.u32 $0x6, v1;
	_ =	sdelay $0x3  }
0x123: {  	[tilespmem:s26+$0x280] =	vst v2  }
0x124: {  	v2 =	vld.idx.msk [tilespmem:v3+s1+$0x0], $0xffff;
	_ =	sdelay $0x1  }
0x125: {  	v3 =	vor.u32 $0x7, v1;
	_ =	sdelay $0x3  }
0x126: {  	[tilespmem:s26+$0x300] =	vst v2  }
0x127: {  	v2 =	vld.idx.msk [tilespmem:v3+s1+$0x0], $0xffff;
	_ =	sdelay $0x1  }
0x128: {  	v3 =	vor.u32 $0x8, v1;
	_ =	sdelay $0x1  }
0x129: {  	s26 =	sor.u32 s5, s7  }
0x12a: {  	s26 =	sor.u32 $0x380, s26  }
0x12b: {  	[tilespmem:s26+$0x10800] =	vst v2  }
0x12c: {  	v2 =	vld.idx.msk [tilespmem:v3+s1+$0x0], $0xffff;
	_ =	sdelay $0x1  }
0x12d: {  	v3 =	vor.u32 $0x9, v1;
	_ =	sdelay $0x3  }
0x12e: {  	[tilespmem:s6+$0x11800] =	vst v2  }
0x12f: {  	v2 =	vld.idx.msk [tilespmem:v3+s1+$0x0], $0xffff;
	_ =	sdelay $0x1  }
0x130: {  	v3 =	vor.u32 $0xA, v1;
	_ =	sdelay $0x3  }
0x131: {  	[tilespmem:s6+$0x11880] =	vst v2  }
0x132: {  	v2 =	vld.idx.msk [tilespmem:v3+s1+$0x0], $0xffff;
	_ =	sdelay $0x1  }
0x133: {  	v3 =	vor.u32 $0xB, v1;
	_ =	sdelay $0x3  }
0x134: {  	[tilespmem:s6+$0x11900] =	vst v2  }
0x135: {  	v2 =	vld.idx.msk [tilespmem:v3+s1+$0x0], $0xffff;
	_ =	sdelay $0x1  }
0x136: {  	v3 =	vor.u32 $0xC, v1;
	_ =	sdelay $0x3  }
0x137: {  	[tilespmem:s6+$0x11980] =	vst v2  }
0x138: {  	v2 =	vld.idx.msk [tilespmem:v3+s1+$0x0], $0xffff;
	_ =	sdelay $0x1  }
0x139: {  	v3 =	vor.u32 $0xD, v1;
	_ =	sdelay $0x3  }
0x13a: {  	[tilespmem:s6+$0x11A00] =	vst v2  }
0x13b: {  	v2 =	vld.idx.msk [tilespmem:v3+s1+$0x0], $0xffff;
	_ =	sdelay $0x1  }
0x13c: {  	v3 =	vor.u32 $0xE, v1;
	_ =	sdelay $0x3  }
0x13d: {  	[tilespmem:s6+$0x11A80] =	vst v2  }
0x13e: {  	v2 =	vld.idx.msk [tilespmem:v3+s1+$0x0], $0xffff;
	_ =	sdelay $0x1  }
0x13f: {  	v3 =	vor.u32 $0xF, v1;
	_ =	sdelay $0x3  }
0x140: {  	[tilespmem:s6+$0x11B00] =	vst v2  }
0x141: {  	v2 =	vld.idx.msk [tilespmem:v3+s1+$0x0], $0xffff;
	_ =	sdelay $0x1  }
0x142: {  	v3 =	vor.u32 $0x10, v1;
	_ =	sdelay $0x3  }
0x143: {  	[tilespmem:s6+$0x11B80] =	vst v2  }
0x144: {  	v2 =	vld.idx.msk [tilespmem:v3+s1+$0x0], $0xffff;
	_ =	sdelay $0x1  }
0x145: {  	v3 =	vor.u32 $0x11, v1;
	_ =	sdelay $0x3  }
0x146: {  	[tilespmem:s6+$0x12800] =	vst v2  }
0x147: {  	v2 =	vld.idx.msk [tilespmem:v3+s1+$0x0], $0xffff;
	_ =	sdelay $0x1  }
0x148: {  	v3 =	vor.u32 $0x12, v1;
	_ =	sdelay $0x3  }
0x149: {  	[tilespmem:s6+$0x12880] =	vst v2  }
0x14a: {  	v2 =	vld.idx.msk [tilespmem:v3+s1+$0x0], $0xffff;
	_ =	sdelay $0x1  }
0x14b: {  	v3 =	vor.u32 $0x13, v1;
	_ =	sdelay $0x3  }
0x14c: {  	[tilespmem:s6+$0x12900] =	vst v2  }
0x14d: {  	v2 =	vld.idx.msk [tilespmem:v3+s1+$0x0], $0xffff;
	_ =	sdelay $0x1  }
0x14e: {  	v3 =	vor.u32 $0x14, v1;
	_ =	sdelay $0x3  }
0x14f: {  	[tilespmem:s6+$0x12980] =	vst v2  }
0x150: {  	v2 =	vld.idx.msk [tilespmem:v3+s1+$0x0], $0xffff;
	_ =	sdelay $0x1  }
0x151: {  	v3 =	vor.u32 $0x15, v1;
	_ =	sdelay $0x3  }
0x152: {  	[tilespmem:s6+$0x12A00] =	vst v2  }
0x153: {  	v2 =	vld.idx.msk [tilespmem:v3+s1+$0x0], $0xffff;
	_ =	sdelay $0x1  }
0x154: {  	v3 =	vor.u32 $0x16, v1;
	_ =	sdelay $0x3  }
0x155: {  	[tilespmem:s6+$0x12A80] =	vst v2  }
0x156: {  	v2 =	vld.idx.msk [tilespmem:v3+s1+$0x0], $0xffff;
	_ =	sdelay $0x1  }
0x157: {  	v3 =	vor.u32 $0x17, v1;
	_ =	sdelay $0x3  }
0x158: {  	[tilespmem:s6+$0x12B00] =	vst v2  }
0x159: {  	v2 =	vld.idx.msk [tilespmem:v3+s1+$0x0], $0xffff;
	_ =	sdelay $0x1  }
0x15a: {  	v3 =	vor.u32 $0x18, v1;
	_ =	sdelay $0x3  }
0x15b: {  	[tilespmem:s6+$0x12B80] =	vst v2  }
0x15c: {  	v2 =	vld.idx.msk [tilespmem:v3+s1+$0x0], $0xffff;
	_ =	sdelay $0x1  }
0x15d: {  	v3 =	vor.u32 $0x19, v1;
	_ =	sdelay $0x3  }
0x15e: {  	[tilespmem:s6+$0x13800] =	vst v2  }
0x15f: {  	v2 =	vld.idx.msk [tilespmem:v3+s1+$0x0], $0xffff;
	_ =	sdelay $0x1  }
0x160: {  	v3 =	vor.u32 $0x1A, v1;
	_ =	sdelay $0x3  }
0x161: {  	[tilespmem:s6+$0x13880] =	vst v2  }
0x162: {  	v2 =	vld.idx.msk [tilespmem:v3+s1+$0x0], $0xffff;
	_ =	sdelay $0x1  }
0x163: {  	v3 =	vor.u32 $0x1B, v1;
	_ =	sdelay $0x3  }
0x164: {  	[tilespmem:s6+$0x13900] =	vst v2  }
0x165: {  	v2 =	vld.idx.msk [tilespmem:v3+s1+$0x0], $0xffff;
	_ =	sdelay $0x1  }
0x166: {  	v3 =	vor.u32 $0x1C, v1;
	_ =	sdelay $0x3  }
0x167: {  	[tilespmem:s6+$0x13980] =	vst v2  }
0x168: {  	v2 =	vld.idx.msk [tilespmem:v3+s1+$0x0], $0xffff;
	_ =	sdelay $0x1  }
0x169: {  	v3 =	vor.u32 $0x1D, v1;
	_ =	sdelay $0x3  }
0x16a: {  	[tilespmem:s6+$0x13A00] =	vst v2  }
0x16b: {  	v2 =	vld.idx.msk [tilespmem:v3+s1+$0x0], $0xffff;
	_ =	sdelay $0x1  }
0x16c: {  	v3 =	vor.u32 $0x1E, v1;
	_ =	sdelay $0x3  }
0x16d: {  	[tilespmem:s6+$0x13A80] =	vst v2  }
0x16e: {  	v2 =	vld.idx.msk [tilespmem:v3+s1+$0x0], $0xffff;
	_ =	sdelay $0x1  }
0x16f: {  	v1 =	vor.u32 $0x1F, v1;
	_ =	sdelay $0x3  }
0x170: {  	[tilespmem:s6+$0x13B00] =	vst v2  }
0x171: {  	v1 =	vld.idx.msk [tilespmem:v1+s1+$0x0], $0xffff  }
.Ltmp1:
0x172: {  	(pc) =	sbr.rel @p0 .LBB2_4-.Ltmp1, $3  }
0x173: {  	_ =	sdelay $0x1  }
0x174: {  	s24 =	sand.u32 $0x600, s24;
	s7 =	sadd.s32 $0x10, s7  }
0x175: {  	s29 =	smov.u32 s8;
	s24 =	sshrl.u32 s24, $0x2;
	s26 =	sand.u32 $0x70, s7  }
0x176: {  	s8 =	sor.u32 s26, s24;
	[tilespmem:s6+$0x13B80] =	vst v1  }
0x177: {  	v1 =	vld [tilespmem:s8+$0x0];
	_ =	sdelay $0x3  }
0x178: {  	v2 =	vmov s7  }
0x179: {  	v2 =	vshll.u32 v2, $0x7;
	v1 =	vshrl.u32 v1, $0xD  }
0x17a: {  	v2 =	vor.u32 v0, v2;
	v3 =	vand.u32 $0x7FF80, v1  }
0x17b: {  	v1 =	vand.u32 $0x60, v1;
	v2 =	vadd.s32 v2, v3  }
0x17c: {  	v1 =	vor.u32 v1, v2;
	_ =	sdelay $0x4  }
0x17d: {  	v2 =	vld.idx.msk [tilespmem:v1+s1+$0x0], $0xffff  }
0x17e: {  	v3 =	vor.u32 $0x1, v1  }
0x17f: {  	s24 =	sadd.s32 $0x80, s5  }
0x180: {  	s5 =	sand.u32 $0xC00, s24  }
0x181: {  	s5 =	sor.u32 s26, s5  }
0x182: {  	[tilespmem:s5+$0x10800] =	vst v2  }
0x183: {  	v2 =	vld.idx.msk [tilespmem:v3+s1+$0x0], $0xffff  }
0x184: {  	v3 =	vor.u32 $0x2, v1;
	_ =	sdelay $0x2  }
0x185: {  	s26 =	sadd.s32 $0x10800, s5  }
0x186: {  	[tilespmem:s26+$0x80] =	vst v2  }
0x187: {  	v2 =	vld.idx.msk [tilespmem:v3+s1+$0x0], $0xffff  }
0x188: {  	v3 =	vor.u32 $0x3, v1;
	_ =	sdelay $0x3  }
0x189: {  	[tilespmem:s26+$0x100] =	vst v2  }
0x18a: {  	v2 =	vld.idx.msk [tilespmem:v3+s1+$0x0], $0xffff  }
0x18b: {  	v3 =	vor.u32 $0x4, v1;
	_ =	sdelay $0x3  }
0x18c: {  	[tilespmem:s26+$0x180] =	vst v2  }
0x18d: {  	v2 =	vld.idx.msk [tilespmem:v3+s1+$0x0], $0xffff  }
0x18e: {  	v3 =	vor.u32 $0x5, v1;
	_ =	sdelay $0x3  }
0x18f: {  	[tilespmem:s26+$0x200] =	vst v2  }
0x190: {  	v2 =	vld.idx.msk [tilespmem:v3+s1+$0x0], $0xffff  }
0x191: {  	v3 =	vor.u32 $0x6, v1;
	_ =	sdelay $0x3  }
0x192: {  	[tilespmem:s26+$0x280] =	vst v2  }
0x193: {  	v2 =	vld.idx.msk [tilespmem:v3+s1+$0x0], $0xffff  }
0x194: {  	v3 =	vor.u32 $0x7, v1;
	_ =	sdelay $0x3  }
0x195: {  	[tilespmem:s26+$0x300] =	vst v2  }
0x196: {  	v2 =	vld.idx.msk [tilespmem:v3+s1+$0x0], $0xffff  }
0x197: {  	v3 =	vor.u32 $0x8, v1;
	_ =	sdelay $0x1  }
0x198: {  	s6 =	sor.u32 s24, s7  }
0x199: {  	s6 =	sor.u32 $0x380, s6  }
0x19a: {  	[tilespmem:s6+$0x10800] =	vst v2  }
0x19b: {  	v2 =	vld.idx.msk [tilespmem:v3+s1+$0x0], $0xffff  }
0x19c: {  	v3 =	vor.u32 $0x9, v1;
	_ =	sdelay $0x3  }
0x19d: {  	[tilespmem:s5+$0x11800] =	vst v2  }
0x19e: {  	v2 =	vld.idx.msk [tilespmem:v3+s1+$0x0], $0xffff  }
0x19f: {  	v3 =	vor.u32 $0xA, v1;
	_ =	sdelay $0x3  }
0x1a0: {  	[tilespmem:s5+$0x11880] =	vst v2  }
0x1a1: {  	v2 =	vld.idx.msk [tilespmem:v3+s1+$0x0], $0xffff  }
0x1a2: {  	v3 =	vor.u32 $0xB, v1;
	_ =	sdelay $0x3  }
0x1a3: {  	[tilespmem:s5+$0x11900] =	vst v2  }
0x1a4: {  	v2 =	vld.idx.msk [tilespmem:v3+s1+$0x0], $0xffff  }
0x1a5: {  	v3 =	vor.u32 $0xC, v1;
	_ =	sdelay $0x3  }
0x1a6: {  	[tilespmem:s5+$0x11980] =	vst v2  }
0x1a7: {  	v2 =	vld.idx.msk [tilespmem:v3+s1+$0x0], $0xffff  }
0x1a8: {  	v3 =	vor.u32 $0xD, v1;
	_ =	sdelay $0x3  }
0x1a9: {  	[tilespmem:s5+$0x11A00] =	vst v2  }
0x1aa: {  	v2 =	vld.idx.msk [tilespmem:v3+s1+$0x0], $0xffff  }
0x1ab: {  	v3 =	vor.u32 $0xE, v1;
	_ =	sdelay $0x3  }
0x1ac: {  	[tilespmem:s5+$0x11A80] =	vst v2  }
0x1ad: {  	v2 =	vld.idx.msk [tilespmem:v3+s1+$0x0], $0xffff  }
0x1ae: {  	v3 =	vor.u32 $0xF, v1;
	_ =	sdelay $0x3  }
0x1af: {  	[tilespmem:s5+$0x11B00] =	vst v2  }
0x1b0: {  	v2 =	vld.idx.msk [tilespmem:v3+s1+$0x0], $0xffff  }
0x1b1: {  	v3 =	vor.u32 $0x10, v1;
	_ =	sdelay $0x3  }
0x1b2: {  	[tilespmem:s5+$0x11B80] =	vst v2  }
0x1b3: {  	v2 =	vld.idx.msk [tilespmem:v3+s1+$0x0], $0xffff  }
0x1b4: {  	v3 =	vor.u32 $0x11, v1;
	_ =	sdelay $0x3  }
0x1b5: {  	[tilespmem:s5+$0x12800] =	vst v2  }
0x1b6: {  	v2 =	vld.idx.msk [tilespmem:v3+s1+$0x0], $0xffff  }
0x1b7: {  	v3 =	vor.u32 $0x12, v1;
	_ =	sdelay $0x3  }
0x1b8: {  	[tilespmem:s5+$0x12880] =	vst v2  }
0x1b9: {  	v2 =	vld.idx.msk [tilespmem:v3+s1+$0x0], $0xffff  }
0x1ba: {  	v3 =	vor.u32 $0x13, v1;
	_ =	sdelay $0x3  }
0x1bb: {  	[tilespmem:s5+$0x12900] =	vst v2  }
0x1bc: {  	v2 =	vld.idx.msk [tilespmem:v3+s1+$0x0], $0xffff  }
0x1bd: {  	v3 =	vor.u32 $0x14, v1;
	_ =	sdelay $0x3  }
0x1be: {  	[tilespmem:s5+$0x12980] =	vst v2  }
0x1bf: {  	v2 =	vld.idx.msk [tilespmem:v3+s1+$0x0], $0xffff  }
0x1c0: {  	v3 =	vor.u32 $0x15, v1;
	_ =	sdelay $0x3  }
0x1c1: {  	[tilespmem:s5+$0x12A00] =	vst v2  }
0x1c2: {  	v2 =	vld.idx.msk [tilespmem:v3+s1+$0x0], $0xffff  }
0x1c3: {  	v3 =	vor.u32 $0x16, v1;
	_ =	sdelay $0x3  }
0x1c4: {  	[tilespmem:s5+$0x12A80] =	vst v2  }
0x1c5: {  	v2 =	vld.idx.msk [tilespmem:v3+s1+$0x0], $0xffff  }
0x1c6: {  	v3 =	vor.u32 $0x17, v1;
	_ =	sdelay $0x3  }
0x1c7: {  	[tilespmem:s5+$0x12B00] =	vst v2  }
0x1c8: {  	v2 =	vld.idx.msk [tilespmem:v3+s1+$0x0], $0xffff  }
0x1c9: {  	v3 =	vor.u32 $0x18, v1;
	_ =	sdelay $0x3  }
0x1ca: {  	[tilespmem:s5+$0x12B80] =	vst v2  }
0x1cb: {  	v2 =	vld.idx.msk [tilespmem:v3+s1+$0x0], $0xffff  }
0x1cc: {  	v3 =	vor.u32 $0x19, v1;
	_ =	sdelay $0x3  }
0x1cd: {  	[tilespmem:s5+$0x13800] =	vst v2  }
0x1ce: {  	v2 =	vld.idx.msk [tilespmem:v3+s1+$0x0], $0xffff  }
0x1cf: {  	v3 =	vor.u32 $0x1A, v1;
	_ =	sdelay $0x3  }
0x1d0: {  	[tilespmem:s5+$0x13880] =	vst v2  }
0x1d1: {  	v2 =	vld.idx.msk [tilespmem:v3+s1+$0x0], $0xffff  }
0x1d2: {  	v3 =	vor.u32 $0x1B, v1;
	_ =	sdelay $0x3  }
0x1d3: {  	[tilespmem:s5+$0x13900] =	vst v2  }
0x1d4: {  	v2 =	vld.idx.msk [tilespmem:v3+s1+$0x0], $0xffff  }
0x1d5: {  	v3 =	vor.u32 $0x1C, v1;
	_ =	sdelay $0x3  }
0x1d6: {  	[tilespmem:s5+$0x13980] =	vst v2  }
0x1d7: {  	v2 =	vld.idx.msk [tilespmem:v3+s1+$0x0], $0xffff  }
0x1d8: {  	v3 =	vor.u32 $0x1D, v1;
	_ =	sdelay $0x3  }
0x1d9: {  	[tilespmem:s5+$0x13A00] =	vst v2  }
0x1da: {  	v2 =	vld.idx.msk [tilespmem:v3+s1+$0x0], $0xffff  }
0x1db: {  	v3 =	vor.u32 $0x1E, v1;
	_ =	sdelay $0x3  }
0x1dc: {  	[tilespmem:s5+$0x13A80] =	vst v2  }
0x1dd: {  	v2 =	vld.idx.msk [tilespmem:v3+s1+$0x0], $0xffff  }
0x1de: {  	v1 =	vor.u32 $0x1F, v1;
	_ =	sdelay $0x3  }
0x1df: {  	[tilespmem:s5+$0x13B00] =	vst v2  }
0x1e0: {  	v1 =	vld.idx.msk [tilespmem:v1+s1+$0x0], $0xffff;
	_ =	sdelay $0x4  }
0x1e1: {  	s7 =	simm.s32 $0x600;
	[tilespmem:s5+$0x13B80] =	vst v1  }
0x1e2: {  	[tilespmem:s1], [sflag:$0x1] =	stream.indirect.gather [hbm4b:s4+s25], $0x80, s7, s25, $0xb8;
	[tilespmem:$0x18A00] =	vst v63  }
0x1e3: {  	s8 =	simm.s32 $0x680  }
0x1e4: {  	[tilespmem:s9], [sflag:$0x1] =	stream.indirect.gather [hbm4b:s4+s25], $0x80, s8, s25, $0xb8;
	[tilespmem:$0x18A00] =	vst v63  }
0x1e5: {  	s24 =	simm.s32 $0x700;
	s9 =	simm.s32 $0x8800  }
0x1e6: {  	[tilespmem:s9], [sflag:$0x1] =	stream.indirect.gather [hbm4b:s4+s25], $0x80, s24, s25, $0xb8;
	[tilespmem:$0x18A00] =	vst v63  }
0x1e7: {  	s26 =	simm.s32 $0x780  }
0x1e8: {  	[tilespmem:s31], [sflag:$0x1] =	stream.indirect.gather [hbm4b:s4+s25], $0x80, s26, s25, $0xb8;
	[tilespmem:$0x18A00] =	vst v63  }
0x1e9: {  	_ =	swait.ge [sflag:s0], $0x4000  }
0x1ea: {  	[sflag:s0] =	ssyncset.done $0x0  }
0x1eb: {  	[sflag:s0] =	ssyncadd.s32 $0xFFFFC000  }
0x1ec: {  	_ =	swait.ge [sflag:s0], $0x4000  }
0x1ed: {  	[sflag:s0] =	ssyncset.done $0x0  }
0x1ee: {  	[sflag:s0] =	ssyncadd.s32 $0xFFFFC000  }
0x1ef: {  	_ =	swait.ge [sflag:s0], $0x4000  }
0x1f0: {  	[sflag:s0] =	ssyncset.done $0x0  }
0x1f1: {  	s30 =	simm.s32 $0x0;
	[sflag:s0] =	ssyncadd.s32 $0xFFFFC000  }
0x1f2: {  	s6 =	sand.u32 $0x600, s30;
	_ =	swait.ge [sflag:s0], $0x4000  }
0x1f3: {  	s5 =	sshrl.u32 s6, $0x2;
	s7 =	sand.u32 $0x70, s30;
	[sflag:s0] =	ssyncset.done $0x0  }
0x1f4: {  	s5 =	sor.u32 s7, s5;
	[sflag:s0] =	ssyncadd.s32 $0xFFFFC000  }
0x1f5: {  	v1 =	vld [tilespmem:s5+$0x200];
	_ =	sdelay $0x3  }
0x1f6: {  	v2 =	vmov s30  }
0x1f7: {  	v2 =	vshll.u32 v2, $0x7;
	v1 =	vshrl.u32 v1, $0xD  }
0x1f8: {  	v2 =	vor.u32 v0, v2;
	v3 =	vand.u32 $0x7FF80, v1  }
0x1f9: {  	v1 =	vand.u32 $0x60, v1;
	v2 =	vadd.s32 v2, v3  }
0x1fa: {  	v1 =	vor.u32 v1, v2;
	_ =	sdelay $0x4  }
0x1fb: {  	v2 =	vld.idx.msk [tilespmem:v1+s1+$0x0], $0xffff  }
0x1fc: {  	v3 =	vor.u32 $0x1, v1;
	_ =	sdelay $0x1  }
0x1fd: {  	s8 =	sand.u32 $0xC00, s30  }
0x1fe: {  	s5 =	sor.u32 s7, s8  }
0x1ff: {  	[tilespmem:s5+$0x14800] =	vst v2  }
0x200: {  	v3 =	vld.idx.msk [tilespmem:v3+s1+$0x0], $0xffff  }
0x201: {  	v4 =	vor.u32 $0x2, v1;
	_ =	sdelay $0x3  }
0x202: {  	[tilespmem:s5+$0x14880] =	vst v3  }
0x203: {  	v4 =	vld.idx.msk [tilespmem:v4+s1+$0x0], $0xffff  }
0x204: {  	v5 =	vor.u32 $0x3, v1;
	_ =	sdelay $0x3  }
0x205: {  	[tilespmem:s5+$0x14900] =	vst v4  }
0x206: {  	v5 =	vld.idx.msk [tilespmem:v5+s1+$0x0], $0xffff  }
0x207: {  	v6 =	vor.u32 $0x4, v1  }
0x208: {  	s9 =	sand.u32 $0xFFFFFC00, s30  }
0x209: {  	s7 =	sadd.s32 $0x0, s9;
	v7 =	vld [tilespmem:s5+$0x10880]  }
0x20a: {  	v8 =	vld [tilespmem:s5+$0x10800];
	s6 =	sor.u32 $0x180, s7  }
0x20b: {  	v9 =	vld [tilespmem:s5+$0x10900];
	[tilespmem:s6+$0x14800] =	vst v5  }
0x20c: {  	v6 =	vld.idx.msk [tilespmem:v6+s1+$0x0], $0xffff  }
0x20d: {  	v10 =	vor.u32 $0x5, v1;
	_ =	sdelay $0x3  }
0x20e: {  	v11 =	vld [tilespmem:s6+$0x10800];
	[tilespmem:s5+$0x14A00] =	vst v6  }
0x20f: {  	v10 =	vld.idx.msk [tilespmem:v10+s1+$0x0], $0xffff  }
0x210: {  	v12 =	vor.u32 $0x6, v1;
	_ =	sdelay $0x3  }
0x211: {  	[tilespmem:s5+$0x14A80] =	vst v10  }
0x212: {  	v12 =	vld.idx.msk [tilespmem:v12+s1+$0x0], $0xffff  }
0x213: {  	v13 =	vor.u32 $0x7, v1;
	_ =	sdelay $0x3  }
0x214: {  	[tilespmem:s5+$0x14B00] =	vst v12  }
0x215: {  	v13 =	vld.idx.msk [tilespmem:v13+s1+$0x0], $0xffff  }
0x216: {  	v14 =	vor.u32 $0x8, v1;
	_ =	sdelay $0x1  }
0x217: {  	s6 =	sor.u32 s30, s30;
	v15 =	vld [tilespmem:s5+$0x10B00]  }
0x218: {  	v16 =	vld [tilespmem:s5+$0x10A80];
	s24 =	sor.u32 $0x380, s6  }
0x219: {  	v17 =	vld [tilespmem:s5+$0x10A00];
	[tilespmem:s24+$0x14800] =	vst v13  }
0x21a: {  	v14 =	vld.idx.msk [tilespmem:v14+s1+$0x0], $0xffff  }
0x21b: {  	v18 =	vor.u32 $0x9, v1;
	_ =	sdelay $0x3  }
0x21c: {  	v19 =	vld [tilespmem:s24+$0x10800];
	[tilespmem:s5+$0x15800] =	vst v14  }
0x21d: {  	v18 =	vld.idx.msk [tilespmem:v18+s1+$0x0], $0xffff  }
0x21e: {  	v20 =	vor.u32 $0xA, v1;
	_ =	sdelay $0x3  }
0x21f: {  	[tilespmem:s5+$0x15880] =	vst v18  }
0x220: {  	v20 =	vld.idx.msk [tilespmem:v20+s1+$0x0], $0xffff  }
0x221: {  	v21 =	vor.u32 $0xB, v1;
	_ =	sdelay $0x3  }
0x222: {  	[tilespmem:s5+$0x15900] =	vst v20  }
0x223: {  	v21 =	vld.idx.msk [tilespmem:v21+s1+$0x0], $0xffff  }
0x224: {  	v22 =	vor.u32 $0xC, v1;
	_ =	sdelay $0x1  }
0x225: {  	v23 =	vld [tilespmem:s5+$0x11900]  }
0x226: {  	s26 =	sor.u32 $0x1180, s7;
	v24 =	vld [tilespmem:s5+$0x11880]  }
0x227: {  	v25 =	vld [tilespmem:s5+$0x11800];
	[tilespmem:s26+$0x14800] =	vst v21  }
0x228: {  	v22 =	vld.idx.msk [tilespmem:v22+s1+$0x0], $0xffff  }
0x229: {  	v26 =	vor.u32 $0xD, v1;
	_ =	sdelay $0x3  }
0x22a: {  	v27 =	vld [tilespmem:s26+$0x10800];
	[tilespmem:s5+$0x15A00] =	vst v22  }
0x22b: {  	v26 =	vld.idx.msk [tilespmem:v26+s1+$0x0], $0xffff  }
0x22c: {  	v28 =	vor.u32 $0xE, v1;
	_ =	sdelay $0x3  }
0x22d: {  	[tilespmem:s5+$0x15A80] =	vst v26  }
0x22e: {  	v28 =	vld.idx.msk [tilespmem:v28+s1+$0x0], $0xffff  }
0x22f: {  	v29 =	vor.u32 $0xF, v1;
	_ =	sdelay $0x3  }
0x230: {  	[tilespmem:s5+$0x15B00] =	vst v28  }
0x231: {  	v29 =	vld.idx.msk [tilespmem:v29+s1+$0x0], $0xffff  }
0x232: {  	v30 =	vor.u32 $0x10, v1;
	_ =	sdelay $0x1  }
0x233: {  	v31 =	vld [tilespmem:s5+$0x11B00]  }
0x234: {  	s9 =	sor.u32 $0x1380, s6;
	v32 =	vld [tilespmem:s5+$0x11A80]  }
0x235: {  	v33 =	vld [tilespmem:s5+$0x11A00];
	[tilespmem:s9+$0x14800] =	vst v29  }
0x236: {  	v30 =	vld.idx.msk [tilespmem:v30+s1+$0x0], $0xffff  }
0x237: {  	v34 =	vor.u32 $0x11, v1;
	_ =	sdelay $0x3  }
0x238: {  	v35 =	vld [tilespmem:s9+$0x10800];
	[tilespmem:s5+$0x16800] =	vst v30  }
0x239: {  	v34 =	vld.idx.msk [tilespmem:v34+s1+$0x0], $0xffff  }
0x23a: {  	v36 =	vor.u32 $0x12, v1;
	_ =	sdelay $0x3  }
0x23b: {  	[tilespmem:s5+$0x16880] =	vst v34  }
0x23c: {  	v36 =	vld.idx.msk [tilespmem:v36+s1+$0x0], $0xffff  }
0x23d: {  	v37 =	vor.u32 $0x13, v1;
	_ =	sdelay $0x3  }
0x23e: {  	[tilespmem:s5+$0x16900] =	vst v36  }
0x23f: {  	v37 =	vld.idx.msk [tilespmem:v37+s1+$0x0], $0xffff  }
0x240: {  	v38 =	vor.u32 $0x14, v1;
	_ =	sdelay $0x1  }
0x241: {  	v39 =	vld [tilespmem:s5+$0x12880]  }
0x242: {  	s24 =	sor.u32 $0x2180, s7;
	v40 =	vld [tilespmem:s5+$0x12800]  }
0x243: {  	v41 =	vld [tilespmem:s5+$0x12900];
	[tilespmem:s24+$0x14800] =	vst v37  }
0x244: {  	v38 =	vld.idx.msk [tilespmem:v38+s1+$0x0], $0xffff  }
0x245: {  	v42 =	vor.u32 $0x15, v1;
	_ =	sdelay $0x3  }
0x246: {  	v43 =	vld [tilespmem:s24+$0x10800];
	[tilespmem:s5+$0x16A00] =	vst v38  }
0x247: {  	v42 =	vld.idx.msk [tilespmem:v42+s1+$0x0], $0xffff  }
0x248: {  	v44 =	vor.u32 $0x16, v1;
	_ =	sdelay $0x2  }
0x249: {  	v2 =	vmul.f32 v8, v2  }
0x24a: {  	[tilespmem:s5+$0x16A80] =	vst v42  }
0x24b: {  	v2 =	vadd.f32 $0.0e+00, v2;
	v3 =	vmul.f32 v7, v3;
	v7 =	vld.idx.msk [tilespmem:v44+s1+$0x0], $0xffff  }
0x24c: {  	v53 =	vor.u32 $0x17, v1  }
0x24d: {  	v2 =	vadd.f32 v3, v2;
	v3 =	vmul.f32 v9, v4;
	_ =	sdelay $0x1  }
0x24e: {  	v2 =	vadd.f32 v3, v2;
	v3 =	vmul.f32 v11, v5  }
0x24f: {  	[tilespmem:s5+$0x16B00] =	vst v7  }
0x250: {  	v2 =	vadd.f32 v3, v2;
	v3 =	vmul.f32 v17, v6;
	v4 =	vld.idx.msk [tilespmem:v53+s1+$0x0], $0xffff  }
0x251: {  	v54 =	vor.u32 $0x18, v1  }
0x252: {  	v2 =	vadd.f32 v3, v2;
	v55 =	vmul.f32 v16, v10  }
0x253: {  	v3 =	vld [tilespmem:s5+$0x12A00]  }
0x254: {  	v2 =	vadd.f32 v55, v2;
	v57 =	vmul.f32 v15, v12;
	s26 =	sor.u32 $0x2380, s6;
	v56 =	vld [tilespmem:s5+$0x12A80]  }
0x255: {  	v58 =	vld [tilespmem:s5+$0x12B00];
	[tilespmem:s26+$0x14800] =	vst v4  }
0x256: {  	v2 =	vadd.f32 v57, v2;
	v59 =	vmul.f32 v19, v13;
	v5 =	vld.idx.msk [tilespmem:v54+s1+$0x0], $0xffff  }
0x257: {  	v60 =	vor.u32 $0x19, v1  }
0x258: {  	v2 =	vadd.f32 v59, v2;
	v61 =	vmul.f32 v25, v14;
	_ =	sdelay $0x1  }
0x259: {  	v2 =	vadd.f32 v61, v2;
	v62 =	vmul.f32 v24, v18  }
0x25a: {  	v63 =	vld [tilespmem:s26+$0x10800];
	[tilespmem:s5+$0x17800] =	vst v5  }
0x25b: {  	v2 =	vadd.f32 v62, v2;
	v23 =	vmul.f32 v23, v20;
	v9 =	vld.idx.msk [tilespmem:v60+s1+$0x0], $0xffff  }
0x25c: {  	v24 =	vor.u32 $0x1A, v1  }
0x25d: {  	v2 =	vadd.f32 v23, v2;
	v25 =	vmul.f32 v27, v21;
	_ =	sdelay $0x1  }
0x25e: {  	v2 =	vadd.f32 v25, v2;
	v27 =	vmul.f32 v33, v22  }
0x25f: {  	[tilespmem:s5+$0x17880] =	vst v9  }
0x260: {  	v2 =	vadd.f32 v27, v2;
	v33 =	vmul.f32 v32, v26;
	v11 =	vld.idx.msk [tilespmem:v24+s1+$0x0], $0xffff  }
0x261: {  	v44 =	vor.u32 $0x1B, v1  }
0x262: {  	v2 =	vadd.f32 v33, v2;
	v45 =	vmul.f32 v31, v28;
	_ =	sdelay $0x1  }
0x263: {  	v2 =	vadd.f32 v45, v2;
	v46 =	vmul.f32 v35, v29  }
0x264: {  	[tilespmem:s5+$0x17900] =	vst v11  }
0x265: {  	v2 =	vadd.f32 v46, v2;
	v47 =	vmul.f32 v40, v30;
	v12 =	vld.idx.msk [tilespmem:v44+s1+$0x0], $0xffff  }
0x266: {  	v48 =	vor.u32 $0x1C, v1  }
0x267: {  	v2 =	vadd.f32 v47, v2;
	v49 =	vmul.f32 v39, v34  }
0x268: {  	v50 =	vld [tilespmem:s5+$0x13800]  }
0x269: {  	s7 =	sor.u32 $0x3180, s7;
	v2 =	vadd.f32 v49, v2;
	v52 =	vmul.f32 v41, v36;
	v51 =	vld [tilespmem:s5+$0x13900]  }
0x26a: {  	v53 =	vld [tilespmem:s5+$0x13880];
	[tilespmem:s7+$0x14800] =	vst v12  }
0x26b: {  	v2 =	vadd.f32 v52, v2;
	v54 =	vmul.f32 v43, v37;
	v14 =	vld.idx.msk [tilespmem:v48+s1+$0x0], $0xffff  }
0x26c: {  	v55 =	vor.u32 $0x1D, v1  }
0x26d: {  	v3 =	vmul.f32 v3, v38;
	v2 =	vadd.f32 v54, v2;
	_ =	sdelay $0x1  }
0x26e: {  	v2 =	vadd.f32 v3, v2;
	v3 =	vmul.f32 v56, v42  }
0x26f: {  	v56 =	vld [tilespmem:s7+$0x10800];
	[tilespmem:s5+$0x17A00] =	vst v14  }
0x270: {  	v2 =	vadd.f32 v3, v2;
	v3 =	vmul.f32 v58, v7;
	v57 =	vld.idx.msk [tilespmem:v55+s1+$0x0], $0xffff  }
0x271: {  	v58 =	vor.u32 $0x1E, v1  }
0x272: {  	v2 =	vadd.f32 v3, v2;
	v3 =	vmul.f32 v63, v4;
	_ =	sdelay $0x1  }
0x273: {  	v2 =	vadd.f32 v3, v2;
	v3 =	vmul.f32 v50, v5  }
0x274: {  	[tilespmem:s5+$0x17A80] =	vst v57  }
0x275: {  	v2 =	vadd.f32 v3, v2;
	v3 =	vmul.f32 v53, v9;
	v59 =	vld.idx.msk [tilespmem:v58+s1+$0x0], $0xffff  }
0x276: {  	v1 =	vor.u32 $0x1F, v1;
	v60 =	vld [tilespmem:s5+$0x13A00]  }
0x277: {  	v2 =	vadd.f32 v3, v2;
	v3 =	vmul.f32 v51, v11  }
0x278: {  	v61 =	vld [tilespmem:s5+$0x13A80]  }
0x279: {  	v2 =	vadd.f32 v3, v2;
	v3 =	vmul.f32 v56, v12  }
0x27a: {  	v62 =	vld [tilespmem:s5+$0x13B00];
	[tilespmem:s5+$0x17B00] =	vst v59  }
0x27b: {  	s6 =	sor.u32 $0x3380, s6;
	v2 =	vadd.f32 v3, v2;
	v3 =	vmul.f32 v60, v14;
	v1 =	vld.idx.msk [tilespmem:v1+s1+$0x0], $0xffff  }
0x27c: {  	v63 =	vld [tilespmem:s6+$0x10800]  }
0x27d: {  	v2 =	vadd.f32 v3, v2;
	v3 =	vmul.f32 v61, v57;
	_ =	sdelay $0x1  }
0x27e: {  	v2 =	vadd.f32 v3, v2;
	v4 =	vmul.f32 v62, v59  }
0x27f: {  	s24 =	simm.s32 $0x40  }
0x280: {  	s9 =	sand.u32 $0x600, s24;
	v2 =	vadd.f32 v4, v2;
	v3 =	vmul.f32 v63, v1  }
0x281: {  	s29 =	sshrl.u32 s9, $0x2;
	s5 =	simm.s32 $0x10  }
0x282: {  	s26 =	simm.s32 $0x80;
	s8 =	sand.u32 $0x70, s5;
	[tilespmem:s6+$0x14800] =	vst v1;
	s6 =	simm.s32 $0x0;
	v1 =	vadd.f32 v3, v2  }
.LBB2_6:
0x283: {  	s29 =	sor.u32 s8, s29;
	s30 =	sadd.s32 $0x80, s30  }
0x284: {  	[tilespmem:s6+$0x18800] =	vst v1;
	s6 =	smov.u32 s24;
	s24 =	smov.u32 s26;
	s7 =	sadd.s32 $0x40, s26  }
0x285: {  	p0 =	sne.s32 s26, $0x7C0;
	v1 =	vld [tilespmem:s29+$0x200];
	_ =	sdelay $0x3  }
0x286: {  	v2 =	vmov s5  }
0x287: {  	v2 =	vshll.u32 v2, $0x7;
	v1 =	vshrl.u32 v1, $0xD  }
0x288: {  	v2 =	vor.u32 v0, v2;
	v3 =	vand.u32 $0x7FF80, v1  }
0x289: {  	v1 =	vand.u32 $0x60, v1;
	v2 =	vadd.s32 v2, v3  }
0x28a: {  	v1 =	vor.u32 v1, v2;
	_ =	sdelay $0x4  }
0x28b: {  	v2 =	vld.idx.msk [tilespmem:v1+s1+$0x0], $0xffff;
	_ =	sdelay $0x1  }
0x28c: {  	v3 =	vor.u32 $0x1, v1;
	_ =	sdelay $0x1  }
0x28d: {  	s26 =	sand.u32 $0xC00, s30  }
0x28e: {  	s8 =	sor.u32 s8, s26  }
0x28f: {  	[tilespmem:s8+$0x14800] =	vst v2  }
0x290: {  	v3 =	vld.idx.msk [tilespmem:v3+s1+$0x0], $0xffff  }
0x291: {  	v4 =	vld [tilespmem:s8+$0x10880]  }
0x292: {  	v5 =	vor.u32 $0x2, v1;
	_ =	sdelay $0x1  }
0x293: {  	v6 =	vld [tilespmem:s8+$0x10800];
	_ =	sdelay $0x1  }
0x294: {  	[tilespmem:s8+$0x14880] =	vst v3;
	v3 =	vmul.f32 v4, v3  }
0x295: {  	v4 =	vld.idx.msk [tilespmem:v5+s1+$0x0], $0xffff  }
0x296: {  	v5 =	vld [tilespmem:s8+$0x10900]  }
0x297: {  	v2 =	vmul.f32 v6, v2;
	v6 =	vor.u32 $0x3, v1;
	_ =	sdelay $0x1  }
0x298: {  	v2 =	vadd.f32 $0.0e+00, v2;
	_ =	sdelay $0x1  }
0x299: {  	v2 =	vadd.f32 v3, v2;
	[tilespmem:s8+$0x14900] =	vst v4;
	v3 =	vmul.f32 v5, v4  }
0x29a: {  	v4 =	vld.idx.msk [tilespmem:v6+s1+$0x0], $0xffff  }
0x29b: {  	v2 =	vadd.f32 v3, v2  }
0x29c: {  	v3 =	vor.u32 $0x4, v1  }
0x29d: {  	s26 =	sand.u32 $0xFFFFFC00, s30  }
0x29e: {  	s29 =	sadd.s32 s26, s5  }
0x29f: {  	s26 =	sor.u32 $0x180, s29  }
0x2a0: {  	[tilespmem:s26+$0x14800] =	vst v4  }
0x2a1: {  	v3 =	vld.idx.msk [tilespmem:v3+s1+$0x0], $0xffff;
	_ =	sdelay $0x1  }
0x2a2: {  	v5 =	vor.u32 $0x5, v1;
	_ =	sdelay $0x2  }
0x2a3: {  	v6 =	vld [tilespmem:s26+$0x10800]  }
0x2a4: {  	[tilespmem:s8+$0x14A00] =	vst v3  }
0x2a5: {  	v5 =	vld.idx.msk [tilespmem:v5+s1+$0x0], $0xffff;
	_ =	sdelay $0x1  }
0x2a6: {  	v7 =	vor.u32 $0x6, v1  }
0x2a7: {  	v4 =	vmul.f32 v6, v4;
	_ =	sdelay $0x1  }
0x2a8: {  	v2 =	vadd.f32 v4, v2  }
0x2a9: {  	[tilespmem:s8+$0x14A80] =	vst v5  }
0x2aa: {  	v4 =	vld.idx.msk [tilespmem:v7+s1+$0x0], $0xffff;
	_ =	sdelay $0x1  }
0x2ab: {  	v6 =	vor.u32 $0x7, v1;
	_ =	sdelay $0x3  }
0x2ac: {  	[tilespmem:s8+$0x14B00] =	vst v4  }
0x2ad: {  	v6 =	vld.idx.msk [tilespmem:v6+s1+$0x0], $0xffff;
	_ =	sdelay $0x1  }
0x2ae: {  	v7 =	vor.u32 $0x8, v1  }
0x2af: {  	v8 =	vld [tilespmem:s8+$0x10B00]  }
0x2b0: {  	s26 =	sor.u32 s5, s30;
	v9 =	vld [tilespmem:s8+$0x10A80]  }
0x2b1: {  	s9 =	sor.u32 $0x380, s26;
	v10 =	vld [tilespmem:s8+$0x10A00]  }
0x2b2: {  	[tilespmem:s9+$0x14800] =	vst v6  }
0x2b3: {  	v7 =	vld.idx.msk [tilespmem:v7+s1+$0x0], $0xffff  }
0x2b4: {  	v4 =	vmul.f32 v8, v4  }
0x2b5: {  	v8 =	vor.u32 $0x9, v1;
	v5 =	vmul.f32 v9, v5  }
0x2b6: {  	v3 =	vmul.f32 v10, v3;
	_ =	sdelay $0x1  }
0x2b7: {  	v2 =	vadd.f32 v3, v2;
	v3 =	vld [tilespmem:s9+$0x10800]  }
0x2b8: {  	[tilespmem:s8+$0x15800] =	vst v7  }
0x2b9: {  	v2 =	vadd.f32 v5, v2;
	v5 =	vld.idx.msk [tilespmem:v8+s1+$0x0], $0xffff;
	_ =	sdelay $0x1  }
0x2ba: {  	v8 =	vor.u32 $0xA, v1  }
0x2bb: {  	v3 =	vmul.f32 v3, v6;
	_ =	sdelay $0x2  }
0x2bc: {  	[tilespmem:s8+$0x15880] =	vst v5  }
0x2bd: {  	v6 =	vld.idx.msk [tilespmem:v8+s1+$0x0], $0xffff;
	_ =	sdelay $0x1  }
0x2be: {  	v8 =	vor.u32 $0xB, v1;
	_ =	sdelay $0x3  }
0x2bf: {  	[tilespmem:s8+$0x15900] =	vst v6  }
0x2c0: {  	v8 =	vld.idx.msk [tilespmem:v8+s1+$0x0], $0xffff;
	_ =	sdelay $0x1  }
0x2c1: {  	v9 =	vor.u32 $0xC, v1  }
0x2c2: {  	v10 =	vld [tilespmem:s8+$0x11900]  }
0x2c3: {  	v11 =	vld [tilespmem:s8+$0x11880]  }
0x2c4: {  	s9 =	sor.u32 $0x1180, s29;
	v12 =	vld [tilespmem:s8+$0x11800]  }
0x2c5: {  	[tilespmem:s9+$0x14800] =	vst v8  }
0x2c6: {  	v9 =	vld.idx.msk [tilespmem:v9+s1+$0x0], $0xffff  }
0x2c7: {  	v2 =	vadd.f32 v4, v2;
	v4 =	vmul.f32 v10, v6  }
0x2c8: {  	v6 =	vor.u32 $0xD, v1;
	v5 =	vmul.f32 v11, v5  }
0x2c9: {  	v2 =	vadd.f32 v3, v2;
	v3 =	vmul.f32 v12, v7;
	_ =	sdelay $0x1  }
0x2ca: {  	v2 =	vadd.f32 v3, v2;
	v3 =	vld [tilespmem:s9+$0x10800]  }
0x2cb: {  	[tilespmem:s8+$0x15A00] =	vst v9  }
0x2cc: {  	v2 =	vadd.f32 v5, v2;
	v5 =	vld.idx.msk [tilespmem:v6+s1+$0x0], $0xffff;
	_ =	sdelay $0x1  }
0x2cd: {  	v6 =	vor.u32 $0xE, v1  }
0x2ce: {  	v2 =	vadd.f32 v4, v2;
	v3 =	vmul.f32 v3, v8;
	_ =	sdelay $0x1  }
0x2cf: {  	v2 =	vadd.f32 v3, v2  }
0x2d0: {  	[tilespmem:s8+$0x15A80] =	vst v5  }
0x2d1: {  	v3 =	vld.idx.msk [tilespmem:v6+s1+$0x0], $0xffff  }
0x2d2: {  	v4 =	vld [tilespmem:s8+$0x11B00]  }
0x2d3: {  	v6 =	vor.u32 $0xF, v1;
	_ =	sdelay $0x3  }
0x2d4: {  	[tilespmem:s8+$0x15B00] =	vst v3;
	v3 =	vmul.f32 v4, v3  }
0x2d5: {  	v4 =	vld.idx.msk [tilespmem:v6+s1+$0x0], $0xffff;
	_ =	sdelay $0x1  }
0x2d6: {  	v6 =	vor.u32 $0x10, v1;
	_ =	sdelay $0x1  }
0x2d7: {  	v7 =	vld [tilespmem:s8+$0x11A80]  }
0x2d8: {  	s9 =	sor.u32 $0x1380, s26;
	v8 =	vld [tilespmem:s8+$0x11A00]  }
0x2d9: {  	[tilespmem:s9+$0x14800] =	vst v4  }
0x2da: {  	v6 =	vld.idx.msk [tilespmem:v6+s1+$0x0], $0xffff;
	_ =	sdelay $0x1  }
0x2db: {  	v5 =	vmul.f32 v7, v5;
	v7 =	vor.u32 $0x11, v1  }
0x2dc: {  	v8 =	vmul.f32 v8, v9;
	_ =	sdelay $0x1  }
0x2dd: {  	v2 =	vadd.f32 v8, v2;
	v8 =	vld [tilespmem:s9+$0x10800]  }
0x2de: {  	[tilespmem:s8+$0x16800] =	vst v6  }
0x2df: {  	v7 =	vld.idx.msk [tilespmem:v7+s1+$0x0], $0xffff  }
0x2e0: {  	v2 =	vadd.f32 v5, v2;
	v5 =	vld [tilespmem:s8+$0x12880]  }
0x2e1: {  	v9 =	vor.u32 $0x12, v1  }
0x2e2: {  	v2 =	vadd.f32 v3, v2;
	v3 =	vmul.f32 v8, v4;
	_ =	sdelay $0x1  }
0x2e3: {  	v2 =	vadd.f32 v3, v2  }
0x2e4: {  	[tilespmem:s8+$0x16880] =	vst v7;
	v3 =	vmul.f32 v5, v7  }
0x2e5: {  	v4 =	vld.idx.msk [tilespmem:v9+s1+$0x0], $0xffff;
	_ =	sdelay $0x1  }
0x2e6: {  	v5 =	vor.u32 $0x13, v1;
	_ =	sdelay $0x3  }
0x2e7: {  	v7 =	vld [tilespmem:s8+$0x12800];
	[tilespmem:s8+$0x16900] =	vst v4  }
0x2e8: {  	s9 =	sor.u32 $0x2180, s29;
	v5 =	vld.idx.msk [tilespmem:v5+s1+$0x0], $0xffff  }
0x2e9: {  	v8 =	vld [tilespmem:s9+$0x10800]  }
0x2ea: {  	v9 =	vor.u32 $0x14, v1;
	_ =	sdelay $0x1  }
0x2eb: {  	v10 =	vld [tilespmem:s8+$0x12900]  }
0x2ec: {  	v6 =	vmul.f32 v7, v6  }
0x2ed: {  	[tilespmem:s9+$0x14800] =	vst v5;
	v5 =	vmul.f32 v8, v5  }
0x2ee: {  	v2 =	vadd.f32 v6, v2;
	v6 =	vld.idx.msk [tilespmem:v9+s1+$0x0], $0xffff  }
0x2ef: {  	v7 =	vld [tilespmem:s8+$0x12A00]  }
0x2f0: {  	v2 =	vadd.f32 v3, v2;
	v3 =	vmul.f32 v10, v4;
	v4 =	vor.u32 $0x15, v1;
	v8 =	vld [tilespmem:s8+$0x12A80]  }
0x2f1: {  	v9 =	vld [tilespmem:s8+$0x12B00]  }
0x2f2: {  	v2 =	vadd.f32 v3, v2;
	_ =	sdelay $0x1  }
0x2f3: {  	v2 =	vadd.f32 v5, v2;
	[tilespmem:s8+$0x16A00] =	vst v6;
	v3 =	vmul.f32 v7, v6  }
0x2f4: {  	v4 =	vld.idx.msk [tilespmem:v4+s1+$0x0], $0xffff  }
0x2f5: {  	v2 =	vadd.f32 v3, v2  }
0x2f6: {  	v3 =	vor.u32 $0x16, v1;
	_ =	sdelay $0x3  }
0x2f7: {  	[tilespmem:s8+$0x16A80] =	vst v4;
	v4 =	vmul.f32 v8, v4  }
0x2f8: {  	v3 =	vld.idx.msk [tilespmem:v3+s1+$0x0], $0xffff  }
0x2f9: {  	v2 =	vadd.f32 v4, v2  }
0x2fa: {  	v4 =	vor.u32 $0x17, v1;
	_ =	sdelay $0x3  }
0x2fb: {  	[tilespmem:s8+$0x16B00] =	vst v3;
	v3 =	vmul.f32 v9, v3  }
0x2fc: {  	s9 =	sor.u32 $0x2380, s26;
	v4 =	vld.idx.msk [tilespmem:v4+s1+$0x0], $0xffff  }
0x2fd: {  	v2 =	vadd.f32 v3, v2;
	v3 =	vld [tilespmem:s9+$0x10800]  }
0x2fe: {  	v5 =	vor.u32 $0x18, v1;
	_ =	sdelay $0x3  }
0x2ff: {  	[tilespmem:s9+$0x14800] =	vst v4;
	v3 =	vmul.f32 v3, v4  }
0x300: {  	v4 =	vld.idx.msk [tilespmem:v5+s1+$0x0], $0xffff  }
0x301: {  	v2 =	vadd.f32 v3, v2;
	v3 =	vld [tilespmem:s8+$0x13800]  }
0x302: {  	v5 =	vor.u32 $0x19, v1;
	v6 =	vld [tilespmem:s8+$0x13900]  }
0x303: {  	v7 =	vld [tilespmem:s8+$0x13880];
	_ =	sdelay $0x2  }
0x304: {  	[tilespmem:s8+$0x17800] =	vst v4;
	v3 =	vmul.f32 v3, v4  }
0x305: {  	v4 =	vld.idx.msk [tilespmem:v5+s1+$0x0], $0xffff  }
0x306: {  	v2 =	vadd.f32 v3, v2  }
0x307: {  	v3 =	vor.u32 $0x1A, v1;
	_ =	sdelay $0x3  }
0x308: {  	[tilespmem:s8+$0x17880] =	vst v4;
	v4 =	vmul.f32 v7, v4  }
0x309: {  	v3 =	vld.idx.msk [tilespmem:v3+s1+$0x0], $0xffff  }
0x30a: {  	v2 =	vadd.f32 v4, v2  }
0x30b: {  	v4 =	vor.u32 $0x1B, v1;
	_ =	sdelay $0x3  }
0x30c: {  	[tilespmem:s8+$0x17900] =	vst v3;
	v3 =	vmul.f32 v6, v3  }
0x30d: {  	s9 =	sor.u32 $0x3180, s29;
	v4 =	vld.idx.msk [tilespmem:v4+s1+$0x0], $0xffff  }
0x30e: {  	v5 =	vld [tilespmem:s9+$0x10800]  }
0x30f: {  	v6 =	vor.u32 $0x1C, v1;
	_ =	sdelay $0x3  }
0x310: {  	v2 =	vadd.f32 v3, v2;
	[tilespmem:s9+$0x14800] =	vst v4;
	v3 =	vmul.f32 v5, v4  }
0x311: {  	v4 =	vld.idx.msk [tilespmem:v6+s1+$0x0], $0xffff  }
0x312: {  	v2 =	vadd.f32 v3, v2;
	v3 =	vld [tilespmem:s8+$0x13A80]  }
0x313: {  	v5 =	vor.u32 $0x1D, v1;
	v6 =	vld [tilespmem:s8+$0x13B00]  }
0x314: {  	v7 =	vld [tilespmem:s8+$0x13A00];
	_ =	sdelay $0x2  }
0x315: {  	[tilespmem:s8+$0x17A00] =	vst v4  }
0x316: {  	v5 =	vld.idx.msk [tilespmem:v5+s1+$0x0], $0xffff  }
0x317: {  	v4 =	vmul.f32 v7, v4  }
0x318: {  	v7 =	vor.u32 $0x1E, v1  }
0x319: {  	v2 =	vadd.f32 v4, v2;
	_ =	sdelay $0x2  }
0x31a: {  	v3 =	vmul.f32 v3, v5;
	[tilespmem:s8+$0x17A80] =	vst v5  }
0x31b: {  	v4 =	vld.idx.msk [tilespmem:v7+s1+$0x0], $0xffff;
	_ =	sdelay $0x1  }
0x31c: {  	v1 =	vor.u32 $0x1F, v1;
	_ =	sdelay $0x3  }
0x31d: {  	[tilespmem:s8+$0x17B00] =	vst v4;
	v4 =	vmul.f32 v6, v4  }
0x31e: {  	s8 =	sor.u32 $0x3380, s26;
	v1 =	vld.idx.msk [tilespmem:v1+s1+$0x0], $0xffff  }
0x31f: {  	v5 =	vld [tilespmem:s8+$0x10800];
	_ =	sdelay $0x2  }
0x320: {  	v2 =	vadd.f32 v3, v2  }
.Ltmp2:
0x321: {  	(pc) =	sbr.rel @p0 .LBB2_6-.Ltmp2, $3  }
0x322: {  	v2 =	vadd.f32 v4, v2;
	[tilespmem:s8+$0x14800] =	vst v1;
	v1 =	vmul.f32 v5, v1;
	_ =	sdelay $0x1  }
0x323: {  	s6 =	sshra.s32 s6, $0x2;
	s5 =	sadd.s32 $0x10, s5;
	s9 =	sand.u32 $0x600, s24;
	v1 =	vadd.f32 v1, v2  }
0x324: {  	s29 =	sshrl.u32 s9, $0x2;
	s26 =	smov.u32 s7;
	s8 =	sand.u32 $0x70, s5  }
0x325: {  	s7 =	sor.u32 s8, s29;
	[tilespmem:s6+$0x18800] =	vst v1  }
0x326: {  	v1 =	vld [tilespmem:s7+$0x200];
	_ =	sdelay $0x3  }
0x327: {  	v2 =	vmov s5  }
0x328: {  	v2 =	vshll.u32 v2, $0x7;
	v1 =	vshrl.u32 v1, $0xD  }
0x329: {  	v2 =	vor.u32 v0, v2;
	v3 =	vand.u32 $0x7FF80, v1  }
0x32a: {  	v1 =	vand.u32 $0x60, v1;
	v2 =	vadd.s32 v2, v3  }
0x32b: {  	v1 =	vor.u32 v1, v2;
	_ =	sdelay $0x4  }
0x32c: {  	v2 =	vld.idx.msk [tilespmem:v1+s1+$0x0], $0xffff  }
0x32d: {  	v3 =	vor.u32 $0x1, v1  }
0x32e: {  	s9 =	sadd.s32 $0x80, s30  }
0x32f: {  	s26 =	sand.u32 $0xC00, s9  }
0x330: {  	s6 =	sor.u32 s8, s26  }
0x331: {  	[tilespmem:s6+$0x14800] =	vst v2  }
0x332: {  	v3 =	vld.idx.msk [tilespmem:v3+s1+$0x0], $0xffff  }
0x333: {  	v4 =	vor.u32 $0x2, v1;
	_ =	sdelay $0x3  }
0x334: {  	[tilespmem:s6+$0x14880] =	vst v3  }
0x335: {  	v4 =	vld.idx.msk [tilespmem:v4+s1+$0x0], $0xffff  }
0x336: {  	v5 =	vor.u32 $0x3, v1;
	_ =	sdelay $0x3  }
0x337: {  	[tilespmem:s6+$0x14900] =	vst v4  }
0x338: {  	v5 =	vld.idx.msk [tilespmem:v5+s1+$0x0], $0xffff  }
0x339: {  	v6 =	vor.u32 $0x4, v1  }
0x33a: {  	s29 =	sand.u32 $0xFFFFFC00, s9  }
0x33b: {  	s7 =	sadd.s32 s29, s5;
	v7 =	vld [tilespmem:s6+$0x10880]  }
0x33c: {  	v8 =	vld [tilespmem:s6+$0x10800];
	s30 =	sor.u32 $0x180, s7  }
0x33d: {  	v9 =	vld [tilespmem:s6+$0x10900];
	[tilespmem:s30+$0x14800] =	vst v5  }
0x33e: {  	v6 =	vld.idx.msk [tilespmem:v6+s1+$0x0], $0xffff  }
0x33f: {  	v10 =	vor.u32 $0x5, v1;
	_ =	sdelay $0x3  }
0x340: {  	v11 =	vld [tilespmem:s30+$0x10800];
	[tilespmem:s6+$0x14A00] =	vst v6  }
0x341: {  	v10 =	vld.idx.msk [tilespmem:v10+s1+$0x0], $0xffff  }
0x342: {  	v12 =	vor.u32 $0x6, v1;
	_ =	sdelay $0x3  }
0x343: {  	[tilespmem:s6+$0x14A80] =	vst v10  }
0x344: {  	v12 =	vld.idx.msk [tilespmem:v12+s1+$0x0], $0xffff  }
0x345: {  	v13 =	vor.u32 $0x7, v1;
	_ =	sdelay $0x3  }
0x346: {  	[tilespmem:s6+$0x14B00] =	vst v12  }
0x347: {  	v13 =	vld.idx.msk [tilespmem:v13+s1+$0x0], $0xffff  }
0x348: {  	v14 =	vor.u32 $0x8, v1;
	_ =	sdelay $0x1  }
0x349: {  	s5 =	sor.u32 s5, s9;
	v15 =	vld [tilespmem:s6+$0x10B00]  }
0x34a: {  	s26 =	sor.u32 $0x380, s5;
	v16 =	vld [tilespmem:s6+$0x10A80]  }
0x34b: {  	v17 =	vld [tilespmem:s6+$0x10A00];
	[tilespmem:s26+$0x14800] =	vst v13  }
0x34c: {  	v14 =	vld.idx.msk [tilespmem:v14+s1+$0x0], $0xffff  }
0x34d: {  	v18 =	vor.u32 $0x9, v1;
	_ =	sdelay $0x3  }
0x34e: {  	v19 =	vld [tilespmem:s26+$0x10800];
	[tilespmem:s6+$0x15800] =	vst v14  }
0x34f: {  	v18 =	vld.idx.msk [tilespmem:v18+s1+$0x0], $0xffff  }
0x350: {  	v20 =	vor.u32 $0xA, v1;
	_ =	sdelay $0x3  }
0x351: {  	[tilespmem:s6+$0x15880] =	vst v18  }
0x352: {  	v20 =	vld.idx.msk [tilespmem:v20+s1+$0x0], $0xffff  }
0x353: {  	v21 =	vor.u32 $0xB, v1;
	_ =	sdelay $0x3  }
0x354: {  	[tilespmem:s6+$0x15900] =	vst v20  }
0x355: {  	v21 =	vld.idx.msk [tilespmem:v21+s1+$0x0], $0xffff  }
0x356: {  	v22 =	vor.u32 $0xC, v1;
	_ =	sdelay $0x1  }
0x357: {  	v23 =	vld [tilespmem:s6+$0x11900]  }
0x358: {  	s29 =	sor.u32 $0x1180, s7;
	v24 =	vld [tilespmem:s6+$0x11880]  }
0x359: {  	v25 =	vld [tilespmem:s6+$0x11800];
	[tilespmem:s29+$0x14800] =	vst v21  }
0x35a: {  	v22 =	vld.idx.msk [tilespmem:v22+s1+$0x0], $0xffff  }
0x35b: {  	v26 =	vor.u32 $0xD, v1;
	_ =	sdelay $0x3  }
0x35c: {  	v27 =	vld [tilespmem:s29+$0x10800];
	[tilespmem:s6+$0x15A00] =	vst v22  }
0x35d: {  	v26 =	vld.idx.msk [tilespmem:v26+s1+$0x0], $0xffff  }
0x35e: {  	v28 =	vor.u32 $0xE, v1;
	_ =	sdelay $0x3  }
0x35f: {  	[tilespmem:s6+$0x15A80] =	vst v26  }
0x360: {  	v28 =	vld.idx.msk [tilespmem:v28+s1+$0x0], $0xffff  }
0x361: {  	v29 =	vor.u32 $0xF, v1;
	_ =	sdelay $0x3  }
0x362: {  	[tilespmem:s6+$0x15B00] =	vst v28  }
0x363: {  	v29 =	vld.idx.msk [tilespmem:v29+s1+$0x0], $0xffff  }
0x364: {  	v30 =	vor.u32 $0x10, v1;
	_ =	sdelay $0x1  }
0x365: {  	v31 =	vld [tilespmem:s6+$0x11B00]  }
0x366: {  	s30 =	sor.u32 $0x1380, s5;
	v32 =	vld [tilespmem:s6+$0x11A80]  }
0x367: {  	v33 =	vld [tilespmem:s6+$0x11A00];
	[tilespmem:s30+$0x14800] =	vst v29  }
0x368: {  	v30 =	vld.idx.msk [tilespmem:v30+s1+$0x0], $0xffff  }
0x369: {  	v34 =	vor.u32 $0x11, v1;
	_ =	sdelay $0x3  }
0x36a: {  	v35 =	vld [tilespmem:s30+$0x10800];
	[tilespmem:s6+$0x16800] =	vst v30  }
0x36b: {  	v34 =	vld.idx.msk [tilespmem:v34+s1+$0x0], $0xffff  }
0x36c: {  	v36 =	vor.u32 $0x12, v1;
	_ =	sdelay $0x3  }
0x36d: {  	[tilespmem:s6+$0x16880] =	vst v34  }
0x36e: {  	v36 =	vld.idx.msk [tilespmem:v36+s1+$0x0], $0xffff  }
0x36f: {  	v37 =	vor.u32 $0x13, v1;
	_ =	sdelay $0x3  }
0x370: {  	[tilespmem:s6+$0x16900] =	vst v36  }
0x371: {  	v37 =	vld.idx.msk [tilespmem:v37+s1+$0x0], $0xffff  }
0x372: {  	v38 =	vor.u32 $0x14, v1;
	_ =	sdelay $0x1  }
0x373: {  	v39 =	vld [tilespmem:s6+$0x12880]  }
0x374: {  	s9 =	sor.u32 $0x2180, s7;
	v40 =	vld [tilespmem:s6+$0x12800]  }
0x375: {  	v41 =	vld [tilespmem:s6+$0x12900];
	[tilespmem:s9+$0x14800] =	vst v37  }
0x376: {  	v38 =	vld.idx.msk [tilespmem:v38+s1+$0x0], $0xffff  }
0x377: {  	v42 =	vor.u32 $0x15, v1;
	_ =	sdelay $0x3  }
0x378: {  	v43 =	vld [tilespmem:s9+$0x10800];
	[tilespmem:s6+$0x16A00] =	vst v38  }
0x379: {  	v42 =	vld.idx.msk [tilespmem:v42+s1+$0x0], $0xffff  }
0x37a: {  	v44 =	vor.u32 $0x16, v1;
	_ =	sdelay $0x2  }
0x37b: {  	v2 =	vmul.f32 v8, v2  }
0x37c: {  	[tilespmem:s6+$0x16A80] =	vst v42  }
0x37d: {  	v2 =	vadd.f32 $0.0e+00, v2;
	v3 =	vmul.f32 v7, v3;
	v7 =	vld.idx.msk [tilespmem:v44+s1+$0x0], $0xffff  }
0x37e: {  	v54 =	vor.u32 $0x17, v1  }
0x37f: {  	v2 =	vadd.f32 v3, v2;
	v3 =	vmul.f32 v9, v4;
	_ =	sdelay $0x1  }
0x380: {  	v2 =	vadd.f32 v3, v2;
	v3 =	vmul.f32 v11, v5  }
0x381: {  	[tilespmem:s6+$0x16B00] =	vst v7  }
0x382: {  	v2 =	vadd.f32 v3, v2;
	v3 =	vmul.f32 v17, v6;
	v4 =	vld.idx.msk [tilespmem:v54+s1+$0x0], $0xffff  }
0x383: {  	v55 =	vor.u32 $0x18, v1  }
0x384: {  	v2 =	vadd.f32 v3, v2;
	v56 =	vmul.f32 v16, v10  }
0x385: {  	v3 =	vld [tilespmem:s6+$0x12A00]  }
0x386: {  	v2 =	vadd.f32 v56, v2;
	v58 =	vmul.f32 v15, v12;
	s26 =	sor.u32 $0x2380, s5;
	v57 =	vld [tilespmem:s6+$0x12A80]  }
0x387: {  	v59 =	vld [tilespmem:s6+$0x12B00];
	[tilespmem:s26+$0x14800] =	vst v4  }
0x388: {  	v2 =	vadd.f32 v58, v2;
	v60 =	vmul.f32 v19, v13;
	v5 =	vld.idx.msk [tilespmem:v55+s1+$0x0], $0xffff  }
0x389: {  	v61 =	vor.u32 $0x19, v1  }
0x38a: {  	v2 =	vadd.f32 v60, v2;
	v62 =	vmul.f32 v25, v14;
	_ =	sdelay $0x1  }
0x38b: {  	v2 =	vadd.f32 v62, v2;
	v19 =	vmul.f32 v24, v18  }
0x38c: {  	v63 =	vld [tilespmem:s26+$0x10800];
	[tilespmem:s6+$0x17800] =	vst v5  }
0x38d: {  	v2 =	vadd.f32 v19, v2;
	v23 =	vmul.f32 v23, v20;
	v9 =	vld.idx.msk [tilespmem:v61+s1+$0x0], $0xffff  }
0x38e: {  	v24 =	vor.u32 $0x1A, v1  }
0x38f: {  	v2 =	vadd.f32 v23, v2;
	v25 =	vmul.f32 v27, v21;
	_ =	sdelay $0x1  }
0x390: {  	v2 =	vadd.f32 v25, v2;
	v27 =	vmul.f32 v33, v22  }
0x391: {  	[tilespmem:s6+$0x17880] =	vst v9  }
0x392: {  	v2 =	vadd.f32 v27, v2;
	v32 =	vmul.f32 v32, v26;
	v33 =	vld.idx.msk [tilespmem:v24+s1+$0x0], $0xffff  }
0x393: {  	v44 =	vor.u32 $0x1B, v1  }
0x394: {  	v2 =	vadd.f32 v32, v2;
	v45 =	vmul.f32 v31, v28;
	_ =	sdelay $0x1  }
0x395: {  	v2 =	vadd.f32 v45, v2;
	v46 =	vmul.f32 v35, v29  }
0x396: {  	[tilespmem:s6+$0x17900] =	vst v33  }
0x397: {  	v2 =	vadd.f32 v46, v2;
	v47 =	vmul.f32 v40, v30;
	v12 =	vld.idx.msk [tilespmem:v44+s1+$0x0], $0xffff  }
0x398: {  	v48 =	vor.u32 $0x1C, v1  }
0x399: {  	v2 =	vadd.f32 v47, v2;
	v49 =	vmul.f32 v39, v34  }
0x39a: {  	v50 =	vld [tilespmem:s6+$0x13800]  }
0x39b: {  	s7 =	sor.u32 $0x3180, s7;
	v2 =	vadd.f32 v49, v2;
	v52 =	vmul.f32 v41, v36;
	v51 =	vld [tilespmem:s6+$0x13900]  }
0x39c: {  	v53 =	vld [tilespmem:s6+$0x13880];
	[tilespmem:s7+$0x14800] =	vst v12  }
0x39d: {  	v2 =	vadd.f32 v52, v2;
	v54 =	vmul.f32 v43, v37;
	v14 =	vld.idx.msk [tilespmem:v48+s1+$0x0], $0xffff  }
0x39e: {  	v55 =	vor.u32 $0x1D, v1  }
0x39f: {  	v3 =	vmul.f32 v3, v38;
	v2 =	vadd.f32 v54, v2;
	_ =	sdelay $0x1  }
0x3a0: {  	v2 =	vadd.f32 v3, v2;
	v3 =	vmul.f32 v57, v42  }
0x3a1: {  	v56 =	vld [tilespmem:s7+$0x10800];
	[tilespmem:s6+$0x17A00] =	vst v14  }
0x3a2: {  	v2 =	vadd.f32 v3, v2;
	v3 =	vmul.f32 v59, v7;
	v57 =	vld.idx.msk [tilespmem:v55+s1+$0x0], $0xffff  }
0x3a3: {  	v58 =	vor.u32 $0x1E, v1  }
0x3a4: {  	v2 =	vadd.f32 v3, v2;
	v3 =	vmul.f32 v63, v4;
	_ =	sdelay $0x1  }
0x3a5: {  	v2 =	vadd.f32 v3, v2;
	v3 =	vmul.f32 v50, v5  }
0x3a6: {  	[tilespmem:s6+$0x17A80] =	vst v57  }
0x3a7: {  	v2 =	vadd.f32 v3, v2;
	v3 =	vmul.f32 v53, v9;
	v59 =	vld.idx.msk [tilespmem:v58+s1+$0x0], $0xffff  }
0x3a8: {  	v1 =	vor.u32 $0x1F, v1;
	v60 =	vld [tilespmem:s6+$0x13A00]  }
0x3a9: {  	v2 =	vadd.f32 v3, v2;
	v3 =	vmul.f32 v51, v33  }
0x3aa: {  	v61 =	vld [tilespmem:s6+$0x13A80]  }
0x3ab: {  	v2 =	vadd.f32 v3, v2;
	v3 =	vmul.f32 v56, v12  }
0x3ac: {  	v62 =	vld [tilespmem:s6+$0x13B00];
	[tilespmem:s6+$0x17B00] =	vst v59  }
0x3ad: {  	s5 =	sor.u32 $0x3380, s5;
	v2 =	vadd.f32 v3, v2;
	v3 =	vmul.f32 v60, v14;
	v1 =	vld.idx.msk [tilespmem:v1+s1+$0x0], $0xffff  }
0x3ae: {  	v63 =	vld [tilespmem:s5+$0x10800]  }
0x3af: {  	v2 =	vadd.f32 v3, v2;
	v3 =	vmul.f32 v61, v57;
	_ =	sdelay $0x1  }
0x3b0: {  	v2 =	vadd.f32 v3, v2;
	v4 =	vmul.f32 v62, v59;
	_ =	sdelay $0x1  }
0x3b1: {  	v2 =	vadd.f32 v4, v2;
	v3 =	vmul.f32 v63, v1;
	_ =	sdelay $0x1  }
0x3b2: {  	v2 =	vadd.f32 v3, v2  }
0x3b3: {  	s29 =	sshra.s32 s24, $0x2;
	[tilespmem:s5+$0x14800] =	vst v1  }
0x3b4: {  	s30 =	simm.s32 $0x10800;
	[tilespmem:s29+$0x18800] =	vst v2  }
0x3b5: {  	[hbm4b:s13+s2] =	stream.linear.scatter [tilespmem:s30], [sflag:$0x2], $0x1000, $0x38;
	[tilespmem:$0x18A00] =	vst v63  }
0x3b6: {  	_ =	swait.ge [sflag:s23], $0x1000  }
0x3b7: {  	[sflag:s23] =	ssyncset.done $0x0  }
0x3b8: {  	s6 =	simm.s32 $0x14800;
	[sflag:s23] =	ssyncadd.s32 $0xFFFFF000  }
0x3b9: {  	[hbm4b:s14+s2] =	stream.linear.scatter [tilespmem:s6], [sflag:$0x2], $0x1000, $0x38;
	[tilespmem:$0x18A00] =	vst v63  }
0x3ba: {  	_ =	swait.ge [sflag:s23], $0x1000  }
0x3bb: {  	[sflag:s23] =	ssyncset.done $0x0  }
0x3bc: {  	s7 =	simm.s32 $0x11800;
	[sflag:s23] =	ssyncadd.s32 $0xFFFFF000  }
0x3bd: {  	[hbm4b:s15+s2] =	stream.linear.scatter [tilespmem:s7], [sflag:$0x2], $0x1000, $0x38;
	[tilespmem:$0x18A00] =	vst v63  }
0x3be: {  	_ =	swait.ge [sflag:s23], $0x1000  }
0x3bf: {  	[sflag:s23] =	ssyncset.done $0x0  }
0x3c0: {  	s8 =	simm.s32 $0x15800;
	[sflag:s23] =	ssyncadd.s32 $0xFFFFF000  }
0x3c1: {  	[hbm4b:s16+s2] =	stream.linear.scatter [tilespmem:s8], [sflag:$0x2], $0x1000, $0x38;
	[tilespmem:$0x18A00] =	vst v63  }
0x3c2: {  	_ =	swait.ge [sflag:s23], $0x1000  }
0x3c3: {  	[sflag:s23] =	ssyncset.done $0x0  }
0x3c4: {  	s9 =	simm.s32 $0x12800;
	[sflag:s23] =	ssyncadd.s32 $0xFFFFF000  }
0x3c5: {  	[hbm4b:s17+s2] =	stream.linear.scatter [tilespmem:s9], [sflag:$0x2], $0x1000, $0x38;
	[tilespmem:$0x18A00] =	vst v63  }
0x3c6: {  	_ =	swait.ge [sflag:s23], $0x1000  }
0x3c7: {  	[sflag:s23] =	ssyncset.done $0x0  }
0x3c8: {  	s24 =	simm.s32 $0x16800;
	[sflag:s23] =	ssyncadd.s32 $0xFFFFF000  }
0x3c9: {  	[hbm4b:s18+s2] =	stream.linear.scatter [tilespmem:s24], [sflag:$0x2], $0x1000, $0x38;
	[tilespmem:$0x18A00] =	vst v63  }
0x3ca: {  	_ =	swait.ge [sflag:s23], $0x1000  }
0x3cb: {  	[sflag:s23] =	ssyncset.done $0x0  }
0x3cc: {  	s26 =	simm.s32 $0x13800;
	[sflag:s23] =	ssyncadd.s32 $0xFFFFF000  }
0x3cd: {  	[hbm4b:s19+s2] =	stream.linear.scatter [tilespmem:s26], [sflag:$0x2], $0x1000, $0x38;
	[tilespmem:$0x18A00] =	vst v63  }
0x3ce: {  	_ =	swait.ge [sflag:s23], $0x1000  }
0x3cf: {  	[sflag:s23] =	ssyncset.done $0x0  }
0x3d0: {  	s29 =	simm.s32 $0x17800;
	[sflag:s23] =	ssyncadd.s32 $0xFFFFF000  }
0x3d1: {  	[hbm4b:s20+s2] =	stream.linear.scatter [tilespmem:s29], [sflag:$0x2], $0x1000, $0x38;
	[tilespmem:$0x18A00] =	vst v63  }
0x3d2: {  	s28 =	sadd.s32 $0x1, s28;
	_ =	swait.ge [sflag:s23], $0x1000  }
0x3d3: {  	p0 =	sne.s32 s28, s22;
	[sflag:s23] =	ssyncset.done $0x0  }
.Ltmp3:
0x3d4: {  	s30 =	simm.s32 $0x18800;
	[sflag:s23] =	ssyncadd.s32 $0xFFFFF000;
	(pc) =	sbr.rel @p0 .LBB2_1-.Ltmp3, $4  }
0x3d5: {  	[hbm4b:s21+s2] =	stream.linear.scatter [tilespmem:s30], [sflag:$0x2], $0x200, $0x38;
	[tilespmem:$0x18A00] =	vst v63  }
0x3d6: {  	_ =	swait.ge [sflag:s23], $0x200  }
0x3d7: {  	[sflag:s23] =	ssyncset.done $0x0  }
0x3d8: {  	s9 =	simm.s32 $0x4800;
	[sflag:s23] =	ssyncadd.s32 $0xFFFFFE00  }
0x3d9: {  	_ =	sfence.sel $0x180000  }
0x3da: {  	[bflag:$0x0] =	sbarrier.arrive $0xFFFF  }
0x3db: {  	_ =	strace $0x90000047  }
0x3dc: {  	s0 =	stileid.u32;
	[bflag:$0x2] =	sbarrier.arrive $0xFFFF  }
0x3dd: {  	p0 =	sne.s32 s0, $0x0;
	s0 =	rddreg [dreg:$0x6]  }
0x3de: {  	s0 =	sadd.s32 @!p0 $0x100000, s0  }
0x3df: {  	[sflag:s0] =	ssyncadd.tile.s32 @!p0 $0x1;
	_ =	shalt  }
.Lfunc_end2:
_tile_overlayer_lowered:
.L_overlay_start_2:
0x3e0: {  	(tag) =	ssettag $0x2  }
0x3e1: {  	s0 =	rddreg [dreg:$0x0];
	s2 =	stileid.u32  }
0x3e2: {  	s1 =	rddreg [dreg:$0x1];
	p0 =	sne.s32 s2, $0x0  }
0x3e3: {  	s3 =	rddreg [dreg:$0x2];
	[bflag:$0x3] =	sbarrier.arrive $0xFFFF;
	s2 =	simm.s32 @!p0 $0x1C02  }
0x3e4: {  	[timem:s3], [sflag:s2] =	dma.local @!p0 [hbm:s0], s1  }
0x3e5: {  	s0 =	simm.s32 @!p0 $0x2  }
0x3e6: {  	_ =	swait.ge @!p0 [sflag:s0], s1  }
0x3e7: {  	s1 =	ssub.s32 @!p0 $0x0, s1;
	[sflag:s0] =	ssyncset.done @!p0 $0x0  }
0x3e8: {  	[sflag:s0] =	ssyncadd.s32 @!p0 s1  }
0x3e9: {  	[bflag:$0x3] =	sbarrier.arrive $0xFFFF  }
0x3ea: {  	_ =	shalt  }

</sc_bundles>
